<compile_context>
chip_gen: v7x
topology: tpu7x:2x2x1
jax: 0.10.2.dev20260603
libtpu: 0.0.44.dev20260713+nightly
codegen_flags: <defaults>
</compile_context>

<pallas_src>
import jax
import jax.numpy as jnp
from jax import lax
from jax.experimental import pallas as pl
from jax.experimental.pallas import tpu as pltpu
from jax.experimental.pallas import tpu_sc as plsc

_B = 4096
_L = 20
_D = 64
_LANES = 16
_NC = 2
_NS = 16
_NW = _NC * _NS
_BPW = _B // _NW
_G = _BPW // _LANES
_L2 = 1e-05


def _sc_body(users_hbm, bundles_hbm, uf_hbm, bf_hbm,
             pred_hbm, part_hbm,
             uidx_v, bidx_v, idxt_v, urows_v, brows_v, pbuf_v, pvec_v,
             usem, bsem):
    cid = lax.axis_index("c")
    sid = lax.axis_index("s")
    wid = sid * _NC + cid
    base = wid * _BPW
    iota = lax.iota(jnp.int32, _LANES)
    skew = lax.shift_right_logical(iota, 1) * 8

    pltpu.sync_copy(users_hbm.at[pl.ds(base, _BPW)], uidx_v)
    pltpu.sync_copy(bundles_hbm.at[pl.ds(base * _L, _BPW * _L)], bidx_v)

    udma = pltpu.async_copy(uf_hbm.at[uidx_v], urows_v, usem)

    def tbody(l, carry):
        ls = jnp.full((_LANES,), l, jnp.int32)
        for g in range(_G):
            src = (iota + (g * _LANES)) * _L + ls
            idxt_v[pl.ds(l * _BPW + g * _LANES, _LANES)] = (
                plsc.load_gather(bidx_v, [src]))
        return carry
    lax.fori_loop(0, _L, tbody, jnp.int32(0))

    pltpu.async_copy(
        bf_hbm.at[idxt_v.at[pl.ds(0, _BPW)]],
        brows_v.at[pl.ds(0, _BPW)], bsem.at[0])

    udma.wait()

    def ubody(g, usq):
        rows = iota + (g * _LANES)
        u0 = jnp.zeros((_LANES,), jnp.float32)
        u1 = jnp.zeros((_LANES,), jnp.float32)
        for j in range(0, _D, 2):
            c0 = lax.bitwise_and(skew + j, _D - 1)
            c1 = lax.bitwise_and(skew + (j + 1), _D - 1)
            v0 = plsc.load_gather(urows_v, [rows, c0])
            v1 = plsc.load_gather(urows_v, [rows, c1])
            u0 = u0 + v0 * v0
            u1 = u1 + v1 * v1
        return usq + u0 + u1
    usq = lax.fori_loop(0, _G, ubody, jnp.zeros((_LANES,), jnp.float32))

    def body(l, bsq):
        cur = lax.rem(l, 2)
        nxt = 1 - cur

        @pl.when(l + 1 < _L)
        def _prefetch():
            pltpu.async_copy(
                bf_hbm.at[idxt_v.at[pl.ds((l + 1) * _BPW, _BPW)]],
                brows_v.at[pl.ds(nxt * _BPW, _BPW)], bsem.at[nxt])

        pltpu.make_async_copy(
            bf_hbm.at[idxt_v.at[pl.ds(l * _BPW, _BPW)]],
            brows_v.at[pl.ds(cur * _BPW, _BPW)], bsem.at[cur]).wait()

        ls = jnp.full((_LANES,), l, jnp.int32)
        roff = cur * _BPW

        def gbody(g, bsq):
            rows = iota + (g * _LANES)
            brows = rows + roff
            a0 = jnp.zeros((_LANES,), jnp.float32)
            a1 = jnp.zeros((_LANES,), jnp.float32)
            b0 = jnp.zeros((_LANES,), jnp.float32)
            b1 = jnp.zeros((_LANES,), jnp.float32)
            for j in range(0, _D, 2):
                c0 = lax.bitwise_and(skew + j, _D - 1)
                c1 = lax.bitwise_and(skew + (j + 1), _D - 1)
                uv0 = plsc.load_gather(urows_v, [rows, c0])
                bv0 = plsc.load_gather(brows_v, [brows, c0])
                uv1 = plsc.load_gather(urows_v, [rows, c1])
                bv1 = plsc.load_gather(brows_v, [brows, c1])
                a0 = a0 + uv0 * bv0
                b0 = b0 + bv0 * bv0
                a1 = a1 + uv1 * bv1
                b1 = b1 + bv1 * bv1
            plsc.store_scatter(pbuf_v, [rows * _L + ls], a0 + a1)
            return bsq + (b0 + b1)
        return lax.fori_loop(0, _G, gbody, bsq)
    bsq = lax.fori_loop(0, _L, body, jnp.zeros((_LANES,), jnp.float32))

    pltpu.sync_copy(pbuf_v, pred_hbm.at[pl.ds(base * _L, _BPW * _L)])

    pvec_v[...] = jnp.float32(_L) * usq + bsq
    pltpu.sync_copy(pvec_v, part_hbm.at[pl.ds(wid * _LANES, _LANES)])


_sc_kernel = pl.kernel(
    _sc_body,
    out_type=[
        jax.ShapeDtypeStruct((_B * _L,), jnp.float32),
        jax.ShapeDtypeStruct((_NW * _LANES,), jnp.float32),
    ],
    mesh=plsc.VectorSubcoreMesh(core_axis_name="c", subcore_axis_name="s"),
    compiler_params=pltpu.CompilerParams(
        needs_layout_passes=False, use_tc_tiling_on_sc=False),
    scratch_types=[
        pltpu.VMEM((_BPW,), jnp.int32),
        pltpu.VMEM((_BPW * _L,), jnp.int32),
        pltpu.VMEM((_L * _BPW,), jnp.int32),
        pltpu.VMEM((_BPW, _D), jnp.float32),
        pltpu.VMEM((2 * _BPW, _D), jnp.float32),
        pltpu.VMEM((_BPW * _L,), jnp.float32),
        pltpu.VMEM((_LANES,), jnp.float32),
        pltpu.SemaphoreType.DMA,
        pltpu.SemaphoreType.DMA((2,)),
    ],
)


@jax.jit
def kernel(users, bundles, users_feature, bundles_feature):
    pred_flat, parts = _sc_kernel(
        users.reshape(_B), bundles.reshape(_B * _L),
        users_feature, bundles_feature)
    pred = pred_flat.reshape(_B, _L)
    loss = jnp.float32(_L2) * jnp.sum(parts)
    return (pred, loss)

# --- scband reference (transcript-rebuilt; emitter-appended) ---
"""Pipeline reference for scband-model-14886356648757 (READ-ONLY COPY).

The authoritative reference and input builder live on the scoring server;
editing this copy changes nothing except your own understanding.
"""

import jax, jax.numpy as jnp
import numpy as np

NUM_USERS = 100000
NUM_BUNDLES = 100000
EMBED_DIM = 64
EMBED_L2_NORM = 1e-05
BATCH = 4096
NEG_PLUS_POS = 20


def setup_inputs(seed: int = 0) -> dict:
    key = jax.random.key(seed)
    k1, k2, k3, k4 = jax.random.split(key, 4)
    users = jax.random.randint(k1, (BATCH, 1), 0, NUM_USERS, dtype=jnp.int64 if jax.config.jax_enable_x64 else jnp.int32).astype(jnp.int32)
    bundles = jax.random.randint(k2, (BATCH, NEG_PLUS_POS), 0, NUM_BUNDLES, dtype=jnp.int64 if jax.config.jax_enable_x64 else jnp.int32).astype(jnp.int32)
    # xavier_normal-ish init for the learned embedding tables
    std_u = float(np.sqrt(2.0 / (NUM_USERS + EMBED_DIM)))
    std_b = float(np.sqrt(2.0 / (NUM_BUNDLES + EMBED_DIM)))
    users_feature = jax.random.normal(k3, (NUM_USERS, EMBED_DIM), dtype=jnp.float32) * std_u
    bundles_feature = jax.random.normal(k4, (NUM_BUNDLES, EMBED_DIM), dtype=jnp.float32) * std_b
    return {"users": users, "bundles": bundles, "users_feature": users_feature, "bundles_feature": bundles_feature}


def reference(users, bundles, users_feature, bundles_feature):
    # propagate(): identity MF propagation -> raw embedding tables
    uf, bf = users_feature, bundles_feature
    # embedding gathers
    bundles_embedding = jnp.take(bf, bundles, axis=0)              # [B, L, D]
    users_embedding = jnp.take(uf, users, axis=0)                  # [B, 1, D]
    users_embedding = jnp.broadcast_to(users_embedding, bundles_embedding.shape)  # expand(-1, L, -1)
    # predict(): MF inner-product scores
    pred = jnp.sum(users_embedding * bundles_embedding, axis=-1)   # [B, L]
    # regularize(): L2 on gathered embeddings
    loss = EMBED_L2_NORM * (jnp.sum(users_embedding ** 2) + jnp.sum(bundles_embedding ** 2))
    return (pred, loss)

if __name__ == "__main__":
    import jax
    _d = setup_inputs()
    print(jax.jit(kernel)(*tuple(_d.values())))

</pallas_src>

<mosaic_0001>
#map = affine_map<(d0, d1) -> (0)>
#map1 = affine_map<(d0, d1) -> (0, 0)>
module attributes {stable_mosaic.version = 14 : i64} {
  func.func @_sc_body(%arg0: i32, %arg1: i32, %arg2: memref<4096xi32, #tpu.memory_space<hbm>>, %arg3: memref<81920xi32, #tpu.memory_space<hbm>>, %arg4: memref<100000x64xf32, #tpu.memory_space<hbm>>, %arg5: memref<100000x64xf32, #tpu.memory_space<hbm>>, %arg6: memref<81920xf32, #tpu.memory_space<hbm>>, %arg7: memref<512xf32, #tpu.memory_space<hbm>>, %arg8: memref<128xi32, #tpu.memory_space<vmem>>, %arg9: memref<2560xi32, #tpu.memory_space<vmem>>, %arg10: memref<2560xi32, #tpu.memory_space<vmem>>, %arg11: memref<128x64xf32, #tpu.memory_space<vmem>>, %arg12: memref<256x64xf32, #tpu.memory_space<vmem>>, %arg13: memref<2560xf32, #tpu.memory_space<vmem>>, %arg14: memref<16xf32, #tpu.memory_space<vmem>>, %arg15: memref<!tpu.dma_semaphore, #tpu.memory_space<semaphore_mem>>, %arg16: memref<2x!tpu.dma_semaphore, #tpu.memory_space<semaphore_mem>>) attributes {dimension_semantics = [#tpu.dimension_semantics<core_parallel>, #tpu.dimension_semantics<subcore_parallel>], iteration_bounds = array<i64: 2, 16>, scalar_prefetch = 0 : i64, scratch_operands = 9 : i64, tpu.core_type = #tpu.core_type<sc_vector_subcore>, window_params = [{transform_indices = #map}, {transform_indices = #map}, {transform_indices = #map1}, {transform_indices = #map1}, {transform_indices = #map}, {transform_indices = #map}]} {
    %mul3A = arith.constant 2 : i32
    %mul3A_0 = arith.muli %arg1, %mul3A : i32
    %add3A = arith.addi %mul3A_0, %arg0 : i32
    %mul3A_1 = arith.constant 128 : i32
    %mul3A_2 = arith.muli %add3A, %mul3A_1 : i32
    %iota3A = tpu.iota {dimensions = array<i32: 0>} : vector<16xi32>
    %shift_right_logical3A = arith.constant 1 : i32
    %shift_right_logical3A_3 = vector.broadcast %shift_right_logical3A : i32 to vector<16xi32>
    %shift_right_logical3A_4 = arith.shrui %iota3A, %shift_right_logical3A_3 : vector<16xi32>
    %mul3A_5 = arith.constant 8 : i32
    %mul3A_6 = vector.broadcast %mul3A_5 : i32 to vector<16xi32>
    %mul3A_7 = arith.muli %shift_right_logical3A_4, %mul3A_6 : vector<16xi32>
    "tpu.region"() ({
      %run_scoped3A = tpu.sem_alloc : memref<!tpu.dma_semaphore, #tpu.memory_space<semaphore_mem>>
      %dma_start3A_54 = tpu.memref_slice %arg2[%mul3A_2] : memref<4096xi32, #tpu.memory_space<hbm>> -> memref<128xi32, #tpu.memory_space<hbm>>
      %dma_start3A_55 = tpu.memref_slice %arg2[%mul3A_2] : memref<4096xi32, #tpu.memory_space<hbm>> -> memref<128xi32, #tpu.memory_space<hbm>>
      tpu.enqueue_dma source(%dma_start3A_55 : memref<128xi32, #tpu.memory_space<hbm>>) target(%arg8 : memref<128xi32, #tpu.memory_space<vmem>>) target_semaphore(%run_scoped3A : memref<!tpu.dma_semaphore, #tpu.memory_space<semaphore_mem>>)
      %dma_wait3A_56 = tpu.memref_slice %arg2[%mul3A_2] : memref<4096xi32, #tpu.memory_space<hbm>> -> memref<128xi32, #tpu.memory_space<hbm>>
      %dma_wait3A_57 = tpu.memref_slice %arg2[%mul3A_2] : memref<4096xi32, #tpu.memory_space<hbm>> -> memref<128xi32, #tpu.memory_space<hbm>>
      tpu.wait_dma2 semaphore(%run_scoped3A : memref<!tpu.dma_semaphore, #tpu.memory_space<semaphore_mem>>) src(%dma_wait3A_57 : memref<128xi32, #tpu.memory_space<hbm>>) dst(%arg8 : memref<128xi32, #tpu.memory_space<vmem>>)
      tpu.yield
    }) : () -> ()
    %mul3A_8 = arith.constant 20 : i32
    %mul3A_9 = arith.muli %mul3A_2, %mul3A_8 : i32
    "tpu.region"() ({
      %run_scoped3A = tpu.sem_alloc : memref<!tpu.dma_semaphore, #tpu.memory_space<semaphore_mem>>
      %dma_start3A_54 = tpu.memref_slice %arg3[%mul3A_9] : memref<81920xi32, #tpu.memory_space<hbm>> -> memref<2560xi32, #tpu.memory_space<hbm>>
      %dma_start3A_55 = tpu.memref_slice %arg3[%mul3A_9] : memref<81920xi32, #tpu.memory_space<hbm>> -> memref<2560xi32, #tpu.memory_space<hbm>>
      tpu.enqueue_dma source(%dma_start3A_55 : memref<2560xi32, #tpu.memory_space<hbm>>) target(%arg9 : memref<2560xi32, #tpu.memory_space<vmem>>) target_semaphore(%run_scoped3A : memref<!tpu.dma_semaphore, #tpu.memory_space<semaphore_mem>>)
      %dma_wait3A_56 = tpu.memref_slice %arg3[%mul3A_9] : memref<81920xi32, #tpu.memory_space<hbm>> -> memref<2560xi32, #tpu.memory_space<hbm>>
      %dma_wait3A_57 = tpu.memref_slice %arg3[%mul3A_9] : memref<81920xi32, #tpu.memory_space<hbm>> -> memref<2560xi32, #tpu.memory_space<hbm>>
      tpu.wait_dma2 semaphore(%run_scoped3A : memref<!tpu.dma_semaphore, #tpu.memory_space<semaphore_mem>>) src(%dma_wait3A_57 : memref<2560xi32, #tpu.memory_space<hbm>>) dst(%arg9 : memref<2560xi32, #tpu.memory_space<vmem>>)
      tpu.yield
    }) : () -> ()
    %dma_start3A = arith.constant 0 : i32
    %dma_start3A_10 = arith.constant 0 : i32
    %dma_start3A_11 = tpu.memref_slice %arg4[%dma_start3A, %dma_start3A_10] : memref<100000x64xf32, #tpu.memory_space<hbm>> -> memref<100000x64xf32, #tpu.memory_space<hbm>>
    tpu.enqueue_indirect_dma source(%dma_start3A_11 : memref<100000x64xf32, #tpu.memory_space<hbm>>) target(%arg11 : memref<128x64xf32, #tpu.memory_space<vmem>>) offsets(%arg8 : memref<128xi32, #tpu.memory_space<vmem>>) semaphore(%arg15 : memref<!tpu.dma_semaphore, #tpu.memory_space<semaphore_mem>>)
    %scan3A = arith.constant 0 : i32
    %scan3A_12 = arith.constant 0 : i32
    %scan3A_13 = arith.constant 20 : i32
    %scan3A_14 = arith.addi %scan3A_12, %scan3A_13 : i32
    %scan3A_15 = arith.constant 1 : i32
    scf.for %scan3A_54 = %scan3A_12 to %scan3A_14 step %scan3A_15  : i32 {
      %broadcast_in_dim3A_55 = vector.broadcast %scan3A_54 : i32 to vector<16xi32>
      %add3A_56 = arith.constant 0 : i32
      %add3A_57 = vector.broadcast %add3A_56 : i32 to vector<16xi32>
      %add3A_58 = arith.addi %iota3A, %add3A_57 : vector<16xi32>
      %mul3A_59 = arith.constant 20 : i32
      %mul3A_60 = vector.broadcast %mul3A_59 : i32 to vector<16xi32>
      %mul3A_61 = arith.muli %add3A_58, %mul3A_60 : vector<16xi32>
      %add3A_62 = arith.addi %mul3A_61, %broadcast_in_dim3A_55 : vector<16xi32>
      %gather3A = tpu.vector_load_idx %arg9[%add3A_62] : memref<2560xi32, #tpu.memory_space<vmem>>[vector<16xi32>], vector<16xi32>,
      %mul3A_63 = arith.constant 128 : i32
      %mul3A_64 = arith.muli %scan3A_54, %mul3A_63 : i32
      %add3A_65 = arith.constant 0 : i32
      %add3A_66 = arith.addi %mul3A_64, %add3A_65 : i32
      %swap3A_67 = arith.index_cast %add3A_66 : i32 to index
      %swap3A_68 = tpu.vector_load %arg10[%swap3A_67] {strides = array<i32>} : memref<2560xi32, #tpu.memory_space<vmem>>, vector<16xi32>,
      tpu.vector_store %arg10[%swap3A_67], %gather3A {strides = array<i32>} : memref<2560xi32, #tpu.memory_space<vmem>>, vector<16xi32>,
      %add3A_69 = arith.constant 16 : i32
      %add3A_70 = vector.broadcast %add3A_69 : i32 to vector<16xi32>
      %add3A_71 = arith.addi %iota3A, %add3A_70 : vector<16xi32>
      %mul3A_72 = arith.constant 20 : i32
      %mul3A_73 = vector.broadcast %mul3A_72 : i32 to vector<16xi32>
      %mul3A_74 = arith.muli %add3A_71, %mul3A_73 : vector<16xi32>
      %add3A_75 = arith.addi %mul3A_74, %broadcast_in_dim3A_55 : vector<16xi32>
      %gather3A_76 = tpu.vector_load_idx %arg9[%add3A_75] : memref<2560xi32, #tpu.memory_space<vmem>>[vector<16xi32>], vector<16xi32>,
      %mul3A_77 = arith.constant 128 : i32
      %mul3A_78 = arith.muli %scan3A_54, %mul3A_77 : i32
      %add3A_79 = arith.constant 16 : i32
      %add3A_80 = arith.addi %mul3A_78, %add3A_79 : i32
      %swap3A_81 = arith.index_cast %add3A_80 : i32 to index
      %swap3A_82 = tpu.vector_load %arg10[%swap3A_81] {strides = array<i32>} : memref<2560xi32, #tpu.memory_space<vmem>>, vector<16xi32>,
      tpu.vector_store %arg10[%swap3A_81], %gather3A_76 {strides = array<i32>} : memref<2560xi32, #tpu.memory_space<vmem>>, vector<16xi32>,
      %add3A_83 = arith.constant 32 : i32
      %add3A_84 = vector.broadcast %add3A_83 : i32 to vector<16xi32>
      %add3A_85 = arith.addi %iota3A, %add3A_84 : vector<16xi32>
      %mul3A_86 = arith.constant 20 : i32
      %mul3A_87 = vector.broadcast %mul3A_86 : i32 to vector<16xi32>
      %mul3A_88 = arith.muli %add3A_85, %mul3A_87 : vector<16xi32>
      %add3A_89 = arith.addi %mul3A_88, %broadcast_in_dim3A_55 : vector<16xi32>
      %gather3A_90 = tpu.vector_load_idx %arg9[%add3A_89] : memref<2560xi32, #tpu.memory_space<vmem>>[vector<16xi32>], vector<16xi32>,
      %mul3A_91 = arith.constant 128 : i32
      %mul3A_92 = arith.muli %scan3A_54, %mul3A_91 : i32
      %add3A_93 = arith.constant 32 : i32
      %add3A_94 = arith.addi %mul3A_92, %add3A_93 : i32
      %swap3A_95 = arith.index_cast %add3A_94 : i32 to index
      %swap3A_96 = tpu.vector_load %arg10[%swap3A_95] {strides = array<i32>} : memref<2560xi32, #tpu.memory_space<vmem>>, vector<16xi32>,
      tpu.vector_store %arg10[%swap3A_95], %gather3A_90 {strides = array<i32>} : memref<2560xi32, #tpu.memory_space<vmem>>, vector<16xi32>,
      %add3A_97 = arith.constant 48 : i32
      %add3A_98 = vector.broadcast %add3A_97 : i32 to vector<16xi32>
      %add3A_99 = arith.addi %iota3A, %add3A_98 : vector<16xi32>
      %mul3A_100 = arith.constant 20 : i32
      %mul3A_101 = vector.broadcast %mul3A_100 : i32 to vector<16xi32>
      %mul3A_102 = arith.muli %add3A_99, %mul3A_101 : vector<16xi32>
      %add3A_103 = arith.addi %mul3A_102, %broadcast_in_dim3A_55 : vector<16xi32>
      %gather3A_104 = tpu.vector_load_idx %arg9[%add3A_103] : memref<2560xi32, #tpu.memory_space<vmem>>[vector<16xi32>], vector<16xi32>,
      %mul3A_105 = arith.constant 128 : i32
      %mul3A_106 = arith.muli %scan3A_54, %mul3A_105 : i32
      %add3A_107 = arith.constant 48 : i32
      %add3A_108 = arith.addi %mul3A_106, %add3A_107 : i32
      %swap3A_109 = arith.index_cast %add3A_108 : i32 to index
      %swap3A_110 = tpu.vector_load %arg10[%swap3A_109] {strides = array<i32>} : memref<2560xi32, #tpu.memory_space<vmem>>, vector<16xi32>,
      tpu.vector_store %arg10[%swap3A_109], %gather3A_104 {strides = array<i32>} : memref<2560xi32, #tpu.memory_space<vmem>>, vector<16xi32>,
      %add3A_111 = arith.constant 64 : i32
      %add3A_112 = vector.broadcast %add3A_111 : i32 to vector<16xi32>
      %add3A_113 = arith.addi %iota3A, %add3A_112 : vector<16xi32>
      %mul3A_114 = arith.constant 20 : i32
      %mul3A_115 = vector.broadcast %mul3A_114 : i32 to vector<16xi32>
      %mul3A_116 = arith.muli %add3A_113, %mul3A_115 : vector<16xi32>
      %add3A_117 = arith.addi %mul3A_116, %broadcast_in_dim3A_55 : vector<16xi32>
      %gather3A_118 = tpu.vector_load_idx %arg9[%add3A_117] : memref<2560xi32, #tpu.memory_space<vmem>>[vector<16xi32>], vector<16xi32>,
      %mul3A_119 = arith.constant 128 : i32
      %mul3A_120 = arith.muli %scan3A_54, %mul3A_119 : i32
      %add3A_121 = arith.constant 64 : i32
      %add3A_122 = arith.addi %mul3A_120, %add3A_121 : i32
      %swap3A_123 = arith.index_cast %add3A_122 : i32 to index
      %swap3A_124 = tpu.vector_load %arg10[%swap3A_123] {strides = array<i32>} : memref<2560xi32, #tpu.memory_space<vmem>>, vector<16xi32>,
      tpu.vector_store %arg10[%swap3A_123], %gather3A_118 {strides = array<i32>} : memref<2560xi32, #tpu.memory_space<vmem>>, vector<16xi32>,
      %add3A_125 = arith.constant 80 : i32
      %add3A_126 = vector.broadcast %add3A_125 : i32 to vector<16xi32>
      %add3A_127 = arith.addi %iota3A, %add3A_126 : vector<16xi32>
      %mul3A_128 = arith.constant 20 : i32
      %mul3A_129 = vector.broadcast %mul3A_128 : i32 to vector<16xi32>
      %mul3A_130 = arith.muli %add3A_127, %mul3A_129 : vector<16xi32>
      %add3A_131 = arith.addi %mul3A_130, %broadcast_in_dim3A_55 : vector<16xi32>
      %gather3A_132 = tpu.vector_load_idx %arg9[%add3A_131] : memref<2560xi32, #tpu.memory_space<vmem>>[vector<16xi32>], vector<16xi32>,
      %mul3A_133 = arith.constant 128 : i32
      %mul3A_134 = arith.muli %scan3A_54, %mul3A_133 : i32
      %add3A_135 = arith.constant 80 : i32
      %add3A_136 = arith.addi %mul3A_134, %add3A_135 : i32
      %swap3A_137 = arith.index_cast %add3A_136 : i32 to index
      %swap3A_138 = tpu.vector_load %arg10[%swap3A_137] {strides = array<i32>} : memref<2560xi32, #tpu.memory_space<vmem>>, vector<16xi32>,
      tpu.vector_store %arg10[%swap3A_137], %gather3A_132 {strides = array<i32>} : memref<2560xi32, #tpu.memory_space<vmem>>, vector<16xi32>,
      %add3A_139 = arith.constant 96 : i32
      %add3A_140 = vector.broadcast %add3A_139 : i32 to vector<16xi32>
      %add3A_141 = arith.addi %iota3A, %add3A_140 : vector<16xi32>
      %mul3A_142 = arith.constant 20 : i32
      %mul3A_143 = vector.broadcast %mul3A_142 : i32 to vector<16xi32>
      %mul3A_144 = arith.muli %add3A_141, %mul3A_143 : vector<16xi32>
      %add3A_145 = arith.addi %mul3A_144, %broadcast_in_dim3A_55 : vector<16xi32>
      %gather3A_146 = tpu.vector_load_idx %arg9[%add3A_145] : memref<2560xi32, #tpu.memory_space<vmem>>[vector<16xi32>], vector<16xi32>,
      %mul3A_147 = arith.constant 128 : i32
      %mul3A_148 = arith.muli %scan3A_54, %mul3A_147 : i32
      %add3A_149 = arith.constant 96 : i32
      %add3A_150 = arith.addi %mul3A_148, %add3A_149 : i32
      %swap3A_151 = arith.index_cast %add3A_150 : i32 to index
      %swap3A_152 = tpu.vector_load %arg10[%swap3A_151] {strides = array<i32>} : memref<2560xi32, #tpu.memory_space<vmem>>, vector<16xi32>,
      tpu.vector_store %arg10[%swap3A_151], %gather3A_146 {strides = array<i32>} : memref<2560xi32, #tpu.memory_space<vmem>>, vector<16xi32>,
      %add3A_153 = arith.constant 112 : i32
      %add3A_154 = vector.broadcast %add3A_153 : i32 to vector<16xi32>
      %add3A_155 = arith.addi %iota3A, %add3A_154 : vector<16xi32>
      %mul3A_156 = arith.constant 20 : i32
      %mul3A_157 = vector.broadcast %mul3A_156 : i32 to vector<16xi32>
      %mul3A_158 = arith.muli %add3A_155, %mul3A_157 : vector<16xi32>
      %add3A_159 = arith.addi %mul3A_158, %broadcast_in_dim3A_55 : vector<16xi32>
      %gather3A_160 = tpu.vector_load_idx %arg9[%add3A_159] : memref<2560xi32, #tpu.memory_space<vmem>>[vector<16xi32>], vector<16xi32>,
      %mul3A_161 = arith.constant 128 : i32
      %mul3A_162 = arith.muli %scan3A_54, %mul3A_161 : i32
      %add3A_163 = arith.constant 112 : i32
      %add3A_164 = arith.addi %mul3A_162, %add3A_163 : i32
      %swap3A_165 = arith.index_cast %add3A_164 : i32 to index
      %swap3A_166 = tpu.vector_load %arg10[%swap3A_165] {strides = array<i32>} : memref<2560xi32, #tpu.memory_space<vmem>>, vector<16xi32>,
      tpu.vector_store %arg10[%swap3A_165], %gather3A_160 {strides = array<i32>} : memref<2560xi32, #tpu.memory_space<vmem>>, vector<16xi32>,
    }
    %scan3A_16 = arith.constant 20 : i32
    %dma_start3A_17 = arith.constant 0 : i32
    %dma_start3A_18 = arith.constant 0 : i32
    %dma_start3A_19 = arith.constant 0 : i32
    %dma_start3A_20 = tpu.memref_slice %arg12[%dma_start3A_18, %dma_start3A_19] : memref<256x64xf32, #tpu.memory_space<vmem>> -> memref<128x64xf32, #tpu.memory_space<vmem>>
    %dma_start3A_21 = arith.constant 0 : i32
    %dma_start3A_22 = tpu.memref_slice %arg10[%dma_start3A_21] : memref<2560xi32, #tpu.memory_space<vmem>> -> memref<128xi32, #tpu.memory_space<vmem>>
    %dma_start3A_23 = arith.constant 0 : i32
    %dma_start3A_24 = arith.constant 0 : i32
    %dma_start3A_25 = tpu.memref_slice %arg5[%dma_start3A_23, %dma_start3A_24] : memref<100000x64xf32, #tpu.memory_space<hbm>> -> memref<100000x64xf32, #tpu.memory_space<hbm>>
    %dma_start3A_26 = tpu.memref_slice %arg16[%dma_start3A_17] : memref<2x!tpu.dma_semaphore, #tpu.memory_space<semaphore_mem>> -> memref<1x!tpu.dma_semaphore, #tpu.memory_space<semaphore_mem>>
    %dma_start3A_27 = tpu.memref_squeeze %dma_start3A_26 : memref<1x!tpu.dma_semaphore, #tpu.memory_space<semaphore_mem>> -> memref<!tpu.dma_semaphore, #tpu.memory_space<semaphore_mem>>
    tpu.enqueue_indirect_dma source(%dma_start3A_25 : memref<100000x64xf32, #tpu.memory_space<hbm>>) target(%dma_start3A_20 : memref<128x64xf32, #tpu.memory_space<vmem>>) offsets(%dma_start3A_22 : memref<128xi32, #tpu.memory_space<vmem>>) semaphore(%dma_start3A_27 : memref<!tpu.dma_semaphore, #tpu.memory_space<semaphore_mem>>)
    %dma_wait3A = arith.constant 0 : i32
    %dma_wait3A_28 = arith.constant 0 : i32
    %dma_wait3A_29 = tpu.memref_slice %arg4[%dma_wait3A, %dma_wait3A_28] : memref<100000x64xf32, #tpu.memory_space<hbm>> -> memref<100000x64xf32, #tpu.memory_space<hbm>>
    tpu.wait_indirect_dma semaphore(%arg15 : memref<!tpu.dma_semaphore, #tpu.memory_space<semaphore_mem>>) src(%dma_wait3A_29 : memref<100000x64xf32, #tpu.memory_space<hbm>>) dst(%arg11 : memref<128x64xf32, #tpu.memory_space<vmem>>)
    %broadcast_in_dim3A = arith.constant 0.000000e+00 : f32
    %broadcast_in_dim3A_30 = vector.broadcast %broadcast_in_dim3A : f32 to vector<16xf32>
    %scan3A_31 = arith.constant 0 : i32
    %scan3A_32 = arith.constant 8 : i32
    %scan3A_33 = arith.addi %scan3A_31, %scan3A_32 : i32
    %scan3A_34 = arith.constant 1 : i32
    %scan3A_35 = scf.for %scan3A_54 = %scan3A_31 to %scan3A_33 step %scan3A_34 iter_args(%scan3A_55 = %broadcast_in_dim3A_30) -> (vector<16xf32>)  : i32 {
      %mul3A_56 = arith.constant 16 : i32
      %mul3A_57 = arith.muli %scan3A_54, %mul3A_56 : i32
      %add3A_58 = vector.broadcast %mul3A_57 : i32 to vector<16xi32>
      %add3A_59 = arith.addi %iota3A, %add3A_58 : vector<16xi32>
      %broadcast_in_dim3A_60 = arith.constant 0.000000e+00 : f32
      %broadcast_in_dim3A_61 = vector.broadcast %broadcast_in_dim3A_60 : f32 to vector<16xf32>
      %broadcast_in_dim3A_62 = arith.constant 0.000000e+00 : f32
      %broadcast_in_dim3A_63 = vector.broadcast %broadcast_in_dim3A_62 : f32 to vector<16xf32>
      %add3A_64 = arith.constant 0 : i32
      %add3A_65 = vector.broadcast %add3A_64 : i32 to vector<16xi32>
      %add3A_66 = arith.addi %mul3A_7, %add3A_65 : vector<16xi32>
      %and3A = arith.constant 63 : i32
      %and3A_67 = vector.broadcast %and3A : i32 to vector<16xi32>
      %and3A_68 = arith.andi %add3A_66, %and3A_67 : vector<16xi32>
      %add3A_69 = arith.constant 1 : i32
      %add3A_70 = vector.broadcast %add3A_69 : i32 to vector<16xi32>
      %add3A_71 = arith.addi %mul3A_7, %add3A_70 : vector<16xi32>
      %and3A_72 = arith.constant 63 : i32
      %and3A_73 = vector.broadcast %and3A_72 : i32 to vector<16xi32>
      %and3A_74 = arith.andi %add3A_71, %and3A_73 : vector<16xi32>
      %gather3A = tpu.vector_load_idx %arg11[%add3A_59, %and3A_68] : memref<128x64xf32, #tpu.memory_space<vmem>>[vector<16xi32>, vector<16xi32>], vector<16xf32>,
      %gather3A_75 = tpu.vector_load_idx %arg11[%add3A_59, %and3A_74] : memref<128x64xf32, #tpu.memory_space<vmem>>[vector<16xi32>, vector<16xi32>], vector<16xf32>,
      %mul3A_76 = arith.mulf %gather3A, %gather3A : vector<16xf32>
      %add3A_77 = arith.addf %broadcast_in_dim3A_61, %mul3A_76 : vector<16xf32>
      %mul3A_78 = arith.mulf %gather3A_75, %gather3A_75 : vector<16xf32>
      %add3A_79 = arith.addf %broadcast_in_dim3A_63, %mul3A_78 : vector<16xf32>
      %add3A_80 = arith.constant 2 : i32
      %add3A_81 = vector.broadcast %add3A_80 : i32 to vector<16xi32>
      %add3A_82 = arith.addi %mul3A_7, %add3A_81 : vector<16xi32>
      %and3A_83 = arith.constant 63 : i32
      %and3A_84 = vector.broadcast %and3A_83 : i32 to vector<16xi32>
      %and3A_85 = arith.andi %add3A_82, %and3A_84 : vector<16xi32>
      %add3A_86 = arith.constant 3 : i32
      %add3A_87 = vector.broadcast %add3A_86 : i32 to vector<16xi32>
      %add3A_88 = arith.addi %mul3A_7, %add3A_87 : vector<16xi32>
      %and3A_89 = arith.constant 63 : i32
      %and3A_90 = vector.broadcast %and3A_89 : i32 to vector<16xi32>
      %and3A_91 = arith.andi %add3A_88, %and3A_90 : vector<16xi32>
      %gather3A_92 = tpu.vector_load_idx %arg11[%add3A_59, %and3A_85] : memref<128x64xf32, #tpu.memory_space<vmem>>[vector<16xi32>, vector<16xi32>], vector<16xf32>,
      %gather3A_93 = tpu.vector_load_idx %arg11[%add3A_59, %and3A_91] : memref<128x64xf32, #tpu.memory_space<vmem>>[vector<16xi32>, vector<16xi32>], vector<16xf32>,
      %mul3A_94 = arith.mulf %gather3A_92, %gather3A_92 : vector<16xf32>
      %add3A_95 = arith.addf %add3A_77, %mul3A_94 : vector<16xf32>
      %mul3A_96 = arith.mulf %gather3A_93, %gather3A_93 : vector<16xf32>
      %add3A_97 = arith.addf %add3A_79, %mul3A_96 : vector<16xf32>
      %add3A_98 = arith.constant 4 : i32
      %add3A_99 = vector.broadcast %add3A_98 : i32 to vector<16xi32>
      %add3A_100 = arith.addi %mul3A_7, %add3A_99 : vector<16xi32>
      %and3A_101 = arith.constant 63 : i32
      %and3A_102 = vector.broadcast %and3A_101 : i32 to vector<16xi32>
      %and3A_103 = arith.andi %add3A_100, %and3A_102 : vector<16xi32>
      %add3A_104 = arith.constant 5 : i32
      %add3A_105 = vector.broadcast %add3A_104 : i32 to vector<16xi32>
      %add3A_106 = arith.addi %mul3A_7, %add3A_105 : vector<16xi32>
      %and3A_107 = arith.constant 63 : i32
      %and3A_108 = vector.broadcast %and3A_107 : i32 to vector<16xi32>
      %and3A_109 = arith.andi %add3A_106, %and3A_108 : vector<16xi32>
      %gather3A_110 = tpu.vector_load_idx %arg11[%add3A_59, %and3A_103] : memref<128x64xf32, #tpu.memory_space<vmem>>[vector<16xi32>, vector<16xi32>], vector<16xf32>,
      %gather3A_111 = tpu.vector_load_idx %arg11[%add3A_59, %and3A_109] : memref<128x64xf32, #tpu.memory_space<vmem>>[vector<16xi32>, vector<16xi32>], vector<16xf32>,
      %mul3A_112 = arith.mulf %gather3A_110, %gather3A_110 : vector<16xf32>
      %add3A_113 = arith.addf %add3A_95, %mul3A_112 : vector<16xf32>
      %mul3A_114 = arith.mulf %gather3A_111, %gather3A_111 : vector<16xf32>
      %add3A_115 = arith.addf %add3A_97, %mul3A_114 : vector<16xf32>
      %add3A_116 = arith.constant 6 : i32
      %add3A_117 = vector.broadcast %add3A_116 : i32 to vector<16xi32>
      %add3A_118 = arith.addi %mul3A_7, %add3A_117 : vector<16xi32>
      %and3A_119 = arith.constant 63 : i32
      %and3A_120 = vector.broadcast %and3A_119 : i32 to vector<16xi32>
      %and3A_121 = arith.andi %add3A_118, %and3A_120 : vector<16xi32>
      %add3A_122 = arith.constant 7 : i32
      %add3A_123 = vector.broadcast %add3A_122 : i32 to vector<16xi32>
      %add3A_124 = arith.addi %mul3A_7, %add3A_123 : vector<16xi32>
      %and3A_125 = arith.constant 63 : i32
      %and3A_126 = vector.broadcast %and3A_125 : i32 to vector<16xi32>
      %and3A_127 = arith.andi %add3A_124, %and3A_126 : vector<16xi32>
      %gather3A_128 = tpu.vector_load_idx %arg11[%add3A_59, %and3A_121] : memref<128x64xf32, #tpu.memory_space<vmem>>[vector<16xi32>, vector<16xi32>], vector<16xf32>,
      %gather3A_129 = tpu.vector_load_idx %arg11[%add3A_59, %and3A_127] : memref<128x64xf32, #tpu.memory_space<vmem>>[vector<16xi32>, vector<16xi32>], vector<16xf32>,
      %mul3A_130 = arith.mulf %gather3A_128, %gather3A_128 : vector<16xf32>
      %add3A_131 = arith.addf %add3A_113, %mul3A_130 : vector<16xf32>
      %mul3A_132 = arith.mulf %gather3A_129, %gather3A_129 : vector<16xf32>
      %add3A_133 = arith.addf %add3A_115, %mul3A_132 : vector<16xf32>
      %add3A_134 = arith.constant 8 : i32
      %add3A_135 = vector.broadcast %add3A_134 : i32 to vector<16xi32>
      %add3A_136 = arith.addi %mul3A_7, %add3A_135 : vector<16xi32>
      %and3A_137 = arith.constant 63 : i32
      %and3A_138 = vector.broadcast %and3A_137 : i32 to vector<16xi32>
      %and3A_139 = arith.andi %add3A_136, %and3A_138 : vector<16xi32>
      %add3A_140 = arith.constant 9 : i32
      %add3A_141 = vector.broadcast %add3A_140 : i32 to vector<16xi32>
      %add3A_142 = arith.addi %mul3A_7, %add3A_141 : vector<16xi32>
      %and3A_143 = arith.constant 63 : i32
      %and3A_144 = vector.broadcast %and3A_143 : i32 to vector<16xi32>
      %and3A_145 = arith.andi %add3A_142, %and3A_144 : vector<16xi32>
      %gather3A_146 = tpu.vector_load_idx %arg11[%add3A_59, %and3A_139] : memref<128x64xf32, #tpu.memory_space<vmem>>[vector<16xi32>, vector<16xi32>], vector<16xf32>,
      %gather3A_147 = tpu.vector_load_idx %arg11[%add3A_59, %and3A_145] : memref<128x64xf32, #tpu.memory_space<vmem>>[vector<16xi32>, vector<16xi32>], vector<16xf32>,
      %mul3A_148 = arith.mulf %gather3A_146, %gather3A_146 : vector<16xf32>
      %add3A_149 = arith.addf %add3A_131, %mul3A_148 : vector<16xf32>
      %mul3A_150 = arith.mulf %gather3A_147, %gather3A_147 : vector<16xf32>
      %add3A_151 = arith.addf %add3A_133, %mul3A_150 : vector<16xf32>
      %add3A_152 = arith.constant 10 : i32
      %add3A_153 = vector.broadcast %add3A_152 : i32 to vector<16xi32>
      %add3A_154 = arith.addi %mul3A_7, %add3A_153 : vector<16xi32>
      %and3A_155 = arith.constant 63 : i32
      %and3A_156 = vector.broadcast %and3A_155 : i32 to vector<16xi32>
      %and3A_157 = arith.andi %add3A_154, %and3A_156 : vector<16xi32>
      %add3A_158 = arith.constant 11 : i32
      %add3A_159 = vector.broadcast %add3A_158 : i32 to vector<16xi32>
      %add3A_160 = arith.addi %mul3A_7, %add3A_159 : vector<16xi32>
      %and3A_161 = arith.constant 63 : i32
      %and3A_162 = vector.broadcast %and3A_161 : i32 to vector<16xi32>
      %and3A_163 = arith.andi %add3A_160, %and3A_162 : vector<16xi32>
      %gather3A_164 = tpu.vector_load_idx %arg11[%add3A_59, %and3A_157] : memref<128x64xf32, #tpu.memory_space<vmem>>[vector<16xi32>, vector<16xi32>], vector<16xf32>,
      %gather3A_165 = tpu.vector_load_idx %arg11[%add3A_59, %and3A_163] : memref<128x64xf32, #tpu.memory_space<vmem>>[vector<16xi32>, vector<16xi32>], vector<16xf32>,
      %mul3A_166 = arith.mulf %gather3A_164, %gather3A_164 : vector<16xf32>
      %add3A_167 = arith.addf %add3A_149, %mul3A_166 : vector<16xf32>
      %mul3A_168 = arith.mulf %gather3A_165, %gather3A_165 : vector<16xf32>
      %add3A_169 = arith.addf %add3A_151, %mul3A_168 : vector<16xf32>
      %add3A_170 = arith.constant 12 : i32
      %add3A_171 = vector.broadcast %add3A_170 : i32 to vector<16xi32>
      %add3A_172 = arith.addi %mul3A_7, %add3A_171 : vector<16xi32>
      %and3A_173 = arith.constant 63 : i32
      %and3A_174 = vector.broadcast %and3A_173 : i32 to vector<16xi32>
      %and3A_175 = arith.andi %add3A_172, %and3A_174 : vector<16xi32>
      %add3A_176 = arith.constant 13 : i32
      %add3A_177 = vector.broadcast %add3A_176 : i32 to vector<16xi32>
      %add3A_178 = arith.addi %mul3A_7, %add3A_177 : vector<16xi32>
      %and3A_179 = arith.constant 63 : i32
      %and3A_180 = vector.broadcast %and3A_179 : i32 to vector<16xi32>
      %and3A_181 = arith.andi %add3A_178, %and3A_180 : vector<16xi32>
      %gather3A_182 = tpu.vector_load_idx %arg11[%add3A_59, %and3A_175] : memref<128x64xf32, #tpu.memory_space<vmem>>[vector<16xi32>, vector<16xi32>], vector<16xf32>,
      %gather3A_183 = tpu.vector_load_idx %arg11[%add3A_59, %and3A_181] : memref<128x64xf32, #tpu.memory_space<vmem>>[vector<16xi32>, vector<16xi32>], vector<16xf32>,
      %mul3A_184 = arith.mulf %gather3A_182, %gather3A_182 : vector<16xf32>
      %add3A_185 = arith.addf %add3A_167, %mul3A_184 : vector<16xf32>
      %mul3A_186 = arith.mulf %gather3A_183, %gather3A_183 : vector<16xf32>
      %add3A_187 = arith.addf %add3A_169, %mul3A_186 : vector<16xf32>
      %add3A_188 = arith.constant 14 : i32
      %add3A_189 = vector.broadcast %add3A_188 : i32 to vector<16xi32>
      %add3A_190 = arith.addi %mul3A_7, %add3A_189 : vector<16xi32>
      %and3A_191 = arith.constant 63 : i32
      %and3A_192 = vector.broadcast %and3A_191 : i32 to vector<16xi32>
      %and3A_193 = arith.andi %add3A_190, %and3A_192 : vector<16xi32>
      %add3A_194 = arith.constant 15 : i32
      %add3A_195 = vector.broadcast %add3A_194 : i32 to vector<16xi32>
      %add3A_196 = arith.addi %mul3A_7, %add3A_195 : vector<16xi32>
      %and3A_197 = arith.constant 63 : i32
      %and3A_198 = vector.broadcast %and3A_197 : i32 to vector<16xi32>
      %and3A_199 = arith.andi %add3A_196, %and3A_198 : vector<16xi32>
      %gather3A_200 = tpu.vector_load_idx %arg11[%add3A_59, %and3A_193] : memref<128x64xf32, #tpu.memory_space<vmem>>[vector<16xi32>, vector<16xi32>], vector<16xf32>,
      %gather3A_201 = tpu.vector_load_idx %arg11[%add3A_59, %and3A_199] : memref<128x64xf32, #tpu.memory_space<vmem>>[vector<16xi32>, vector<16xi32>], vector<16xf32>,
      %mul3A_202 = arith.mulf %gather3A_200, %gather3A_200 : vector<16xf32>
      %add3A_203 = arith.addf %add3A_185, %mul3A_202 : vector<16xf32>
      %mul3A_204 = arith.mulf %gather3A_201, %gather3A_201 : vector<16xf32>
      %add3A_205 = arith.addf %add3A_187, %mul3A_204 : vector<16xf32>
      %add3A_206 = arith.constant 16 : i32
      %add3A_207 = vector.broadcast %add3A_206 : i32 to vector<16xi32>
      %add3A_208 = arith.addi %mul3A_7, %add3A_207 : vector<16xi32>
      %and3A_209 = arith.constant 63 : i32
      %and3A_210 = vector.broadcast %and3A_209 : i32 to vector<16xi32>
      %and3A_211 = arith.andi %add3A_208, %and3A_210 : vector<16xi32>
      %add3A_212 = arith.constant 17 : i32
      %add3A_213 = vector.broadcast %add3A_212 : i32 to vector<16xi32>
      %add3A_214 = arith.addi %mul3A_7, %add3A_213 : vector<16xi32>
      %and3A_215 = arith.constant 63 : i32
      %and3A_216 = vector.broadcast %and3A_215 : i32 to vector<16xi32>
      %and3A_217 = arith.andi %add3A_214, %and3A_216 : vector<16xi32>
      %gather3A_218 = tpu.vector_load_idx %arg11[%add3A_59, %and3A_211] : memref<128x64xf32, #tpu.memory_space<vmem>>[vector<16xi32>, vector<16xi32>], vector<16xf32>,
      %gather3A_219 = tpu.vector_load_idx %arg11[%add3A_59, %and3A_217] : memref<128x64xf32, #tpu.memory_space<vmem>>[vector<16xi32>, vector<16xi32>], vector<16xf32>,
      %mul3A_220 = arith.mulf %gather3A_218, %gather3A_218 : vector<16xf32>
      %add3A_221 = arith.addf %add3A_203, %mul3A_220 : vector<16xf32>
      %mul3A_222 = arith.mulf %gather3A_219, %gather3A_219 : vector<16xf32>
      %add3A_223 = arith.addf %add3A_205, %mul3A_222 : vector<16xf32>
      %add3A_224 = arith.constant 18 : i32
      %add3A_225 = vector.broadcast %add3A_224 : i32 to vector<16xi32>
      %add3A_226 = arith.addi %mul3A_7, %add3A_225 : vector<16xi32>
      %and3A_227 = arith.constant 63 : i32
      %and3A_228 = vector.broadcast %and3A_227 : i32 to vector<16xi32>
      %and3A_229 = arith.andi %add3A_226, %and3A_228 : vector<16xi32>
      %add3A_230 = arith.constant 19 : i32
      %add3A_231 = vector.broadcast %add3A_230 : i32 to vector<16xi32>
      %add3A_232 = arith.addi %mul3A_7, %add3A_231 : vector<16xi32>
      %and3A_233 = arith.constant 63 : i32
      %and3A_234 = vector.broadcast %and3A_233 : i32 to vector<16xi32>
      %and3A_235 = arith.andi %add3A_232, %and3A_234 : vector<16xi32>
      %gather3A_236 = tpu.vector_load_idx %arg11[%add3A_59, %and3A_229] : memref<128x64xf32, #tpu.memory_space<vmem>>[vector<16xi32>, vector<16xi32>], vector<16xf32>,
      %gather3A_237 = tpu.vector_load_idx %arg11[%add3A_59, %and3A_235] : memref<128x64xf32, #tpu.memory_space<vmem>>[vector<16xi32>, vector<16xi32>], vector<16xf32>,
      %mul3A_238 = arith.mulf %gather3A_236, %gather3A_236 : vector<16xf32>
      %add3A_239 = arith.addf %add3A_221, %mul3A_238 : vector<16xf32>
      %mul3A_240 = arith.mulf %gather3A_237, %gather3A_237 : vector<16xf32>
      %add3A_241 = arith.addf %add3A_223, %mul3A_240 : vector<16xf32>
      %add3A_242 = arith.constant 20 : i32
      %add3A_243 = vector.broadcast %add3A_242 : i32 to vector<16xi32>
      %add3A_244 = arith.addi %mul3A_7, %add3A_243 : vector<16xi32>
      %and3A_245 = arith.constant 63 : i32
      %and3A_246 = vector.broadcast %and3A_245 : i32 to vector<16xi32>
      %and3A_247 = arith.andi %add3A_244, %and3A_246 : vector<16xi32>
      %add3A_248 = arith.constant 21 : i32
      %add3A_249 = vector.broadcast %add3A_248 : i32 to vector<16xi32>
      %add3A_250 = arith.addi %mul3A_7, %add3A_249 : vector<16xi32>
      %and3A_251 = arith.constant 63 : i32
      %and3A_252 = vector.broadcast %and3A_251 : i32 to vector<16xi32>
      %and3A_253 = arith.andi %add3A_250, %and3A_252 : vector<16xi32>
      %gather3A_254 = tpu.vector_load_idx %arg11[%add3A_59, %and3A_247] : memref<128x64xf32, #tpu.memory_space<vmem>>[vector<16xi32>, vector<16xi32>], vector<16xf32>,
      %gather3A_255 = tpu.vector_load_idx %arg11[%add3A_59, %and3A_253] : memref<128x64xf32, #tpu.memory_space<vmem>>[vector<16xi32>, vector<16xi32>], vector<16xf32>,
      %mul3A_256 = arith.mulf %gather3A_254, %gather3A_254 : vector<16xf32>
      %add3A_257 = arith.addf %add3A_239, %mul3A_256 : vector<16xf32>
      %mul3A_258 = arith.mulf %gather3A_255, %gather3A_255 : vector<16xf32>
      %add3A_259 = arith.addf %add3A_241, %mul3A_258 : vector<16xf32>
      %add3A_260 = arith.constant 22 : i32
      %add3A_261 = vector.broadcast %add3A_260 : i32 to vector<16xi32>
      %add3A_262 = arith.addi %mul3A_7, %add3A_261 : vector<16xi32>
      %and3A_263 = arith.constant 63 : i32
      %and3A_264 = vector.broadcast %and3A_263 : i32 to vector<16xi32>
      %and3A_265 = arith.andi %add3A_262, %and3A_264 : vector<16xi32>
      %add3A_266 = arith.constant 23 : i32
      %add3A_267 = vector.broadcast %add3A_266 : i32 to vector<16xi32>
      %add3A_268 = arith.addi %mul3A_7, %add3A_267 : vector<16xi32>
      %and3A_269 = arith.constant 63 : i32
      %and3A_270 = vector.broadcast %and3A_269 : i32 to vector<16xi32>
      %and3A_271 = arith.andi %add3A_268, %and3A_270 : vector<16xi32>
      %gather3A_272 = tpu.vector_load_idx %arg11[%add3A_59, %and3A_265] : memref<128x64xf32, #tpu.memory_space<vmem>>[vector<16xi32>, vector<16xi32>], vector<16xf32>,
      %gather3A_273 = tpu.vector_load_idx %arg11[%add3A_59, %and3A_271] : memref<128x64xf32, #tpu.memory_space<vmem>>[vector<16xi32>, vector<16xi32>], vector<16xf32>,
      %mul3A_274 = arith.mulf %gather3A_272, %gather3A_272 : vector<16xf32>
      %add3A_275 = arith.addf %add3A_257, %mul3A_274 : vector<16xf32>
      %mul3A_276 = arith.mulf %gather3A_273, %gather3A_273 : vector<16xf32>
      %add3A_277 = arith.addf %add3A_259, %mul3A_276 : vector<16xf32>
      %add3A_278 = arith.constant 24 : i32
      %add3A_279 = vector.broadcast %add3A_278 : i32 to vector<16xi32>
      %add3A_280 = arith.addi %mul3A_7, %add3A_279 : vector<16xi32>
      %and3A_281 = arith.constant 63 : i32
      %and3A_282 = vector.broadcast %and3A_281 : i32 to vector<16xi32>
      %and3A_283 = arith.andi %add3A_280, %and3A_282 : vector<16xi32>
      %add3A_284 = arith.constant 25 : i32
      %add3A_285 = vector.broadcast %add3A_284 : i32 to vector<16xi32>
      %add3A_286 = arith.addi %mul3A_7, %add3A_285 : vector<16xi32>
      %and3A_287 = arith.constant 63 : i32
      %and3A_288 = vector.broadcast %and3A_287 : i32 to vector<16xi32>
      %and3A_289 = arith.andi %add3A_286, %and3A_288 : vector<16xi32>
      %gather3A_290 = tpu.vector_load_idx %arg11[%add3A_59, %and3A_283] : memref<128x64xf32, #tpu.memory_space<vmem>>[vector<16xi32>, vector<16xi32>], vector<16xf32>,
      %gather3A_291 = tpu.vector_load_idx %arg11[%add3A_59, %and3A_289] : memref<128x64xf32, #tpu.memory_space<vmem>>[vector<16xi32>, vector<16xi32>], vector<16xf32>,
      %mul3A_292 = arith.mulf %gather3A_290, %gather3A_290 : vector<16xf32>
      %add3A_293 = arith.addf %add3A_275, %mul3A_292 : vector<16xf32>
      %mul3A_294 = arith.mulf %gather3A_291, %gather3A_291 : vector<16xf32>
      %add3A_295 = arith.addf %add3A_277, %mul3A_294 : vector<16xf32>
      %add3A_296 = arith.constant 26 : i32
      %add3A_297 = vector.broadcast %add3A_296 : i32 to vector<16xi32>
      %add3A_298 = arith.addi %mul3A_7, %add3A_297 : vector<16xi32>
      %and3A_299 = arith.constant 63 : i32
      %and3A_300 = vector.broadcast %and3A_299 : i32 to vector<16xi32>
      %and3A_301 = arith.andi %add3A_298, %and3A_300 : vector<16xi32>
      %add3A_302 = arith.constant 27 : i32
      %add3A_303 = vector.broadcast %add3A_302 : i32 to vector<16xi32>
      %add3A_304 = arith.addi %mul3A_7, %add3A_303 : vector<16xi32>
      %and3A_305 = arith.constant 63 : i32
      %and3A_306 = vector.broadcast %and3A_305 : i32 to vector<16xi32>
      %and3A_307 = arith.andi %add3A_304, %and3A_306 : vector<16xi32>
      %gather3A_308 = tpu.vector_load_idx %arg11[%add3A_59, %and3A_301] : memref<128x64xf32, #tpu.memory_space<vmem>>[vector<16xi32>, vector<16xi32>], vector<16xf32>,
      %gather3A_309 = tpu.vector_load_idx %arg11[%add3A_59, %and3A_307] : memref<128x64xf32, #tpu.memory_space<vmem>>[vector<16xi32>, vector<16xi32>], vector<16xf32>,
      %mul3A_310 = arith.mulf %gather3A_308, %gather3A_308 : vector<16xf32>
      %add3A_311 = arith.addf %add3A_293, %mul3A_310 : vector<16xf32>
      %mul3A_312 = arith.mulf %gather3A_309, %gather3A_309 : vector<16xf32>
      %add3A_313 = arith.addf %add3A_295, %mul3A_312 : vector<16xf32>
      %add3A_314 = arith.constant 28 : i32
      %add3A_315 = vector.broadcast %add3A_314 : i32 to vector<16xi32>
      %add3A_316 = arith.addi %mul3A_7, %add3A_315 : vector<16xi32>
      %and3A_317 = arith.constant 63 : i32
      %and3A_318 = vector.broadcast %and3A_317 : i32 to vector<16xi32>
      %and3A_319 = arith.andi %add3A_316, %and3A_318 : vector<16xi32>
      %add3A_320 = arith.constant 29 : i32
      %add3A_321 = vector.broadcast %add3A_320 : i32 to vector<16xi32>
      %add3A_322 = arith.addi %mul3A_7, %add3A_321 : vector<16xi32>
      %and3A_323 = arith.constant 63 : i32
      %and3A_324 = vector.broadcast %and3A_323 : i32 to vector<16xi32>
      %and3A_325 = arith.andi %add3A_322, %and3A_324 : vector<16xi32>
      %gather3A_326 = tpu.vector_load_idx %arg11[%add3A_59, %and3A_319] : memref<128x64xf32, #tpu.memory_space<vmem>>[vector<16xi32>, vector<16xi32>], vector<16xf32>,
      %gather3A_327 = tpu.vector_load_idx %arg11[%add3A_59, %and3A_325] : memref<128x64xf32, #tpu.memory_space<vmem>>[vector<16xi32>, vector<16xi32>], vector<16xf32>,
      %mul3A_328 = arith.mulf %gather3A_326, %gather3A_326 : vector<16xf32>
      %add3A_329 = arith.addf %add3A_311, %mul3A_328 : vector<16xf32>
      %mul3A_330 = arith.mulf %gather3A_327, %gather3A_327 : vector<16xf32>
      %add3A_331 = arith.addf %add3A_313, %mul3A_330 : vector<16xf32>
      %add3A_332 = arith.constant 30 : i32
      %add3A_333 = vector.broadcast %add3A_332 : i32 to vector<16xi32>
      %add3A_334 = arith.addi %mul3A_7, %add3A_333 : vector<16xi32>
      %and3A_335 = arith.constant 63 : i32
      %and3A_336 = vector.broadcast %and3A_335 : i32 to vector<16xi32>
      %and3A_337 = arith.andi %add3A_334, %and3A_336 : vector<16xi32>
      %add3A_338 = arith.constant 31 : i32
      %add3A_339 = vector.broadcast %add3A_338 : i32 to vector<16xi32>
      %add3A_340 = arith.addi %mul3A_7, %add3A_339 : vector<16xi32>
      %and3A_341 = arith.constant 63 : i32
      %and3A_342 = vector.broadcast %and3A_341 : i32 to vector<16xi32>
      %and3A_343 = arith.andi %add3A_340, %and3A_342 : vector<16xi32>
      %gather3A_344 = tpu.vector_load_idx %arg11[%add3A_59, %and3A_337] : memref<128x64xf32, #tpu.memory_space<vmem>>[vector<16xi32>, vector<16xi32>], vector<16xf32>,
      %gather3A_345 = tpu.vector_load_idx %arg11[%add3A_59, %and3A_343] : memref<128x64xf32, #tpu.memory_space<vmem>>[vector<16xi32>, vector<16xi32>], vector<16xf32>,
      %mul3A_346 = arith.mulf %gather3A_344, %gather3A_344 : vector<16xf32>
      %add3A_347 = arith.addf %add3A_329, %mul3A_346 : vector<16xf32>
      %mul3A_348 = arith.mulf %gather3A_345, %gather3A_345 : vector<16xf32>
      %add3A_349 = arith.addf %add3A_331, %mul3A_348 : vector<16xf32>
      %add3A_350 = arith.constant 32 : i32
      %add3A_351 = vector.broadcast %add3A_350 : i32 to vector<16xi32>
      %add3A_352 = arith.addi %mul3A_7, %add3A_351 : vector<16xi32>
      %and3A_353 = arith.constant 63 : i32
      %and3A_354 = vector.broadcast %and3A_353 : i32 to vector<16xi32>
      %and3A_355 = arith.andi %add3A_352, %and3A_354 : vector<16xi32>
      %add3A_356 = arith.constant 33 : i32
      %add3A_357 = vector.broadcast %add3A_356 : i32 to vector<16xi32>
      %add3A_358 = arith.addi %mul3A_7, %add3A_357 : vector<16xi32>
      %and3A_359 = arith.constant 63 : i32
      %and3A_360 = vector.broadcast %and3A_359 : i32 to vector<16xi32>
      %and3A_361 = arith.andi %add3A_358, %and3A_360 : vector<16xi32>
      %gather3A_362 = tpu.vector_load_idx %arg11[%add3A_59, %and3A_355] : memref<128x64xf32, #tpu.memory_space<vmem>>[vector<16xi32>, vector<16xi32>], vector<16xf32>,
      %gather3A_363 = tpu.vector_load_idx %arg11[%add3A_59, %and3A_361] : memref<128x64xf32, #tpu.memory_space<vmem>>[vector<16xi32>, vector<16xi32>], vector<16xf32>,
      %mul3A_364 = arith.mulf %gather3A_362, %gather3A_362 : vector<16xf32>
      %add3A_365 = arith.addf %add3A_347, %mul3A_364 : vector<16xf32>
      %mul3A_366 = arith.mulf %gather3A_363, %gather3A_363 : vector<16xf32>
      %add3A_367 = arith.addf %add3A_349, %mul3A_366 : vector<16xf32>
      %add3A_368 = arith.constant 34 : i32
      %add3A_369 = vector.broadcast %add3A_368 : i32 to vector<16xi32>
      %add3A_370 = arith.addi %mul3A_7, %add3A_369 : vector<16xi32>
      %and3A_371 = arith.constant 63 : i32
      %and3A_372 = vector.broadcast %and3A_371 : i32 to vector<16xi32>
      %and3A_373 = arith.andi %add3A_370, %and3A_372 : vector<16xi32>
      %add3A_374 = arith.constant 35 : i32
      %add3A_375 = vector.broadcast %add3A_374 : i32 to vector<16xi32>
      %add3A_376 = arith.addi %mul3A_7, %add3A_375 : vector<16xi32>
      %and3A_377 = arith.constant 63 : i32
      %and3A_378 = vector.broadcast %and3A_377 : i32 to vector<16xi32>
      %and3A_379 = arith.andi %add3A_376, %and3A_378 : vector<16xi32>
      %gather3A_380 = tpu.vector_load_idx %arg11[%add3A_59, %and3A_373] : memref<128x64xf32, #tpu.memory_space<vmem>>[vector<16xi32>, vector<16xi32>], vector<16xf32>,
      %gather3A_381 = tpu.vector_load_idx %arg11[%add3A_59, %and3A_379] : memref<128x64xf32, #tpu.memory_space<vmem>>[vector<16xi32>, vector<16xi32>], vector<16xf32>,
      %mul3A_382 = arith.mulf %gather3A_380, %gather3A_380 : vector<16xf32>
      %add3A_383 = arith.addf %add3A_365, %mul3A_382 : vector<16xf32>
      %mul3A_384 = arith.mulf %gather3A_381, %gather3A_381 : vector<16xf32>
      %add3A_385 = arith.addf %add3A_367, %mul3A_384 : vector<16xf32>
      %add3A_386 = arith.constant 36 : i32
      %add3A_387 = vector.broadcast %add3A_386 : i32 to vector<16xi32>
      %add3A_388 = arith.addi %mul3A_7, %add3A_387 : vector<16xi32>
      %and3A_389 = arith.constant 63 : i32
      %and3A_390 = vector.broadcast %and3A_389 : i32 to vector<16xi32>
      %and3A_391 = arith.andi %add3A_388, %and3A_390 : vector<16xi32>
      %add3A_392 = arith.constant 37 : i32
      %add3A_393 = vector.broadcast %add3A_392 : i32 to vector<16xi32>
      %add3A_394 = arith.addi %mul3A_7, %add3A_393 : vector<16xi32>
      %and3A_395 = arith.constant 63 : i32
      %and3A_396 = vector.broadcast %and3A_395 : i32 to vector<16xi32>
      %and3A_397 = arith.andi %add3A_394, %and3A_396 : vector<16xi32>
      %gather3A_398 = tpu.vector_load_idx %arg11[%add3A_59, %and3A_391] : memref<128x64xf32, #tpu.memory_space<vmem>>[vector<16xi32>, vector<16xi32>], vector<16xf32>,
      %gather3A_399 = tpu.vector_load_idx %arg11[%add3A_59, %and3A_397] : memref<128x64xf32, #tpu.memory_space<vmem>>[vector<16xi32>, vector<16xi32>], vector<16xf32>,
      %mul3A_400 = arith.mulf %gather3A_398, %gather3A_398 : vector<16xf32>
      %add3A_401 = arith.addf %add3A_383, %mul3A_400 : vector<16xf32>
      %mul3A_402 = arith.mulf %gather3A_399, %gather3A_399 : vector<16xf32>
      %add3A_403 = arith.addf %add3A_385, %mul3A_402 : vector<16xf32>
      %add3A_404 = arith.constant 38 : i32
      %add3A_405 = vector.broadcast %add3A_404 : i32 to vector<16xi32>
      %add3A_406 = arith.addi %mul3A_7, %add3A_405 : vector<16xi32>
      %and3A_407 = arith.constant 63 : i32
      %and3A_408 = vector.broadcast %and3A_407 : i32 to vector<16xi32>
      %and3A_409 = arith.andi %add3A_406, %and3A_408 : vector<16xi32>
      %add3A_410 = arith.constant 39 : i32
      %add3A_411 = vector.broadcast %add3A_410 : i32 to vector<16xi32>
      %add3A_412 = arith.addi %mul3A_7, %add3A_411 : vector<16xi32>
      %and3A_413 = arith.constant 63 : i32
      %and3A_414 = vector.broadcast %and3A_413 : i32 to vector<16xi32>
      %and3A_415 = arith.andi %add3A_412, %and3A_414 : vector<16xi32>
      %gather3A_416 = tpu.vector_load_idx %arg11[%add3A_59, %and3A_409] : memref<128x64xf32, #tpu.memory_space<vmem>>[vector<16xi32>, vector<16xi32>], vector<16xf32>,
      %gather3A_417 = tpu.vector_load_idx %arg11[%add3A_59, %and3A_415] : memref<128x64xf32, #tpu.memory_space<vmem>>[vector<16xi32>, vector<16xi32>], vector<16xf32>,
      %mul3A_418 = arith.mulf %gather3A_416, %gather3A_416 : vector<16xf32>
      %add3A_419 = arith.addf %add3A_401, %mul3A_418 : vector<16xf32>
      %mul3A_420 = arith.mulf %gather3A_417, %gather3A_417 : vector<16xf32>
      %add3A_421 = arith.addf %add3A_403, %mul3A_420 : vector<16xf32>
      %add3A_422 = arith.constant 40 : i32
      %add3A_423 = vector.broadcast %add3A_422 : i32 to vector<16xi32>
      %add3A_424 = arith.addi %mul3A_7, %add3A_423 : vector<16xi32>
      %and3A_425 = arith.constant 63 : i32
      %and3A_426 = vector.broadcast %and3A_425 : i32 to vector<16xi32>
      %and3A_427 = arith.andi %add3A_424, %and3A_426 : vector<16xi32>
      %add3A_428 = arith.constant 41 : i32
      %add3A_429 = vector.broadcast %add3A_428 : i32 to vector<16xi32>
      %add3A_430 = arith.addi %mul3A_7, %add3A_429 : vector<16xi32>
      %and3A_431 = arith.constant 63 : i32
      %and3A_432 = vector.broadcast %and3A_431 : i32 to vector<16xi32>
      %and3A_433 = arith.andi %add3A_430, %and3A_432 : vector<16xi32>
      %gather3A_434 = tpu.vector_load_idx %arg11[%add3A_59, %and3A_427] : memref<128x64xf32, #tpu.memory_space<vmem>>[vector<16xi32>, vector<16xi32>], vector<16xf32>,
      %gather3A_435 = tpu.vector_load_idx %arg11[%add3A_59, %and3A_433] : memref<128x64xf32, #tpu.memory_space<vmem>>[vector<16xi32>, vector<16xi32>], vector<16xf32>,
      %mul3A_436 = arith.mulf %gather3A_434, %gather3A_434 : vector<16xf32>
      %add3A_437 = arith.addf %add3A_419, %mul3A_436 : vector<16xf32>
      %mul3A_438 = arith.mulf %gather3A_435, %gather3A_435 : vector<16xf32>
      %add3A_439 = arith.addf %add3A_421, %mul3A_438 : vector<16xf32>
      %add3A_440 = arith.constant 42 : i32
      %add3A_441 = vector.broadcast %add3A_440 : i32 to vector<16xi32>
      %add3A_442 = arith.addi %mul3A_7, %add3A_441 : vector<16xi32>
      %and3A_443 = arith.constant 63 : i32
      %and3A_444 = vector.broadcast %and3A_443 : i32 to vector<16xi32>
      %and3A_445 = arith.andi %add3A_442, %and3A_444 : vector<16xi32>
      %add3A_446 = arith.constant 43 : i32
      %add3A_447 = vector.broadcast %add3A_446 : i32 to vector<16xi32>
      %add3A_448 = arith.addi %mul3A_7, %add3A_447 : vector<16xi32>
      %and3A_449 = arith.constant 63 : i32
      %and3A_450 = vector.broadcast %and3A_449 : i32 to vector<16xi32>
      %and3A_451 = arith.andi %add3A_448, %and3A_450 : vector<16xi32>
      %gather3A_452 = tpu.vector_load_idx %arg11[%add3A_59, %and3A_445] : memref<128x64xf32, #tpu.memory_space<vmem>>[vector<16xi32>, vector<16xi32>], vector<16xf32>,
      %gather3A_453 = tpu.vector_load_idx %arg11[%add3A_59, %and3A_451] : memref<128x64xf32, #tpu.memory_space<vmem>>[vector<16xi32>, vector<16xi32>], vector<16xf32>,
      %mul3A_454 = arith.mulf %gather3A_452, %gather3A_452 : vector<16xf32>
      %add3A_455 = arith.addf %add3A_437, %mul3A_454 : vector<16xf32>
      %mul3A_456 = arith.mulf %gather3A_453, %gather3A_453 : vector<16xf32>
      %add3A_457 = arith.addf %add3A_439, %mul3A_456 : vector<16xf32>
      %add3A_458 = arith.constant 44 : i32
      %add3A_459 = vector.broadcast %add3A_458 : i32 to vector<16xi32>
      %add3A_460 = arith.addi %mul3A_7, %add3A_459 : vector<16xi32>
      %and3A_461 = arith.constant 63 : i32
      %and3A_462 = vector.broadcast %and3A_461 : i32 to vector<16xi32>
      %and3A_463 = arith.andi %add3A_460, %and3A_462 : vector<16xi32>
      %add3A_464 = arith.constant 45 : i32
      %add3A_465 = vector.broadcast %add3A_464 : i32 to vector<16xi32>
      %add3A_466 = arith.addi %mul3A_7, %add3A_465 : vector<16xi32>
      %and3A_467 = arith.constant 63 : i32
      %and3A_468 = vector.broadcast %and3A_467 : i32 to vector<16xi32>
      %and3A_469 = arith.andi %add3A_466, %and3A_468 : vector<16xi32>
      %gather3A_470 = tpu.vector_load_idx %arg11[%add3A_59, %and3A_463] : memref<128x64xf32, #tpu.memory_space<vmem>>[vector<16xi32>, vector<16xi32>], vector<16xf32>,
      %gather3A_471 = tpu.vector_load_idx %arg11[%add3A_59, %and3A_469] : memref<128x64xf32, #tpu.memory_space<vmem>>[vector<16xi32>, vector<16xi32>], vector<16xf32>,
      %mul3A_472 = arith.mulf %gather3A_470, %gather3A_470 : vector<16xf32>
      %add3A_473 = arith.addf %add3A_455, %mul3A_472 : vector<16xf32>
      %mul3A_474 = arith.mulf %gather3A_471, %gather3A_471 : vector<16xf32>
      %add3A_475 = arith.addf %add3A_457, %mul3A_474 : vector<16xf32>
      %add3A_476 = arith.constant 46 : i32
      %add3A_477 = vector.broadcast %add3A_476 : i32 to vector<16xi32>
      %add3A_478 = arith.addi %mul3A_7, %add3A_477 : vector<16xi32>
      %and3A_479 = arith.constant 63 : i32
      %and3A_480 = vector.broadcast %and3A_479 : i32 to vector<16xi32>
      %and3A_481 = arith.andi %add3A_478, %and3A_480 : vector<16xi32>
      %add3A_482 = arith.constant 47 : i32
      %add3A_483 = vector.broadcast %add3A_482 : i32 to vector<16xi32>
      %add3A_484 = arith.addi %mul3A_7, %add3A_483 : vector<16xi32>
      %and3A_485 = arith.constant 63 : i32
      %and3A_486 = vector.broadcast %and3A_485 : i32 to vector<16xi32>
      %and3A_487 = arith.andi %add3A_484, %and3A_486 : vector<16xi32>
      %gather3A_488 = tpu.vector_load_idx %arg11[%add3A_59, %and3A_481] : memref<128x64xf32, #tpu.memory_space<vmem>>[vector<16xi32>, vector<16xi32>], vector<16xf32>,
      %gather3A_489 = tpu.vector_load_idx %arg11[%add3A_59, %and3A_487] : memref<128x64xf32, #tpu.memory_space<vmem>>[vector<16xi32>, vector<16xi32>], vector<16xf32>,
      %mul3A_490 = arith.mulf %gather3A_488, %gather3A_488 : vector<16xf32>
      %add3A_491 = arith.addf %add3A_473, %mul3A_490 : vector<16xf32>
      %mul3A_492 = arith.mulf %gather3A_489, %gather3A_489 : vector<16xf32>
      %add3A_493 = arith.addf %add3A_475, %mul3A_492 : vector<16xf32>
      %add3A_494 = arith.constant 48 : i32
      %add3A_495 = vector.broadcast %add3A_494 : i32 to vector<16xi32>
      %add3A_496 = arith.addi %mul3A_7, %add3A_495 : vector<16xi32>
      %and3A_497 = arith.constant 63 : i32
      %and3A_498 = vector.broadcast %and3A_497 : i32 to vector<16xi32>
      %and3A_499 = arith.andi %add3A_496, %and3A_498 : vector<16xi32>
      %add3A_500 = arith.constant 49 : i32
      %add3A_501 = vector.broadcast %add3A_500 : i32 to vector<16xi32>
      %add3A_502 = arith.addi %mul3A_7, %add3A_501 : vector<16xi32>
      %and3A_503 = arith.constant 63 : i32
      %and3A_504 = vector.broadcast %and3A_503 : i32 to vector<16xi32>
      %and3A_505 = arith.andi %add3A_502, %and3A_504 : vector<16xi32>
      %gather3A_506 = tpu.vector_load_idx %arg11[%add3A_59, %and3A_499] : memref<128x64xf32, #tpu.memory_space<vmem>>[vector<16xi32>, vector<16xi32>], vector<16xf32>,
      %gather3A_507 = tpu.vector_load_idx %arg11[%add3A_59, %and3A_505] : memref<128x64xf32, #tpu.memory_space<vmem>>[vector<16xi32>, vector<16xi32>], vector<16xf32>,
      %mul3A_508 = arith.mulf %gather3A_506, %gather3A_506 : vector<16xf32>
      %add3A_509 = arith.addf %add3A_491, %mul3A_508 : vector<16xf32>
      %mul3A_510 = arith.mulf %gather3A_507, %gather3A_507 : vector<16xf32>
      %add3A_511 = arith.addf %add3A_493, %mul3A_510 : vector<16xf32>
      %add3A_512 = arith.constant 50 : i32
      %add3A_513 = vector.broadcast %add3A_512 : i32 to vector<16xi32>
      %add3A_514 = arith.addi %mul3A_7, %add3A_513 : vector<16xi32>
      %and3A_515 = arith.constant 63 : i32
      %and3A_516 = vector.broadcast %and3A_515 : i32 to vector<16xi32>
      %and3A_517 = arith.andi %add3A_514, %and3A_516 : vector<16xi32>
      %add3A_518 = arith.constant 51 : i32
      %add3A_519 = vector.broadcast %add3A_518 : i32 to vector<16xi32>
      %add3A_520 = arith.addi %mul3A_7, %add3A_519 : vector<16xi32>
      %and3A_521 = arith.constant 63 : i32
      %and3A_522 = vector.broadcast %and3A_521 : i32 to vector<16xi32>
      %and3A_523 = arith.andi %add3A_520, %and3A_522 : vector<16xi32>
      %gather3A_524 = tpu.vector_load_idx %arg11[%add3A_59, %and3A_517] : memref<128x64xf32, #tpu.memory_space<vmem>>[vector<16xi32>, vector<16xi32>], vector<16xf32>,
      %gather3A_525 = tpu.vector_load_idx %arg11[%add3A_59, %and3A_523] : memref<128x64xf32, #tpu.memory_space<vmem>>[vector<16xi32>, vector<16xi32>], vector<16xf32>,
      %mul3A_526 = arith.mulf %gather3A_524, %gather3A_524 : vector<16xf32>
      %add3A_527 = arith.addf %add3A_509, %mul3A_526 : vector<16xf32>
      %mul3A_528 = arith.mulf %gather3A_525, %gather3A_525 : vector<16xf32>
      %add3A_529 = arith.addf %add3A_511, %mul3A_528 : vector<16xf32>
      %add3A_530 = arith.constant 52 : i32
      %add3A_531 = vector.broadcast %add3A_530 : i32 to vector<16xi32>
      %add3A_532 = arith.addi %mul3A_7, %add3A_531 : vector<16xi32>
      %and3A_533 = arith.constant 63 : i32
      %and3A_534 = vector.broadcast %and3A_533 : i32 to vector<16xi32>
      %and3A_535 = arith.andi %add3A_532, %and3A_534 : vector<16xi32>
      %add3A_536 = arith.constant 53 : i32
      %add3A_537 = vector.broadcast %add3A_536 : i32 to vector<16xi32>
      %add3A_538 = arith.addi %mul3A_7, %add3A_537 : vector<16xi32>
      %and3A_539 = arith.constant 63 : i32
      %and3A_540 = vector.broadcast %and3A_539 : i32 to vector<16xi32>
      %and3A_541 = arith.andi %add3A_538, %and3A_540 : vector<16xi32>
      %gather3A_542 = tpu.vector_load_idx %arg11[%add3A_59, %and3A_535] : memref<128x64xf32, #tpu.memory_space<vmem>>[vector<16xi32>, vector<16xi32>], vector<16xf32>,
      %gather3A_543 = tpu.vector_load_idx %arg11[%add3A_59, %and3A_541] : memref<128x64xf32, #tpu.memory_space<vmem>>[vector<16xi32>, vector<16xi32>], vector<16xf32>,
      %mul3A_544 = arith.mulf %gather3A_542, %gather3A_542 : vector<16xf32>
      %add3A_545 = arith.addf %add3A_527, %mul3A_544 : vector<16xf32>
      %mul3A_546 = arith.mulf %gather3A_543, %gather3A_543 : vector<16xf32>
      %add3A_547 = arith.addf %add3A_529, %mul3A_546 : vector<16xf32>
      %add3A_548 = arith.constant 54 : i32
      %add3A_549 = vector.broadcast %add3A_548 : i32 to vector<16xi32>
      %add3A_550 = arith.addi %mul3A_7, %add3A_549 : vector<16xi32>
      %and3A_551 = arith.constant 63 : i32
      %and3A_552 = vector.broadcast %and3A_551 : i32 to vector<16xi32>
      %and3A_553 = arith.andi %add3A_550, %and3A_552 : vector<16xi32>
      %add3A_554 = arith.constant 55 : i32
      %add3A_555 = vector.broadcast %add3A_554 : i32 to vector<16xi32>
      %add3A_556 = arith.addi %mul3A_7, %add3A_555 : vector<16xi32>
      %and3A_557 = arith.constant 63 : i32
      %and3A_558 = vector.broadcast %and3A_557 : i32 to vector<16xi32>
      %and3A_559 = arith.andi %add3A_556, %and3A_558 : vector<16xi32>
      %gather3A_560 = tpu.vector_load_idx %arg11[%add3A_59, %and3A_553] : memref<128x64xf32, #tpu.memory_space<vmem>>[vector<16xi32>, vector<16xi32>], vector<16xf32>,
      %gather3A_561 = tpu.vector_load_idx %arg11[%add3A_59, %and3A_559] : memref<128x64xf32, #tpu.memory_space<vmem>>[vector<16xi32>, vector<16xi32>], vector<16xf32>,
      %mul3A_562 = arith.mulf %gather3A_560, %gather3A_560 : vector<16xf32>
      %add3A_563 = arith.addf %add3A_545, %mul3A_562 : vector<16xf32>
      %mul3A_564 = arith.mulf %gather3A_561, %gather3A_561 : vector<16xf32>
      %add3A_565 = arith.addf %add3A_547, %mul3A_564 : vector<16xf32>
      %add3A_566 = arith.constant 56 : i32
      %add3A_567 = vector.broadcast %add3A_566 : i32 to vector<16xi32>
      %add3A_568 = arith.addi %mul3A_7, %add3A_567 : vector<16xi32>
      %and3A_569 = arith.constant 63 : i32
      %and3A_570 = vector.broadcast %and3A_569 : i32 to vector<16xi32>
      %and3A_571 = arith.andi %add3A_568, %and3A_570 : vector<16xi32>
      %add3A_572 = arith.constant 57 : i32
      %add3A_573 = vector.broadcast %add3A_572 : i32 to vector<16xi32>
      %add3A_574 = arith.addi %mul3A_7, %add3A_573 : vector<16xi32>
      %and3A_575 = arith.constant 63 : i32
      %and3A_576 = vector.broadcast %and3A_575 : i32 to vector<16xi32>
      %and3A_577 = arith.andi %add3A_574, %and3A_576 : vector<16xi32>
      %gather3A_578 = tpu.vector_load_idx %arg11[%add3A_59, %and3A_571] : memref<128x64xf32, #tpu.memory_space<vmem>>[vector<16xi32>, vector<16xi32>], vector<16xf32>,
      %gather3A_579 = tpu.vector_load_idx %arg11[%add3A_59, %and3A_577] : memref<128x64xf32, #tpu.memory_space<vmem>>[vector<16xi32>, vector<16xi32>], vector<16xf32>,
      %mul3A_580 = arith.mulf %gather3A_578, %gather3A_578 : vector<16xf32>
      %add3A_581 = arith.addf %add3A_563, %mul3A_580 : vector<16xf32>
      %mul3A_582 = arith.mulf %gather3A_579, %gather3A_579 : vector<16xf32>
      %add3A_583 = arith.addf %add3A_565, %mul3A_582 : vector<16xf32>
      %add3A_584 = arith.constant 58 : i32
      %add3A_585 = vector.broadcast %add3A_584 : i32 to vector<16xi32>
      %add3A_586 = arith.addi %mul3A_7, %add3A_585 : vector<16xi32>
      %and3A_587 = arith.constant 63 : i32
      %and3A_588 = vector.broadcast %and3A_587 : i32 to vector<16xi32>
      %and3A_589 = arith.andi %add3A_586, %and3A_588 : vector<16xi32>
      %add3A_590 = arith.constant 59 : i32
      %add3A_591 = vector.broadcast %add3A_590 : i32 to vector<16xi32>
      %add3A_592 = arith.addi %mul3A_7, %add3A_591 : vector<16xi32>
      %and3A_593 = arith.constant 63 : i32
      %and3A_594 = vector.broadcast %and3A_593 : i32 to vector<16xi32>
      %and3A_595 = arith.andi %add3A_592, %and3A_594 : vector<16xi32>
      %gather3A_596 = tpu.vector_load_idx %arg11[%add3A_59, %and3A_589] : memref<128x64xf32, #tpu.memory_space<vmem>>[vector<16xi32>, vector<16xi32>], vector<16xf32>,
      %gather3A_597 = tpu.vector_load_idx %arg11[%add3A_59, %and3A_595] : memref<128x64xf32, #tpu.memory_space<vmem>>[vector<16xi32>, vector<16xi32>], vector<16xf32>,
      %mul3A_598 = arith.mulf %gather3A_596, %gather3A_596 : vector<16xf32>
      %add3A_599 = arith.addf %add3A_581, %mul3A_598 : vector<16xf32>
      %mul3A_600 = arith.mulf %gather3A_597, %gather3A_597 : vector<16xf32>
      %add3A_601 = arith.addf %add3A_583, %mul3A_600 : vector<16xf32>
      %add3A_602 = arith.constant 60 : i32
      %add3A_603 = vector.broadcast %add3A_602 : i32 to vector<16xi32>
      %add3A_604 = arith.addi %mul3A_7, %add3A_603 : vector<16xi32>
      %and3A_605 = arith.constant 63 : i32
      %and3A_606 = vector.broadcast %and3A_605 : i32 to vector<16xi32>
      %and3A_607 = arith.andi %add3A_604, %and3A_606 : vector<16xi32>
      %add3A_608 = arith.constant 61 : i32
      %add3A_609 = vector.broadcast %add3A_608 : i32 to vector<16xi32>
      %add3A_610 = arith.addi %mul3A_7, %add3A_609 : vector<16xi32>
      %and3A_611 = arith.constant 63 : i32
      %and3A_612 = vector.broadcast %and3A_611 : i32 to vector<16xi32>
      %and3A_613 = arith.andi %add3A_610, %and3A_612 : vector<16xi32>
      %gather3A_614 = tpu.vector_load_idx %arg11[%add3A_59, %and3A_607] : memref<128x64xf32, #tpu.memory_space<vmem>>[vector<16xi32>, vector<16xi32>], vector<16xf32>,
      %gather3A_615 = tpu.vector_load_idx %arg11[%add3A_59, %and3A_613] : memref<128x64xf32, #tpu.memory_space<vmem>>[vector<16xi32>, vector<16xi32>], vector<16xf32>,
      %mul3A_616 = arith.mulf %gather3A_614, %gather3A_614 : vector<16xf32>
      %add3A_617 = arith.addf %add3A_599, %mul3A_616 : vector<16xf32>
      %mul3A_618 = arith.mulf %gather3A_615, %gather3A_615 : vector<16xf32>
      %add3A_619 = arith.addf %add3A_601, %mul3A_618 : vector<16xf32>
      %add3A_620 = arith.constant 62 : i32
      %add3A_621 = vector.broadcast %add3A_620 : i32 to vector<16xi32>
      %add3A_622 = arith.addi %mul3A_7, %add3A_621 : vector<16xi32>
      %and3A_623 = arith.constant 63 : i32
      %and3A_624 = vector.broadcast %and3A_623 : i32 to vector<16xi32>
      %and3A_625 = arith.andi %add3A_622, %and3A_624 : vector<16xi32>
      %add3A_626 = arith.constant 63 : i32
      %add3A_627 = vector.broadcast %add3A_626 : i32 to vector<16xi32>
      %add3A_628 = arith.addi %mul3A_7, %add3A_627 : vector<16xi32>
      %and3A_629 = arith.constant 63 : i32
      %and3A_630 = vector.broadcast %and3A_629 : i32 to vector<16xi32>
      %and3A_631 = arith.andi %add3A_628, %and3A_630 : vector<16xi32>
      %gather3A_632 = tpu.vector_load_idx %arg11[%add3A_59, %and3A_625] : memref<128x64xf32, #tpu.memory_space<vmem>>[vector<16xi32>, vector<16xi32>], vector<16xf32>,
      %gather3A_633 = tpu.vector_load_idx %arg11[%add3A_59, %and3A_631] : memref<128x64xf32, #tpu.memory_space<vmem>>[vector<16xi32>, vector<16xi32>], vector<16xf32>,
      %mul3A_634 = arith.mulf %gather3A_632, %gather3A_632 : vector<16xf32>
      %add3A_635 = arith.addf %add3A_617, %mul3A_634 : vector<16xf32>
      %mul3A_636 = arith.mulf %gather3A_633, %gather3A_633 : vector<16xf32>
      %add3A_637 = arith.addf %add3A_619, %mul3A_636 : vector<16xf32>
      %add3A_638 = arith.addf %scan3A_55, %add3A_635 : vector<16xf32>
      %add3A_639 = arith.addf %add3A_638, %add3A_637 : vector<16xf32>
      scf.yield %add3A_639 : vector<16xf32>
    }
    %scan3A_36 = arith.constant 8 : i32
    %broadcast_in_dim3A_37 = arith.constant 0.000000e+00 : f32
    %broadcast_in_dim3A_38 = vector.broadcast %broadcast_in_dim3A_37 : f32 to vector<16xf32>
    %scan3A_39 = arith.constant 0 : i32
    %scan3A_40 = arith.constant 20 : i32
    %scan3A_41 = arith.addi %scan3A_39, %scan3A_40 : i32
    %scan3A_42 = arith.constant 1 : i32
    %scan3A_43 = scf.for %scan3A_54 = %scan3A_39 to %scan3A_41 step %scan3A_42 iter_args(%scan3A_55 = %broadcast_in_dim3A_38) -> (vector<16xf32>)  : i32 {
      %rem3A = arith.constant 2 : i32
      %rem3A_56 = arith.remsi %scan3A_54, %rem3A : i32
      %sub3A = arith.constant 1 : i32
      %sub3A_57 = arith.subi %sub3A, %rem3A_56 : i32
      %add3A_58 = arith.constant 1 : i32
      %add3A_59 = arith.addi %scan3A_54, %add3A_58 : i32
      %lt3A = arith.constant 20 : i32
      %lt3A_60 = arith.cmpi slt, %add3A_59, %lt3A : i32
      %convert_element_type3A = arith.extui %lt3A_60 : i1 to i32
      %cond3A = arith.constant 0 : i32
      %cond3A_61 = arith.cmpi ne, %convert_element_type3A, %cond3A : i32
      scf.if %cond3A_61 {
        %add3A_83 = arith.constant 1 : i32
        %add3A_84 = arith.addi %scan3A_54, %add3A_83 : i32
        %mul3A_85 = arith.constant 128 : i32
        %mul3A_86 = arith.muli %add3A_84, %mul3A_85 : i32
        %mul3A_87 = arith.constant 128 : i32
        %mul3A_88 = arith.muli %sub3A_57, %mul3A_87 : i32
        %dma_start3A_89 = arith.constant 0 : i32
        %dma_start3A_90 = tpu.memref_slice %arg12[%mul3A_88, %dma_start3A_89] : memref<256x64xf32, #tpu.memory_space<vmem>> -> memref<128x64xf32, #tpu.memory_space<vmem>>
        %dma_start3A_91 = tpu.memref_slice %arg10[%mul3A_86] : memref<2560xi32, #tpu.memory_space<vmem>> -> memref<128xi32, #tpu.memory_space<vmem>>
        %dma_start3A_92 = arith.constant 0 : i32
        %dma_start3A_93 = arith.constant 0 : i32
        %dma_start3A_94 = tpu.memref_slice %arg5[%dma_start3A_92, %dma_start3A_93] : memref<100000x64xf32, #tpu.memory_space<hbm>> -> memref<100000x64xf32, #tpu.memory_space<hbm>>
        %dma_start3A_95 = tpu.memref_slice %arg16[%sub3A_57] : memref<2x!tpu.dma_semaphore, #tpu.memory_space<semaphore_mem>> -> memref<1x!tpu.dma_semaphore, #tpu.memory_space<semaphore_mem>>
        %dma_start3A_96 = tpu.memref_squeeze %dma_start3A_95 : memref<1x!tpu.dma_semaphore, #tpu.memory_space<semaphore_mem>> -> memref<!tpu.dma_semaphore, #tpu.memory_space<semaphore_mem>>
        tpu.enqueue_indirect_dma source(%dma_start3A_94 : memref<100000x64xf32, #tpu.memory_space<hbm>>) target(%dma_start3A_90 : memref<128x64xf32, #tpu.memory_space<vmem>>) offsets(%dma_start3A_91 : memref<128xi32, #tpu.memory_space<vmem>>) semaphore(%dma_start3A_96 : memref<!tpu.dma_semaphore, #tpu.memory_space<semaphore_mem>>)
      } else {
      }
      %mul3A_62 = arith.constant 128 : i32
      %mul3A_63 = arith.muli %scan3A_54, %mul3A_62 : i32
      %mul3A_64 = arith.constant 128 : i32
      %mul3A_65 = arith.muli %rem3A_56, %mul3A_64 : i32
      %dma_wait3A_66 = arith.constant 0 : i32
      %dma_wait3A_67 = tpu.memref_slice %arg12[%mul3A_65, %dma_wait3A_66] : memref<256x64xf32, #tpu.memory_space<vmem>> -> memref<128x64xf32, #tpu.memory_space<vmem>>
      %dma_wait3A_68 = tpu.memref_slice %arg10[%mul3A_63] : memref<2560xi32, #tpu.memory_space<vmem>> -> memref<128xi32, #tpu.memory_space<vmem>>
      %dma_wait3A_69 = arith.constant 0 : i32
      %dma_wait3A_70 = arith.constant 0 : i32
      %dma_wait3A_71 = tpu.memref_slice %arg5[%dma_wait3A_69, %dma_wait3A_70] : memref<100000x64xf32, #tpu.memory_space<hbm>> -> memref<100000x64xf32, #tpu.memory_space<hbm>>
      %dma_wait3A_72 = tpu.memref_slice %arg16[%rem3A_56] : memref<2x!tpu.dma_semaphore, #tpu.memory_space<semaphore_mem>> -> memref<1x!tpu.dma_semaphore, #tpu.memory_space<semaphore_mem>>
      %dma_wait3A_73 = tpu.memref_squeeze %dma_wait3A_72 : memref<1x!tpu.dma_semaphore, #tpu.memory_space<semaphore_mem>> -> memref<!tpu.dma_semaphore, #tpu.memory_space<semaphore_mem>>
      tpu.wait_indirect_dma semaphore(%dma_wait3A_73 : memref<!tpu.dma_semaphore, #tpu.memory_space<semaphore_mem>>) src(%dma_wait3A_71 : memref<100000x64xf32, #tpu.memory_space<hbm>>) dst(%dma_wait3A_67 : memref<128x64xf32, #tpu.memory_space<vmem>>)
      %broadcast_in_dim3A_74 = vector.broadcast %scan3A_54 : i32 to vector<16xi32>
      %mul3A_75 = arith.constant 128 : i32
      %mul3A_76 = arith.muli %rem3A_56, %mul3A_75 : i32
      %scan3A_77 = arith.constant 0 : i32
      %scan3A_78 = arith.constant 8 : i32
      %scan3A_79 = arith.addi %scan3A_77, %scan3A_78 : i32
      %scan3A_80 = arith.constant 1 : i32
      %scan3A_81 = scf.for %scan3A_83 = %scan3A_77 to %scan3A_79 step %scan3A_80 iter_args(%scan3A_84 = %scan3A_55) -> (vector<16xf32>)  : i32 {
        %mul3A_85 = arith.constant 16 : i32
        %mul3A_86 = arith.muli %scan3A_83, %mul3A_85 : i32
        %add3A_87 = vector.broadcast %mul3A_86 : i32 to vector<16xi32>
        %add3A_88 = arith.addi %iota3A, %add3A_87 : vector<16xi32>
        %add3A_89 = vector.broadcast %mul3A_76 : i32 to vector<16xi32>
        %add3A_90 = arith.addi %add3A_88, %add3A_89 : vector<16xi32>
        %broadcast_in_dim3A_91 = arith.constant 0.000000e+00 : f32
        %broadcast_in_dim3A_92 = vector.broadcast %broadcast_in_dim3A_91 : f32 to vector<16xf32>
        %broadcast_in_dim3A_93 = arith.constant 0.000000e+00 : f32
        %broadcast_in_dim3A_94 = vector.broadcast %broadcast_in_dim3A_93 : f32 to vector<16xf32>
        %broadcast_in_dim3A_95 = arith.constant 0.000000e+00 : f32
        %broadcast_in_dim3A_96 = vector.broadcast %broadcast_in_dim3A_95 : f32 to vector<16xf32>
        %broadcast_in_dim3A_97 = arith.constant 0.000000e+00 : f32
        %broadcast_in_dim3A_98 = vector.broadcast %broadcast_in_dim3A_97 : f32 to vector<16xf32>
        %add3A_99 = arith.constant 0 : i32
        %add3A_100 = vector.broadcast %add3A_99 : i32 to vector<16xi32>
        %add3A_101 = arith.addi %mul3A_7, %add3A_100 : vector<16xi32>
        %and3A = arith.constant 63 : i32
        %and3A_102 = vector.broadcast %and3A : i32 to vector<16xi32>
        %and3A_103 = arith.andi %add3A_101, %and3A_102 : vector<16xi32>
        %add3A_104 = arith.constant 1 : i32
        %add3A_105 = vector.broadcast %add3A_104 : i32 to vector<16xi32>
        %add3A_106 = arith.addi %mul3A_7, %add3A_105 : vector<16xi32>
        %and3A_107 = arith.constant 63 : i32
        %and3A_108 = vector.broadcast %and3A_107 : i32 to vector<16xi32>
        %and3A_109 = arith.andi %add3A_106, %and3A_108 : vector<16xi32>
        %gather3A = tpu.vector_load_idx %arg11[%add3A_88, %and3A_103] : memref<128x64xf32, #tpu.memory_space<vmem>>[vector<16xi32>, vector<16xi32>], vector<16xf32>,
        %gather3A_110 = tpu.vector_load_idx %arg12[%add3A_90, %and3A_103] : memref<256x64xf32, #tpu.memory_space<vmem>>[vector<16xi32>, vector<16xi32>], vector<16xf32>,
        %gather3A_111 = tpu.vector_load_idx %arg11[%add3A_88, %and3A_109] : memref<128x64xf32, #tpu.memory_space<vmem>>[vector<16xi32>, vector<16xi32>], vector<16xf32>,
        %gather3A_112 = tpu.vector_load_idx %arg12[%add3A_90, %and3A_109] : memref<256x64xf32, #tpu.memory_space<vmem>>[vector<16xi32>, vector<16xi32>], vector<16xf32>,
        %mul3A_113 = arith.mulf %gather3A, %gather3A_110 : vector<16xf32>
        %add3A_114 = arith.addf %broadcast_in_dim3A_92, %mul3A_113 : vector<16xf32>
        %mul3A_115 = arith.mulf %gather3A_110, %gather3A_110 : vector<16xf32>
        %add3A_116 = arith.addf %broadcast_in_dim3A_96, %mul3A_115 : vector<16xf32>
        %mul3A_117 = arith.mulf %gather3A_111, %gather3A_112 : vector<16xf32>
        %add3A_118 = arith.addf %broadcast_in_dim3A_94, %mul3A_117 : vector<16xf32>
        %mul3A_119 = arith.mulf %gather3A_112, %gather3A_112 : vector<16xf32>
        %add3A_120 = arith.addf %broadcast_in_dim3A_98, %mul3A_119 : vector<16xf32>
        %add3A_121 = arith.constant 2 : i32
        %add3A_122 = vector.broadcast %add3A_121 : i32 to vector<16xi32>
        %add3A_123 = arith.addi %mul3A_7, %add3A_122 : vector<16xi32>
        %and3A_124 = arith.constant 63 : i32
        %and3A_125 = vector.broadcast %and3A_124 : i32 to vector<16xi32>
        %and3A_126 = arith.andi %add3A_123, %and3A_125 : vector<16xi32>
        %add3A_127 = arith.constant 3 : i32
        %add3A_128 = vector.broadcast %add3A_127 : i32 to vector<16xi32>
        %add3A_129 = arith.addi %mul3A_7, %add3A_128 : vector<16xi32>
        %and3A_130 = arith.constant 63 : i32
        %and3A_131 = vector.broadcast %and3A_130 : i32 to vector<16xi32>
        %and3A_132 = arith.andi %add3A_129, %and3A_131 : vector<16xi32>
        %gather3A_133 = tpu.vector_load_idx %arg11[%add3A_88, %and3A_126] : memref<128x64xf32, #tpu.memory_space<vmem>>[vector<16xi32>, vector<16xi32>], vector<16xf32>,
        %gather3A_134 = tpu.vector_load_idx %arg12[%add3A_90, %and3A_126] : memref<256x64xf32, #tpu.memory_space<vmem>>[vector<16xi32>, vector<16xi32>], vector<16xf32>,
        %gather3A_135 = tpu.vector_load_idx %arg11[%add3A_88, %and3A_132] : memref<128x64xf32, #tpu.memory_space<vmem>>[vector<16xi32>, vector<16xi32>], vector<16xf32>,
        %gather3A_136 = tpu.vector_load_idx %arg12[%add3A_90, %and3A_132] : memref<256x64xf32, #tpu.memory_space<vmem>>[vector<16xi32>, vector<16xi32>], vector<16xf32>,
        %mul3A_137 = arith.mulf %gather3A_133, %gather3A_134 : vector<16xf32>
        %add3A_138 = arith.addf %add3A_114, %mul3A_137 : vector<16xf32>
        %mul3A_139 = arith.mulf %gather3A_134, %gather3A_134 : vector<16xf32>
        %add3A_140 = arith.addf %add3A_116, %mul3A_139 : vector<16xf32>
        %mul3A_141 = arith.mulf %gather3A_135, %gather3A_136 : vector<16xf32>
        %add3A_142 = arith.addf %add3A_118, %mul3A_141 : vector<16xf32>
        %mul3A_143 = arith.mulf %gather3A_136, %gather3A_136 : vector<16xf32>
        %add3A_144 = arith.addf %add3A_120, %mul3A_143 : vector<16xf32>
        %add3A_145 = arith.constant 4 : i32
        %add3A_146 = vector.broadcast %add3A_145 : i32 to vector<16xi32>
        %add3A_147 = arith.addi %mul3A_7, %add3A_146 : vector<16xi32>
        %and3A_148 = arith.constant 63 : i32
        %and3A_149 = vector.broadcast %and3A_148 : i32 to vector<16xi32>
        %and3A_150 = arith.andi %add3A_147, %and3A_149 : vector<16xi32>
        %add3A_151 = arith.constant 5 : i32
        %add3A_152 = vector.broadcast %add3A_151 : i32 to vector<16xi32>
        %add3A_153 = arith.addi %mul3A_7, %add3A_152 : vector<16xi32>
        %and3A_154 = arith.constant 63 : i32
        %and3A_155 = vector.broadcast %and3A_154 : i32 to vector<16xi32>
        %and3A_156 = arith.andi %add3A_153, %and3A_155 : vector<16xi32>
        %gather3A_157 = tpu.vector_load_idx %arg11[%add3A_88, %and3A_150] : memref<128x64xf32, #tpu.memory_space<vmem>>[vector<16xi32>, vector<16xi32>], vector<16xf32>,
        %gather3A_158 = tpu.vector_load_idx %arg12[%add3A_90, %and3A_150] : memref<256x64xf32, #tpu.memory_space<vmem>>[vector<16xi32>, vector<16xi32>], vector<16xf32>,
        %gather3A_159 = tpu.vector_load_idx %arg11[%add3A_88, %and3A_156] : memref<128x64xf32, #tpu.memory_space<vmem>>[vector<16xi32>, vector<16xi32>], vector<16xf32>,
        %gather3A_160 = tpu.vector_load_idx %arg12[%add3A_90, %and3A_156] : memref<256x64xf32, #tpu.memory_space<vmem>>[vector<16xi32>, vector<16xi32>], vector<16xf32>,
        %mul3A_161 = arith.mulf %gather3A_157, %gather3A_158 : vector<16xf32>
        %add3A_162 = arith.addf %add3A_138, %mul3A_161 : vector<16xf32>
        %mul3A_163 = arith.mulf %gather3A_158, %gather3A_158 : vector<16xf32>
        %add3A_164 = arith.addf %add3A_140, %mul3A_163 : vector<16xf32>
        %mul3A_165 = arith.mulf %gather3A_159, %gather3A_160 : vector<16xf32>
        %add3A_166 = arith.addf %add3A_142, %mul3A_165 : vector<16xf32>
        %mul3A_167 = arith.mulf %gather3A_160, %gather3A_160 : vector<16xf32>
        %add3A_168 = arith.addf %add3A_144, %mul3A_167 : vector<16xf32>
        %add3A_169 = arith.constant 6 : i32
        %add3A_170 = vector.broadcast %add3A_169 : i32 to vector<16xi32>
        %add3A_171 = arith.addi %mul3A_7, %add3A_170 : vector<16xi32>
        %and3A_172 = arith.constant 63 : i32
        %and3A_173 = vector.broadcast %and3A_172 : i32 to vector<16xi32>
        %and3A_174 = arith.andi %add3A_171, %and3A_173 : vector<16xi32>
        %add3A_175 = arith.constant 7 : i32
        %add3A_176 = vector.broadcast %add3A_175 : i32 to vector<16xi32>
        %add3A_177 = arith.addi %mul3A_7, %add3A_176 : vector<16xi32>
        %and3A_178 = arith.constant 63 : i32
        %and3A_179 = vector.broadcast %and3A_178 : i32 to vector<16xi32>
        %and3A_180 = arith.andi %add3A_177, %and3A_179 : vector<16xi32>
        %gather3A_181 = tpu.vector_load_idx %arg11[%add3A_88, %and3A_174] : memref<128x64xf32, #tpu.memory_space<vmem>>[vector<16xi32>, vector<16xi32>], vector<16xf32>,
        %gather3A_182 = tpu.vector_load_idx %arg12[%add3A_90, %and3A_174] : memref<256x64xf32, #tpu.memory_space<vmem>>[vector<16xi32>, vector<16xi32>], vector<16xf32>,
        %gather3A_183 = tpu.vector_load_idx %arg11[%add3A_88, %and3A_180] : memref<128x64xf32, #tpu.memory_space<vmem>>[vector<16xi32>, vector<16xi32>], vector<16xf32>,
        %gather3A_184 = tpu.vector_load_idx %arg12[%add3A_90, %and3A_180] : memref<256x64xf32, #tpu.memory_space<vmem>>[vector<16xi32>, vector<16xi32>], vector<16xf32>,
        %mul3A_185 = arith.mulf %gather3A_181, %gather3A_182 : vector<16xf32>
        %add3A_186 = arith.addf %add3A_162, %mul3A_185 : vector<16xf32>
        %mul3A_187 = arith.mulf %gather3A_182, %gather3A_182 : vector<16xf32>
        %add3A_188 = arith.addf %add3A_164, %mul3A_187 : vector<16xf32>
        %mul3A_189 = arith.mulf %gather3A_183, %gather3A_184 : vector<16xf32>
        %add3A_190 = arith.addf %add3A_166, %mul3A_189 : vector<16xf32>
        %mul3A_191 = arith.mulf %gather3A_184, %gather3A_184 : vector<16xf32>
        %add3A_192 = arith.addf %add3A_168, %mul3A_191 : vector<16xf32>
        %add3A_193 = arith.constant 8 : i32
        %add3A_194 = vector.broadcast %add3A_193 : i32 to vector<16xi32>
        %add3A_195 = arith.addi %mul3A_7, %add3A_194 : vector<16xi32>
        %and3A_196 = arith.constant 63 : i32
        %and3A_197 = vector.broadcast %and3A_196 : i32 to vector<16xi32>
        %and3A_198 = arith.andi %add3A_195, %and3A_197 : vector<16xi32>
        %add3A_199 = arith.constant 9 : i32
        %add3A_200 = vector.broadcast %add3A_199 : i32 to vector<16xi32>
        %add3A_201 = arith.addi %mul3A_7, %add3A_200 : vector<16xi32>
        %and3A_202 = arith.constant 63 : i32
        %and3A_203 = vector.broadcast %and3A_202 : i32 to vector<16xi32>
        %and3A_204 = arith.andi %add3A_201, %and3A_203 : vector<16xi32>
        %gather3A_205 = tpu.vector_load_idx %arg11[%add3A_88, %and3A_198] : memref<128x64xf32, #tpu.memory_space<vmem>>[vector<16xi32>, vector<16xi32>], vector<16xf32>,
        %gather3A_206 = tpu.vector_load_idx %arg12[%add3A_90, %and3A_198] : memref<256x64xf32, #tpu.memory_space<vmem>>[vector<16xi32>, vector<16xi32>], vector<16xf32>,
        %gather3A_207 = tpu.vector_load_idx %arg11[%add3A_88, %and3A_204] : memref<128x64xf32, #tpu.memory_space<vmem>>[vector<16xi32>, vector<16xi32>], vector<16xf32>,
        %gather3A_208 = tpu.vector_load_idx %arg12[%add3A_90, %and3A_204] : memref<256x64xf32, #tpu.memory_space<vmem>>[vector<16xi32>, vector<16xi32>], vector<16xf32>,
        %mul3A_209 = arith.mulf %gather3A_205, %gather3A_206 : vector<16xf32>
        %add3A_210 = arith.addf %add3A_186, %mul3A_209 : vector<16xf32>
        %mul3A_211 = arith.mulf %gather3A_206, %gather3A_206 : vector<16xf32>
        %add3A_212 = arith.addf %add3A_188, %mul3A_211 : vector<16xf32>
        %mul3A_213 = arith.mulf %gather3A_207, %gather3A_208 : vector<16xf32>
        %add3A_214 = arith.addf %add3A_190, %mul3A_213 : vector<16xf32>
        %mul3A_215 = arith.mulf %gather3A_208, %gather3A_208 : vector<16xf32>
        %add3A_216 = arith.addf %add3A_192, %mul3A_215 : vector<16xf32>
        %add3A_217 = arith.constant 10 : i32
        %add3A_218 = vector.broadcast %add3A_217 : i32 to vector<16xi32>
        %add3A_219 = arith.addi %mul3A_7, %add3A_218 : vector<16xi32>
        %and3A_220 = arith.constant 63 : i32
        %and3A_221 = vector.broadcast %and3A_220 : i32 to vector<16xi32>
        %and3A_222 = arith.andi %add3A_219, %and3A_221 : vector<16xi32>
        %add3A_223 = arith.constant 11 : i32
        %add3A_224 = vector.broadcast %add3A_223 : i32 to vector<16xi32>
        %add3A_225 = arith.addi %mul3A_7, %add3A_224 : vector<16xi32>
        %and3A_226 = arith.constant 63 : i32
        %and3A_227 = vector.broadcast %and3A_226 : i32 to vector<16xi32>
        %and3A_228 = arith.andi %add3A_225, %and3A_227 : vector<16xi32>
        %gather3A_229 = tpu.vector_load_idx %arg11[%add3A_88, %and3A_222] : memref<128x64xf32, #tpu.memory_space<vmem>>[vector<16xi32>, vector<16xi32>], vector<16xf32>,
        %gather3A_230 = tpu.vector_load_idx %arg12[%add3A_90, %and3A_222] : memref<256x64xf32, #tpu.memory_space<vmem>>[vector<16xi32>, vector<16xi32>], vector<16xf32>,
        %gather3A_231 = tpu.vector_load_idx %arg11[%add3A_88, %and3A_228] : memref<128x64xf32, #tpu.memory_space<vmem>>[vector<16xi32>, vector<16xi32>], vector<16xf32>,
        %gather3A_232 = tpu.vector_load_idx %arg12[%add3A_90, %and3A_228] : memref<256x64xf32, #tpu.memory_space<vmem>>[vector<16xi32>, vector<16xi32>], vector<16xf32>,
        %mul3A_233 = arith.mulf %gather3A_229, %gather3A_230 : vector<16xf32>
        %add3A_234 = arith.addf %add3A_210, %mul3A_233 : vector<16xf32>
        %mul3A_235 = arith.mulf %gather3A_230, %gather3A_230 : vector<16xf32>
        %add3A_236 = arith.addf %add3A_212, %mul3A_235 : vector<16xf32>
        %mul3A_237 = arith.mulf %gather3A_231, %gather3A_232 : vector<16xf32>
        %add3A_238 = arith.addf %add3A_214, %mul3A_237 : vector<16xf32>
        %mul3A_239 = arith.mulf %gather3A_232, %gather3A_232 : vector<16xf32>
        %add3A_240 = arith.addf %add3A_216, %mul3A_239 : vector<16xf32>
        %add3A_241 = arith.constant 12 : i32
        %add3A_242 = vector.broadcast %add3A_241 : i32 to vector<16xi32>
        %add3A_243 = arith.addi %mul3A_7, %add3A_242 : vector<16xi32>
        %and3A_244 = arith.constant 63 : i32
        %and3A_245 = vector.broadcast %and3A_244 : i32 to vector<16xi32>
        %and3A_246 = arith.andi %add3A_243, %and3A_245 : vector<16xi32>
        %add3A_247 = arith.constant 13 : i32
        %add3A_248 = vector.broadcast %add3A_247 : i32 to vector<16xi32>
        %add3A_249 = arith.addi %mul3A_7, %add3A_248 : vector<16xi32>
        %and3A_250 = arith.constant 63 : i32
        %and3A_251 = vector.broadcast %and3A_250 : i32 to vector<16xi32>
        %and3A_252 = arith.andi %add3A_249, %and3A_251 : vector<16xi32>
        %gather3A_253 = tpu.vector_load_idx %arg11[%add3A_88, %and3A_246] : memref<128x64xf32, #tpu.memory_space<vmem>>[vector<16xi32>, vector<16xi32>], vector<16xf32>,
        %gather3A_254 = tpu.vector_load_idx %arg12[%add3A_90, %and3A_246] : memref<256x64xf32, #tpu.memory_space<vmem>>[vector<16xi32>, vector<16xi32>], vector<16xf32>,
        %gather3A_255 = tpu.vector_load_idx %arg11[%add3A_88, %and3A_252] : memref<128x64xf32, #tpu.memory_space<vmem>>[vector<16xi32>, vector<16xi32>], vector<16xf32>,
        %gather3A_256 = tpu.vector_load_idx %arg12[%add3A_90, %and3A_252] : memref<256x64xf32, #tpu.memory_space<vmem>>[vector<16xi32>, vector<16xi32>], vector<16xf32>,
        %mul3A_257 = arith.mulf %gather3A_253, %gather3A_254 : vector<16xf32>
        %add3A_258 = arith.addf %add3A_234, %mul3A_257 : vector<16xf32>
        %mul3A_259 = arith.mulf %gather3A_254, %gather3A_254 : vector<16xf32>
        %add3A_260 = arith.addf %add3A_236, %mul3A_259 : vector<16xf32>
        %mul3A_261 = arith.mulf %gather3A_255, %gather3A_256 : vector<16xf32>
        %add3A_262 = arith.addf %add3A_238, %mul3A_261 : vector<16xf32>
        %mul3A_263 = arith.mulf %gather3A_256, %gather3A_256 : vector<16xf32>
        %add3A_264 = arith.addf %add3A_240, %mul3A_263 : vector<16xf32>
        %add3A_265 = arith.constant 14 : i32
        %add3A_266 = vector.broadcast %add3A_265 : i32 to vector<16xi32>
        %add3A_267 = arith.addi %mul3A_7, %add3A_266 : vector<16xi32>
        %and3A_268 = arith.constant 63 : i32
        %and3A_269 = vector.broadcast %and3A_268 : i32 to vector<16xi32>
        %and3A_270 = arith.andi %add3A_267, %and3A_269 : vector<16xi32>
        %add3A_271 = arith.constant 15 : i32
        %add3A_272 = vector.broadcast %add3A_271 : i32 to vector<16xi32>
        %add3A_273 = arith.addi %mul3A_7, %add3A_272 : vector<16xi32>
        %and3A_274 = arith.constant 63 : i32
        %and3A_275 = vector.broadcast %and3A_274 : i32 to vector<16xi32>
        %and3A_276 = arith.andi %add3A_273, %and3A_275 : vector<16xi32>
        %gather3A_277 = tpu.vector_load_idx %arg11[%add3A_88, %and3A_270] : memref<128x64xf32, #tpu.memory_space<vmem>>[vector<16xi32>, vector<16xi32>], vector<16xf32>,
        %gather3A_278 = tpu.vector_load_idx %arg12[%add3A_90, %and3A_270] : memref<256x64xf32, #tpu.memory_space<vmem>>[vector<16xi32>, vector<16xi32>], vector<16xf32>,
        %gather3A_279 = tpu.vector_load_idx %arg11[%add3A_88, %and3A_276] : memref<128x64xf32, #tpu.memory_space<vmem>>[vector<16xi32>, vector<16xi32>], vector<16xf32>,
        %gather3A_280 = tpu.vector_load_idx %arg12[%add3A_90, %and3A_276] : memref<256x64xf32, #tpu.memory_space<vmem>>[vector<16xi32>, vector<16xi32>], vector<16xf32>,
        %mul3A_281 = arith.mulf %gather3A_277, %gather3A_278 : vector<16xf32>
        %add3A_282 = arith.addf %add3A_258, %mul3A_281 : vector<16xf32>
        %mul3A_283 = arith.mulf %gather3A_278, %gather3A_278 : vector<16xf32>
        %add3A_284 = arith.addf %add3A_260, %mul3A_283 : vector<16xf32>
        %mul3A_285 = arith.mulf %gather3A_279, %gather3A_280 : vector<16xf32>
        %add3A_286 = arith.addf %add3A_262, %mul3A_285 : vector<16xf32>
        %mul3A_287 = arith.mulf %gather3A_280, %gather3A_280 : vector<16xf32>
        %add3A_288 = arith.addf %add3A_264, %mul3A_287 : vector<16xf32>
        %add3A_289 = arith.constant 16 : i32
        %add3A_290 = vector.broadcast %add3A_289 : i32 to vector<16xi32>
        %add3A_291 = arith.addi %mul3A_7, %add3A_290 : vector<16xi32>
        %and3A_292 = arith.constant 63 : i32
        %and3A_293 = vector.broadcast %and3A_292 : i32 to vector<16xi32>
        %and3A_294 = arith.andi %add3A_291, %and3A_293 : vector<16xi32>
        %add3A_295 = arith.constant 17 : i32
        %add3A_296 = vector.broadcast %add3A_295 : i32 to vector<16xi32>
        %add3A_297 = arith.addi %mul3A_7, %add3A_296 : vector<16xi32>
        %and3A_298 = arith.constant 63 : i32
        %and3A_299 = vector.broadcast %and3A_298 : i32 to vector<16xi32>
        %and3A_300 = arith.andi %add3A_297, %and3A_299 : vector<16xi32>
        %gather3A_301 = tpu.vector_load_idx %arg11[%add3A_88, %and3A_294] : memref<128x64xf32, #tpu.memory_space<vmem>>[vector<16xi32>, vector<16xi32>], vector<16xf32>,
        %gather3A_302 = tpu.vector_load_idx %arg12[%add3A_90, %and3A_294] : memref<256x64xf32, #tpu.memory_space<vmem>>[vector<16xi32>, vector<16xi32>], vector<16xf32>,
        %gather3A_303 = tpu.vector_load_idx %arg11[%add3A_88, %and3A_300] : memref<128x64xf32, #tpu.memory_space<vmem>>[vector<16xi32>, vector<16xi32>], vector<16xf32>,
        %gather3A_304 = tpu.vector_load_idx %arg12[%add3A_90, %and3A_300] : memref<256x64xf32, #tpu.memory_space<vmem>>[vector<16xi32>, vector<16xi32>], vector<16xf32>,
        %mul3A_305 = arith.mulf %gather3A_301, %gather3A_302 : vector<16xf32>
        %add3A_306 = arith.addf %add3A_282, %mul3A_305 : vector<16xf32>
        %mul3A_307 = arith.mulf %gather3A_302, %gather3A_302 : vector<16xf32>
        %add3A_308 = arith.addf %add3A_284, %mul3A_307 : vector<16xf32>
        %mul3A_309 = arith.mulf %gather3A_303, %gather3A_304 : vector<16xf32>
        %add3A_310 = arith.addf %add3A_286, %mul3A_309 : vector<16xf32>
        %mul3A_311 = arith.mulf %gather3A_304, %gather3A_304 : vector<16xf32>
        %add3A_312 = arith.addf %add3A_288, %mul3A_311 : vector<16xf32>
        %add3A_313 = arith.constant 18 : i32
        %add3A_314 = vector.broadcast %add3A_313 : i32 to vector<16xi32>
        %add3A_315 = arith.addi %mul3A_7, %add3A_314 : vector<16xi32>
        %and3A_316 = arith.constant 63 : i32
        %and3A_317 = vector.broadcast %and3A_316 : i32 to vector<16xi32>
        %and3A_318 = arith.andi %add3A_315, %and3A_317 : vector<16xi32>
        %add3A_319 = arith.constant 19 : i32
        %add3A_320 = vector.broadcast %add3A_319 : i32 to vector<16xi32>
        %add3A_321 = arith.addi %mul3A_7, %add3A_320 : vector<16xi32>
        %and3A_322 = arith.constant 63 : i32
        %and3A_323 = vector.broadcast %and3A_322 : i32 to vector<16xi32>
        %and3A_324 = arith.andi %add3A_321, %and3A_323 : vector<16xi32>
        %gather3A_325 = tpu.vector_load_idx %arg11[%add3A_88, %and3A_318] : memref<128x64xf32, #tpu.memory_space<vmem>>[vector<16xi32>, vector<16xi32>], vector<16xf32>,
        %gather3A_326 = tpu.vector_load_idx %arg12[%add3A_90, %and3A_318] : memref<256x64xf32, #tpu.memory_space<vmem>>[vector<16xi32>, vector<16xi32>], vector<16xf32>,
        %gather3A_327 = tpu.vector_load_idx %arg11[%add3A_88, %and3A_324] : memref<128x64xf32, #tpu.memory_space<vmem>>[vector<16xi32>, vector<16xi32>], vector<16xf32>,
        %gather3A_328 = tpu.vector_load_idx %arg12[%add3A_90, %and3A_324] : memref<256x64xf32, #tpu.memory_space<vmem>>[vector<16xi32>, vector<16xi32>], vector<16xf32>,
        %mul3A_329 = arith.mulf %gather3A_325, %gather3A_326 : vector<16xf32>
        %add3A_330 = arith.addf %add3A_306, %mul3A_329 : vector<16xf32>
        %mul3A_331 = arith.mulf %gather3A_326, %gather3A_326 : vector<16xf32>
        %add3A_332 = arith.addf %add3A_308, %mul3A_331 : vector<16xf32>
        %mul3A_333 = arith.mulf %gather3A_327, %gather3A_328 : vector<16xf32>
        %add3A_334 = arith.addf %add3A_310, %mul3A_333 : vector<16xf32>
        %mul3A_335 = arith.mulf %gather3A_328, %gather3A_328 : vector<16xf32>
        %add3A_336 = arith.addf %add3A_312, %mul3A_335 : vector<16xf32>
        %add3A_337 = arith.constant 20 : i32
        %add3A_338 = vector.broadcast %add3A_337 : i32 to vector<16xi32>
        %add3A_339 = arith.addi %mul3A_7, %add3A_338 : vector<16xi32>
        %and3A_340 = arith.constant 63 : i32
        %and3A_341 = vector.broadcast %and3A_340 : i32 to vector<16xi32>
        %and3A_342 = arith.andi %add3A_339, %and3A_341 : vector<16xi32>
        %add3A_343 = arith.constant 21 : i32
        %add3A_344 = vector.broadcast %add3A_343 : i32 to vector<16xi32>
        %add3A_345 = arith.addi %mul3A_7, %add3A_344 : vector<16xi32>
        %and3A_346 = arith.constant 63 : i32
        %and3A_347 = vector.broadcast %and3A_346 : i32 to vector<16xi32>
        %and3A_348 = arith.andi %add3A_345, %and3A_347 : vector<16xi32>
        %gather3A_349 = tpu.vector_load_idx %arg11[%add3A_88, %and3A_342] : memref<128x64xf32, #tpu.memory_space<vmem>>[vector<16xi32>, vector<16xi32>], vector<16xf32>,
        %gather3A_350 = tpu.vector_load_idx %arg12[%add3A_90, %and3A_342] : memref<256x64xf32, #tpu.memory_space<vmem>>[vector<16xi32>, vector<16xi32>], vector<16xf32>,
        %gather3A_351 = tpu.vector_load_idx %arg11[%add3A_88, %and3A_348] : memref<128x64xf32, #tpu.memory_space<vmem>>[vector<16xi32>, vector<16xi32>], vector<16xf32>,
        %gather3A_352 = tpu.vector_load_idx %arg12[%add3A_90, %and3A_348] : memref<256x64xf32, #tpu.memory_space<vmem>>[vector<16xi32>, vector<16xi32>], vector<16xf32>,
        %mul3A_353 = arith.mulf %gather3A_349, %gather3A_350 : vector<16xf32>
        %add3A_354 = arith.addf %add3A_330, %mul3A_353 : vector<16xf32>
        %mul3A_355 = arith.mulf %gather3A_350, %gather3A_350 : vector<16xf32>
        %add3A_356 = arith.addf %add3A_332, %mul3A_355 : vector<16xf32>
        %mul3A_357 = arith.mulf %gather3A_351, %gather3A_352 : vector<16xf32>
        %add3A_358 = arith.addf %add3A_334, %mul3A_357 : vector<16xf32>
        %mul3A_359 = arith.mulf %gather3A_352, %gather3A_352 : vector<16xf32>
        %add3A_360 = arith.addf %add3A_336, %mul3A_359 : vector<16xf32>
        %add3A_361 = arith.constant 22 : i32
        %add3A_362 = vector.broadcast %add3A_361 : i32 to vector<16xi32>
        %add3A_363 = arith.addi %mul3A_7, %add3A_362 : vector<16xi32>
        %and3A_364 = arith.constant 63 : i32
        %and3A_365 = vector.broadcast %and3A_364 : i32 to vector<16xi32>
        %and3A_366 = arith.andi %add3A_363, %and3A_365 : vector<16xi32>
        %add3A_367 = arith.constant 23 : i32
        %add3A_368 = vector.broadcast %add3A_367 : i32 to vector<16xi32>
        %add3A_369 = arith.addi %mul3A_7, %add3A_368 : vector<16xi32>
        %and3A_370 = arith.constant 63 : i32
        %and3A_371 = vector.broadcast %and3A_370 : i32 to vector<16xi32>
        %and3A_372 = arith.andi %add3A_369, %and3A_371 : vector<16xi32>
        %gather3A_373 = tpu.vector_load_idx %arg11[%add3A_88, %and3A_366] : memref<128x64xf32, #tpu.memory_space<vmem>>[vector<16xi32>, vector<16xi32>], vector<16xf32>,
        %gather3A_374 = tpu.vector_load_idx %arg12[%add3A_90, %and3A_366] : memref<256x64xf32, #tpu.memory_space<vmem>>[vector<16xi32>, vector<16xi32>], vector<16xf32>,
        %gather3A_375 = tpu.vector_load_idx %arg11[%add3A_88, %and3A_372] : memref<128x64xf32, #tpu.memory_space<vmem>>[vector<16xi32>, vector<16xi32>], vector<16xf32>,
        %gather3A_376 = tpu.vector_load_idx %arg12[%add3A_90, %and3A_372] : memref<256x64xf32, #tpu.memory_space<vmem>>[vector<16xi32>, vector<16xi32>], vector<16xf32>,
        %mul3A_377 = arith.mulf %gather3A_373, %gather3A_374 : vector<16xf32>
        %add3A_378 = arith.addf %add3A_354, %mul3A_377 : vector<16xf32>
        %mul3A_379 = arith.mulf %gather3A_374, %gather3A_374 : vector<16xf32>
        %add3A_380 = arith.addf %add3A_356, %mul3A_379 : vector<16xf32>
        %mul3A_381 = arith.mulf %gather3A_375, %gather3A_376 : vector<16xf32>
        %add3A_382 = arith.addf %add3A_358, %mul3A_381 : vector<16xf32>
        %mul3A_383 = arith.mulf %gather3A_376, %gather3A_376 : vector<16xf32>
        %add3A_384 = arith.addf %add3A_360, %mul3A_383 : vector<16xf32>
        %add3A_385 = arith.constant 24 : i32
        %add3A_386 = vector.broadcast %add3A_385 : i32 to vector<16xi32>
        %add3A_387 = arith.addi %mul3A_7, %add3A_386 : vector<16xi32>
        %and3A_388 = arith.constant 63 : i32
        %and3A_389 = vector.broadcast %and3A_388 : i32 to vector<16xi32>
        %and3A_390 = arith.andi %add3A_387, %and3A_389 : vector<16xi32>
        %add3A_391 = arith.constant 25 : i32
        %add3A_392 = vector.broadcast %add3A_391 : i32 to vector<16xi32>
        %add3A_393 = arith.addi %mul3A_7, %add3A_392 : vector<16xi32>
        %and3A_394 = arith.constant 63 : i32
        %and3A_395 = vector.broadcast %and3A_394 : i32 to vector<16xi32>
        %and3A_396 = arith.andi %add3A_393, %and3A_395 : vector<16xi32>
        %gather3A_397 = tpu.vector_load_idx %arg11[%add3A_88, %and3A_390] : memref<128x64xf32, #tpu.memory_space<vmem>>[vector<16xi32>, vector<16xi32>], vector<16xf32>,
        %gather3A_398 = tpu.vector_load_idx %arg12[%add3A_90, %and3A_390] : memref<256x64xf32, #tpu.memory_space<vmem>>[vector<16xi32>, vector<16xi32>], vector<16xf32>,
        %gather3A_399 = tpu.vector_load_idx %arg11[%add3A_88, %and3A_396] : memref<128x64xf32, #tpu.memory_space<vmem>>[vector<16xi32>, vector<16xi32>], vector<16xf32>,
        %gather3A_400 = tpu.vector_load_idx %arg12[%add3A_90, %and3A_396] : memref<256x64xf32, #tpu.memory_space<vmem>>[vector<16xi32>, vector<16xi32>], vector<16xf32>,
        %mul3A_401 = arith.mulf %gather3A_397, %gather3A_398 : vector<16xf32>
        %add3A_402 = arith.addf %add3A_378, %mul3A_401 : vector<16xf32>
        %mul3A_403 = arith.mulf %gather3A_398, %gather3A_398 : vector<16xf32>
        %add3A_404 = arith.addf %add3A_380, %mul3A_403 : vector<16xf32>
        %mul3A_405 = arith.mulf %gather3A_399, %gather3A_400 : vector<16xf32>
        %add3A_406 = arith.addf %add3A_382, %mul3A_405 : vector<16xf32>
        %mul3A_407 = arith.mulf %gather3A_400, %gather3A_400 : vector<16xf32>
        %add3A_408 = arith.addf %add3A_384, %mul3A_407 : vector<16xf32>
        %add3A_409 = arith.constant 26 : i32
        %add3A_410 = vector.broadcast %add3A_409 : i32 to vector<16xi32>
        %add3A_411 = arith.addi %mul3A_7, %add3A_410 : vector<16xi32>
        %and3A_412 = arith.constant 63 : i32
        %and3A_413 = vector.broadcast %and3A_412 : i32 to vector<16xi32>
        %and3A_414 = arith.andi %add3A_411, %and3A_413 : vector<16xi32>
        %add3A_415 = arith.constant 27 : i32
        %add3A_416 = vector.broadcast %add3A_415 : i32 to vector<16xi32>
        %add3A_417 = arith.addi %mul3A_7, %add3A_416 : vector<16xi32>
        %and3A_418 = arith.constant 63 : i32
        %and3A_419 = vector.broadcast %and3A_418 : i32 to vector<16xi32>
        %and3A_420 = arith.andi %add3A_417, %and3A_419 : vector<16xi32>
        %gather3A_421 = tpu.vector_load_idx %arg11[%add3A_88, %and3A_414] : memref<128x64xf32, #tpu.memory_space<vmem>>[vector<16xi32>, vector<16xi32>], vector<16xf32>,
        %gather3A_422 = tpu.vector_load_idx %arg12[%add3A_90, %and3A_414] : memref<256x64xf32, #tpu.memory_space<vmem>>[vector<16xi32>, vector<16xi32>], vector<16xf32>,
        %gather3A_423 = tpu.vector_load_idx %arg11[%add3A_88, %and3A_420] : memref<128x64xf32, #tpu.memory_space<vmem>>[vector<16xi32>, vector<16xi32>], vector<16xf32>,
        %gather3A_424 = tpu.vector_load_idx %arg12[%add3A_90, %and3A_420] : memref<256x64xf32, #tpu.memory_space<vmem>>[vector<16xi32>, vector<16xi32>], vector<16xf32>,
        %mul3A_425 = arith.mulf %gather3A_421, %gather3A_422 : vector<16xf32>
        %add3A_426 = arith.addf %add3A_402, %mul3A_425 : vector<16xf32>
        %mul3A_427 = arith.mulf %gather3A_422, %gather3A_422 : vector<16xf32>
        %add3A_428 = arith.addf %add3A_404, %mul3A_427 : vector<16xf32>
        %mul3A_429 = arith.mulf %gather3A_423, %gather3A_424 : vector<16xf32>
        %add3A_430 = arith.addf %add3A_406, %mul3A_429 : vector<16xf32>
        %mul3A_431 = arith.mulf %gather3A_424, %gather3A_424 : vector<16xf32>
        %add3A_432 = arith.addf %add3A_408, %mul3A_431 : vector<16xf32>
        %add3A_433 = arith.constant 28 : i32
        %add3A_434 = vector.broadcast %add3A_433 : i32 to vector<16xi32>
        %add3A_435 = arith.addi %mul3A_7, %add3A_434 : vector<16xi32>
        %and3A_436 = arith.constant 63 : i32
        %and3A_437 = vector.broadcast %and3A_436 : i32 to vector<16xi32>
        %and3A_438 = arith.andi %add3A_435, %and3A_437 : vector<16xi32>
        %add3A_439 = arith.constant 29 : i32
        %add3A_440 = vector.broadcast %add3A_439 : i32 to vector<16xi32>
        %add3A_441 = arith.addi %mul3A_7, %add3A_440 : vector<16xi32>
        %and3A_442 = arith.constant 63 : i32
        %and3A_443 = vector.broadcast %and3A_442 : i32 to vector<16xi32>
        %and3A_444 = arith.andi %add3A_441, %and3A_443 : vector<16xi32>
        %gather3A_445 = tpu.vector_load_idx %arg11[%add3A_88, %and3A_438] : memref<128x64xf32, #tpu.memory_space<vmem>>[vector<16xi32>, vector<16xi32>], vector<16xf32>,
        %gather3A_446 = tpu.vector_load_idx %arg12[%add3A_90, %and3A_438] : memref<256x64xf32, #tpu.memory_space<vmem>>[vector<16xi32>, vector<16xi32>], vector<16xf32>,
        %gather3A_447 = tpu.vector_load_idx %arg11[%add3A_88, %and3A_444] : memref<128x64xf32, #tpu.memory_space<vmem>>[vector<16xi32>, vector<16xi32>], vector<16xf32>,
        %gather3A_448 = tpu.vector_load_idx %arg12[%add3A_90, %and3A_444] : memref<256x64xf32, #tpu.memory_space<vmem>>[vector<16xi32>, vector<16xi32>], vector<16xf32>,
        %mul3A_449 = arith.mulf %gather3A_445, %gather3A_446 : vector<16xf32>
        %add3A_450 = arith.addf %add3A_426, %mul3A_449 : vector<16xf32>
        %mul3A_451 = arith.mulf %gather3A_446, %gather3A_446 : vector<16xf32>
        %add3A_452 = arith.addf %add3A_428, %mul3A_451 : vector<16xf32>
        %mul3A_453 = arith.mulf %gather3A_447, %gather3A_448 : vector<16xf32>
        %add3A_454 = arith.addf %add3A_430, %mul3A_453 : vector<16xf32>
        %mul3A_455 = arith.mulf %gather3A_448, %gather3A_448 : vector<16xf32>
        %add3A_456 = arith.addf %add3A_432, %mul3A_455 : vector<16xf32>
        %add3A_457 = arith.constant 30 : i32
        %add3A_458 = vector.broadcast %add3A_457 : i32 to vector<16xi32>
        %add3A_459 = arith.addi %mul3A_7, %add3A_458 : vector<16xi32>
        %and3A_460 = arith.constant 63 : i32
        %and3A_461 = vector.broadcast %and3A_460 : i32 to vector<16xi32>
        %and3A_462 = arith.andi %add3A_459, %and3A_461 : vector<16xi32>
        %add3A_463 = arith.constant 31 : i32
        %add3A_464 = vector.broadcast %add3A_463 : i32 to vector<16xi32>
        %add3A_465 = arith.addi %mul3A_7, %add3A_464 : vector<16xi32>
        %and3A_466 = arith.constant 63 : i32
        %and3A_467 = vector.broadcast %and3A_466 : i32 to vector<16xi32>
        %and3A_468 = arith.andi %add3A_465, %and3A_467 : vector<16xi32>
        %gather3A_469 = tpu.vector_load_idx %arg11[%add3A_88, %and3A_462] : memref<128x64xf32, #tpu.memory_space<vmem>>[vector<16xi32>, vector<16xi32>], vector<16xf32>,
        %gather3A_470 = tpu.vector_load_idx %arg12[%add3A_90, %and3A_462] : memref<256x64xf32, #tpu.memory_space<vmem>>[vector<16xi32>, vector<16xi32>], vector<16xf32>,
        %gather3A_471 = tpu.vector_load_idx %arg11[%add3A_88, %and3A_468] : memref<128x64xf32, #tpu.memory_space<vmem>>[vector<16xi32>, vector<16xi32>], vector<16xf32>,
        %gather3A_472 = tpu.vector_load_idx %arg12[%add3A_90, %and3A_468] : memref<256x64xf32, #tpu.memory_space<vmem>>[vector<16xi32>, vector<16xi32>], vector<16xf32>,
        %mul3A_473 = arith.mulf %gather3A_469, %gather3A_470 : vector<16xf32>
        %add3A_474 = arith.addf %add3A_450, %mul3A_473 : vector<16xf32>
        %mul3A_475 = arith.mulf %gather3A_470, %gather3A_470 : vector<16xf32>
        %add3A_476 = arith.addf %add3A_452, %mul3A_475 : vector<16xf32>
        %mul3A_477 = arith.mulf %gather3A_471, %gather3A_472 : vector<16xf32>
        %add3A_478 = arith.addf %add3A_454, %mul3A_477 : vector<16xf32>
        %mul3A_479 = arith.mulf %gather3A_472, %gather3A_472 : vector<16xf32>
        %add3A_480 = arith.addf %add3A_456, %mul3A_479 : vector<16xf32>
        %add3A_481 = arith.constant 32 : i32
        %add3A_482 = vector.broadcast %add3A_481 : i32 to vector<16xi32>
        %add3A_483 = arith.addi %mul3A_7, %add3A_482 : vector<16xi32>
        %and3A_484 = arith.constant 63 : i32
        %and3A_485 = vector.broadcast %and3A_484 : i32 to vector<16xi32>
        %and3A_486 = arith.andi %add3A_483, %and3A_485 : vector<16xi32>
        %add3A_487 = arith.constant 33 : i32
        %add3A_488 = vector.broadcast %add3A_487 : i32 to vector<16xi32>
        %add3A_489 = arith.addi %mul3A_7, %add3A_488 : vector<16xi32>
        %and3A_490 = arith.constant 63 : i32
        %and3A_491 = vector.broadcast %and3A_490 : i32 to vector<16xi32>
        %and3A_492 = arith.andi %add3A_489, %and3A_491 : vector<16xi32>
        %gather3A_493 = tpu.vector_load_idx %arg11[%add3A_88, %and3A_486] : memref<128x64xf32, #tpu.memory_space<vmem>>[vector<16xi32>, vector<16xi32>], vector<16xf32>,
        %gather3A_494 = tpu.vector_load_idx %arg12[%add3A_90, %and3A_486] : memref<256x64xf32, #tpu.memory_space<vmem>>[vector<16xi32>, vector<16xi32>], vector<16xf32>,
        %gather3A_495 = tpu.vector_load_idx %arg11[%add3A_88, %and3A_492] : memref<128x64xf32, #tpu.memory_space<vmem>>[vector<16xi32>, vector<16xi32>], vector<16xf32>,
        %gather3A_496 = tpu.vector_load_idx %arg12[%add3A_90, %and3A_492] : memref<256x64xf32, #tpu.memory_space<vmem>>[vector<16xi32>, vector<16xi32>], vector<16xf32>,
        %mul3A_497 = arith.mulf %gather3A_493, %gather3A_494 : vector<16xf32>
        %add3A_498 = arith.addf %add3A_474, %mul3A_497 : vector<16xf32>
        %mul3A_499 = arith.mulf %gather3A_494, %gather3A_494 : vector<16xf32>
        %add3A_500 = arith.addf %add3A_476, %mul3A_499 : vector<16xf32>
        %mul3A_501 = arith.mulf %gather3A_495, %gather3A_496 : vector<16xf32>
        %add3A_502 = arith.addf %add3A_478, %mul3A_501 : vector<16xf32>
        %mul3A_503 = arith.mulf %gather3A_496, %gather3A_496 : vector<16xf32>
        %add3A_504 = arith.addf %add3A_480, %mul3A_503 : vector<16xf32>
        %add3A_505 = arith.constant 34 : i32
        %add3A_506 = vector.broadcast %add3A_505 : i32 to vector<16xi32>
        %add3A_507 = arith.addi %mul3A_7, %add3A_506 : vector<16xi32>
        %and3A_508 = arith.constant 63 : i32
        %and3A_509 = vector.broadcast %and3A_508 : i32 to vector<16xi32>
        %and3A_510 = arith.andi %add3A_507, %and3A_509 : vector<16xi32>
        %add3A_511 = arith.constant 35 : i32
        %add3A_512 = vector.broadcast %add3A_511 : i32 to vector<16xi32>
        %add3A_513 = arith.addi %mul3A_7, %add3A_512 : vector<16xi32>
        %and3A_514 = arith.constant 63 : i32
        %and3A_515 = vector.broadcast %and3A_514 : i32 to vector<16xi32>
        %and3A_516 = arith.andi %add3A_513, %and3A_515 : vector<16xi32>
        %gather3A_517 = tpu.vector_load_idx %arg11[%add3A_88, %and3A_510] : memref<128x64xf32, #tpu.memory_space<vmem>>[vector<16xi32>, vector<16xi32>], vector<16xf32>,
        %gather3A_518 = tpu.vector_load_idx %arg12[%add3A_90, %and3A_510] : memref<256x64xf32, #tpu.memory_space<vmem>>[vector<16xi32>, vector<16xi32>], vector<16xf32>,
        %gather3A_519 = tpu.vector_load_idx %arg11[%add3A_88, %and3A_516] : memref<128x64xf32, #tpu.memory_space<vmem>>[vector<16xi32>, vector<16xi32>], vector<16xf32>,
        %gather3A_520 = tpu.vector_load_idx %arg12[%add3A_90, %and3A_516] : memref<256x64xf32, #tpu.memory_space<vmem>>[vector<16xi32>, vector<16xi32>], vector<16xf32>,
        %mul3A_521 = arith.mulf %gather3A_517, %gather3A_518 : vector<16xf32>
        %add3A_522 = arith.addf %add3A_498, %mul3A_521 : vector<16xf32>
        %mul3A_523 = arith.mulf %gather3A_518, %gather3A_518 : vector<16xf32>
        %add3A_524 = arith.addf %add3A_500, %mul3A_523 : vector<16xf32>
        %mul3A_525 = arith.mulf %gather3A_519, %gather3A_520 : vector<16xf32>
        %add3A_526 = arith.addf %add3A_502, %mul3A_525 : vector<16xf32>
        %mul3A_527 = arith.mulf %gather3A_520, %gather3A_520 : vector<16xf32>
        %add3A_528 = arith.addf %add3A_504, %mul3A_527 : vector<16xf32>
        %add3A_529 = arith.constant 36 : i32
        %add3A_530 = vector.broadcast %add3A_529 : i32 to vector<16xi32>
        %add3A_531 = arith.addi %mul3A_7, %add3A_530 : vector<16xi32>
        %and3A_532 = arith.constant 63 : i32
        %and3A_533 = vector.broadcast %and3A_532 : i32 to vector<16xi32>
        %and3A_534 = arith.andi %add3A_531, %and3A_533 : vector<16xi32>
        %add3A_535 = arith.constant 37 : i32
        %add3A_536 = vector.broadcast %add3A_535 : i32 to vector<16xi32>
        %add3A_537 = arith.addi %mul3A_7, %add3A_536 : vector<16xi32>
        %and3A_538 = arith.constant 63 : i32
        %and3A_539 = vector.broadcast %and3A_538 : i32 to vector<16xi32>
        %and3A_540 = arith.andi %add3A_537, %and3A_539 : vector<16xi32>
        %gather3A_541 = tpu.vector_load_idx %arg11[%add3A_88, %and3A_534] : memref<128x64xf32, #tpu.memory_space<vmem>>[vector<16xi32>, vector<16xi32>], vector<16xf32>,
        %gather3A_542 = tpu.vector_load_idx %arg12[%add3A_90, %and3A_534] : memref<256x64xf32, #tpu.memory_space<vmem>>[vector<16xi32>, vector<16xi32>], vector<16xf32>,
        %gather3A_543 = tpu.vector_load_idx %arg11[%add3A_88, %and3A_540] : memref<128x64xf32, #tpu.memory_space<vmem>>[vector<16xi32>, vector<16xi32>], vector<16xf32>,
        %gather3A_544 = tpu.vector_load_idx %arg12[%add3A_90, %and3A_540] : memref<256x64xf32, #tpu.memory_space<vmem>>[vector<16xi32>, vector<16xi32>], vector<16xf32>,
        %mul3A_545 = arith.mulf %gather3A_541, %gather3A_542 : vector<16xf32>
        %add3A_546 = arith.addf %add3A_522, %mul3A_545 : vector<16xf32>
        %mul3A_547 = arith.mulf %gather3A_542, %gather3A_542 : vector<16xf32>
        %add3A_548 = arith.addf %add3A_524, %mul3A_547 : vector<16xf32>
        %mul3A_549 = arith.mulf %gather3A_543, %gather3A_544 : vector<16xf32>
        %add3A_550 = arith.addf %add3A_526, %mul3A_549 : vector<16xf32>
        %mul3A_551 = arith.mulf %gather3A_544, %gather3A_544 : vector<16xf32>
        %add3A_552 = arith.addf %add3A_528, %mul3A_551 : vector<16xf32>
        %add3A_553 = arith.constant 38 : i32
        %add3A_554 = vector.broadcast %add3A_553 : i32 to vector<16xi32>
        %add3A_555 = arith.addi %mul3A_7, %add3A_554 : vector<16xi32>
        %and3A_556 = arith.constant 63 : i32
        %and3A_557 = vector.broadcast %and3A_556 : i32 to vector<16xi32>
        %and3A_558 = arith.andi %add3A_555, %and3A_557 : vector<16xi32>
        %add3A_559 = arith.constant 39 : i32
        %add3A_560 = vector.broadcast %add3A_559 : i32 to vector<16xi32>
        %add3A_561 = arith.addi %mul3A_7, %add3A_560 : vector<16xi32>
        %and3A_562 = arith.constant 63 : i32
        %and3A_563 = vector.broadcast %and3A_562 : i32 to vector<16xi32>
        %and3A_564 = arith.andi %add3A_561, %and3A_563 : vector<16xi32>
        %gather3A_565 = tpu.vector_load_idx %arg11[%add3A_88, %and3A_558] : memref<128x64xf32, #tpu.memory_space<vmem>>[vector<16xi32>, vector<16xi32>], vector<16xf32>,
        %gather3A_566 = tpu.vector_load_idx %arg12[%add3A_90, %and3A_558] : memref<256x64xf32, #tpu.memory_space<vmem>>[vector<16xi32>, vector<16xi32>], vector<16xf32>,
        %gather3A_567 = tpu.vector_load_idx %arg11[%add3A_88, %and3A_564] : memref<128x64xf32, #tpu.memory_space<vmem>>[vector<16xi32>, vector<16xi32>], vector<16xf32>,
        %gather3A_568 = tpu.vector_load_idx %arg12[%add3A_90, %and3A_564] : memref<256x64xf32, #tpu.memory_space<vmem>>[vector<16xi32>, vector<16xi32>], vector<16xf32>,
        %mul3A_569 = arith.mulf %gather3A_565, %gather3A_566 : vector<16xf32>
        %add3A_570 = arith.addf %add3A_546, %mul3A_569 : vector<16xf32>
        %mul3A_571 = arith.mulf %gather3A_566, %gather3A_566 : vector<16xf32>
        %add3A_572 = arith.addf %add3A_548, %mul3A_571 : vector<16xf32>
        %mul3A_573 = arith.mulf %gather3A_567, %gather3A_568 : vector<16xf32>
        %add3A_574 = arith.addf %add3A_550, %mul3A_573 : vector<16xf32>
        %mul3A_575 = arith.mulf %gather3A_568, %gather3A_568 : vector<16xf32>
        %add3A_576 = arith.addf %add3A_552, %mul3A_575 : vector<16xf32>
        %add3A_577 = arith.constant 40 : i32
        %add3A_578 = vector.broadcast %add3A_577 : i32 to vector<16xi32>
        %add3A_579 = arith.addi %mul3A_7, %add3A_578 : vector<16xi32>
        %and3A_580 = arith.constant 63 : i32
        %and3A_581 = vector.broadcast %and3A_580 : i32 to vector<16xi32>
        %and3A_582 = arith.andi %add3A_579, %and3A_581 : vector<16xi32>
        %add3A_583 = arith.constant 41 : i32
        %add3A_584 = vector.broadcast %add3A_583 : i32 to vector<16xi32>
        %add3A_585 = arith.addi %mul3A_7, %add3A_584 : vector<16xi32>
        %and3A_586 = arith.constant 63 : i32
        %and3A_587 = vector.broadcast %and3A_586 : i32 to vector<16xi32>
        %and3A_588 = arith.andi %add3A_585, %and3A_587 : vector<16xi32>
        %gather3A_589 = tpu.vector_load_idx %arg11[%add3A_88, %and3A_582] : memref<128x64xf32, #tpu.memory_space<vmem>>[vector<16xi32>, vector<16xi32>], vector<16xf32>,
        %gather3A_590 = tpu.vector_load_idx %arg12[%add3A_90, %and3A_582] : memref<256x64xf32, #tpu.memory_space<vmem>>[vector<16xi32>, vector<16xi32>], vector<16xf32>,
        %gather3A_591 = tpu.vector_load_idx %arg11[%add3A_88, %and3A_588] : memref<128x64xf32, #tpu.memory_space<vmem>>[vector<16xi32>, vector<16xi32>], vector<16xf32>,
        %gather3A_592 = tpu.vector_load_idx %arg12[%add3A_90, %and3A_588] : memref<256x64xf32, #tpu.memory_space<vmem>>[vector<16xi32>, vector<16xi32>], vector<16xf32>,
        %mul3A_593 = arith.mulf %gather3A_589, %gather3A_590 : vector<16xf32>
        %add3A_594 = arith.addf %add3A_570, %mul3A_593 : vector<16xf32>
        %mul3A_595 = arith.mulf %gather3A_590, %gather3A_590 : vector<16xf32>
        %add3A_596 = arith.addf %add3A_572, %mul3A_595 : vector<16xf32>
        %mul3A_597 = arith.mulf %gather3A_591, %gather3A_592 : vector<16xf32>
        %add3A_598 = arith.addf %add3A_574, %mul3A_597 : vector<16xf32>
        %mul3A_599 = arith.mulf %gather3A_592, %gather3A_592 : vector<16xf32>
        %add3A_600 = arith.addf %add3A_576, %mul3A_599 : vector<16xf32>
        %add3A_601 = arith.constant 42 : i32
        %add3A_602 = vector.broadcast %add3A_601 : i32 to vector<16xi32>
        %add3A_603 = arith.addi %mul3A_7, %add3A_602 : vector<16xi32>
        %and3A_604 = arith.constant 63 : i32
        %and3A_605 = vector.broadcast %and3A_604 : i32 to vector<16xi32>
        %and3A_606 = arith.andi %add3A_603, %and3A_605 : vector<16xi32>
        %add3A_607 = arith.constant 43 : i32
        %add3A_608 = vector.broadcast %add3A_607 : i32 to vector<16xi32>
        %add3A_609 = arith.addi %mul3A_7, %add3A_608 : vector<16xi32>
        %and3A_610 = arith.constant 63 : i32
        %and3A_611 = vector.broadcast %and3A_610 : i32 to vector<16xi32>
        %and3A_612 = arith.andi %add3A_609, %and3A_611 : vector<16xi32>
        %gather3A_613 = tpu.vector_load_idx %arg11[%add3A_88, %and3A_606] : memref<128x64xf32, #tpu.memory_space<vmem>>[vector<16xi32>, vector<16xi32>], vector<16xf32>,
        %gather3A_614 = tpu.vector_load_idx %arg12[%add3A_90, %and3A_606] : memref<256x64xf32, #tpu.memory_space<vmem>>[vector<16xi32>, vector<16xi32>], vector<16xf32>,
        %gather3A_615 = tpu.vector_load_idx %arg11[%add3A_88, %and3A_612] : memref<128x64xf32, #tpu.memory_space<vmem>>[vector<16xi32>, vector<16xi32>], vector<16xf32>,
        %gather3A_616 = tpu.vector_load_idx %arg12[%add3A_90, %and3A_612] : memref<256x64xf32, #tpu.memory_space<vmem>>[vector<16xi32>, vector<16xi32>], vector<16xf32>,
        %mul3A_617 = arith.mulf %gather3A_613, %gather3A_614 : vector<16xf32>
        %add3A_618 = arith.addf %add3A_594, %mul3A_617 : vector<16xf32>
        %mul3A_619 = arith.mulf %gather3A_614, %gather3A_614 : vector<16xf32>
        %add3A_620 = arith.addf %add3A_596, %mul3A_619 : vector<16xf32>
        %mul3A_621 = arith.mulf %gather3A_615, %gather3A_616 : vector<16xf32>
        %add3A_622 = arith.addf %add3A_598, %mul3A_621 : vector<16xf32>
        %mul3A_623 = arith.mulf %gather3A_616, %gather3A_616 : vector<16xf32>
        %add3A_624 = arith.addf %add3A_600, %mul3A_623 : vector<16xf32>
        %add3A_625 = arith.constant 44 : i32
        %add3A_626 = vector.broadcast %add3A_625 : i32 to vector<16xi32>
        %add3A_627 = arith.addi %mul3A_7, %add3A_626 : vector<16xi32>
        %and3A_628 = arith.constant 63 : i32
        %and3A_629 = vector.broadcast %and3A_628 : i32 to vector<16xi32>
        %and3A_630 = arith.andi %add3A_627, %and3A_629 : vector<16xi32>
        %add3A_631 = arith.constant 45 : i32
        %add3A_632 = vector.broadcast %add3A_631 : i32 to vector<16xi32>
        %add3A_633 = arith.addi %mul3A_7, %add3A_632 : vector<16xi32>
        %and3A_634 = arith.constant 63 : i32
        %and3A_635 = vector.broadcast %and3A_634 : i32 to vector<16xi32>
        %and3A_636 = arith.andi %add3A_633, %and3A_635 : vector<16xi32>
        %gather3A_637 = tpu.vector_load_idx %arg11[%add3A_88, %and3A_630] : memref<128x64xf32, #tpu.memory_space<vmem>>[vector<16xi32>, vector<16xi32>], vector<16xf32>,
        %gather3A_638 = tpu.vector_load_idx %arg12[%add3A_90, %and3A_630] : memref<256x64xf32, #tpu.memory_space<vmem>>[vector<16xi32>, vector<16xi32>], vector<16xf32>,
        %gather3A_639 = tpu.vector_load_idx %arg11[%add3A_88, %and3A_636] : memref<128x64xf32, #tpu.memory_space<vmem>>[vector<16xi32>, vector<16xi32>], vector<16xf32>,
        %gather3A_640 = tpu.vector_load_idx %arg12[%add3A_90, %and3A_636] : memref<256x64xf32, #tpu.memory_space<vmem>>[vector<16xi32>, vector<16xi32>], vector<16xf32>,
        %mul3A_641 = arith.mulf %gather3A_637, %gather3A_638 : vector<16xf32>
        %add3A_642 = arith.addf %add3A_618, %mul3A_641 : vector<16xf32>
        %mul3A_643 = arith.mulf %gather3A_638, %gather3A_638 : vector<16xf32>
        %add3A_644 = arith.addf %add3A_620, %mul3A_643 : vector<16xf32>
        %mul3A_645 = arith.mulf %gather3A_639, %gather3A_640 : vector<16xf32>
        %add3A_646 = arith.addf %add3A_622, %mul3A_645 : vector<16xf32>
        %mul3A_647 = arith.mulf %gather3A_640, %gather3A_640 : vector<16xf32>
        %add3A_648 = arith.addf %add3A_624, %mul3A_647 : vector<16xf32>
        %add3A_649 = arith.constant 46 : i32
        %add3A_650 = vector.broadcast %add3A_649 : i32 to vector<16xi32>
        %add3A_651 = arith.addi %mul3A_7, %add3A_650 : vector<16xi32>
        %and3A_652 = arith.constant 63 : i32
        %and3A_653 = vector.broadcast %and3A_652 : i32 to vector<16xi32>
        %and3A_654 = arith.andi %add3A_651, %and3A_653 : vector<16xi32>
        %add3A_655 = arith.constant 47 : i32
        %add3A_656 = vector.broadcast %add3A_655 : i32 to vector<16xi32>
        %add3A_657 = arith.addi %mul3A_7, %add3A_656 : vector<16xi32>
        %and3A_658 = arith.constant 63 : i32
        %and3A_659 = vector.broadcast %and3A_658 : i32 to vector<16xi32>
        %and3A_660 = arith.andi %add3A_657, %and3A_659 : vector<16xi32>
        %gather3A_661 = tpu.vector_load_idx %arg11[%add3A_88, %and3A_654] : memref<128x64xf32, #tpu.memory_space<vmem>>[vector<16xi32>, vector<16xi32>], vector<16xf32>,
        %gather3A_662 = tpu.vector_load_idx %arg12[%add3A_90, %and3A_654] : memref<256x64xf32, #tpu.memory_space<vmem>>[vector<16xi32>, vector<16xi32>], vector<16xf32>,
        %gather3A_663 = tpu.vector_load_idx %arg11[%add3A_88, %and3A_660] : memref<128x64xf32, #tpu.memory_space<vmem>>[vector<16xi32>, vector<16xi32>], vector<16xf32>,
        %gather3A_664 = tpu.vector_load_idx %arg12[%add3A_90, %and3A_660] : memref<256x64xf32, #tpu.memory_space<vmem>>[vector<16xi32>, vector<16xi32>], vector<16xf32>,
        %mul3A_665 = arith.mulf %gather3A_661, %gather3A_662 : vector<16xf32>
        %add3A_666 = arith.addf %add3A_642, %mul3A_665 : vector<16xf32>
        %mul3A_667 = arith.mulf %gather3A_662, %gather3A_662 : vector<16xf32>
        %add3A_668 = arith.addf %add3A_644, %mul3A_667 : vector<16xf32>
        %mul3A_669 = arith.mulf %gather3A_663, %gather3A_664 : vector<16xf32>
        %add3A_670 = arith.addf %add3A_646, %mul3A_669 : vector<16xf32>
        %mul3A_671 = arith.mulf %gather3A_664, %gather3A_664 : vector<16xf32>
        %add3A_672 = arith.addf %add3A_648, %mul3A_671 : vector<16xf32>
        %add3A_673 = arith.constant 48 : i32
        %add3A_674 = vector.broadcast %add3A_673 : i32 to vector<16xi32>
        %add3A_675 = arith.addi %mul3A_7, %add3A_674 : vector<16xi32>
        %and3A_676 = arith.constant 63 : i32
        %and3A_677 = vector.broadcast %and3A_676 : i32 to vector<16xi32>
        %and3A_678 = arith.andi %add3A_675, %and3A_677 : vector<16xi32>
        %add3A_679 = arith.constant 49 : i32
        %add3A_680 = vector.broadcast %add3A_679 : i32 to vector<16xi32>
        %add3A_681 = arith.addi %mul3A_7, %add3A_680 : vector<16xi32>
        %and3A_682 = arith.constant 63 : i32
        %and3A_683 = vector.broadcast %and3A_682 : i32 to vector<16xi32>
        %and3A_684 = arith.andi %add3A_681, %and3A_683 : vector<16xi32>
        %gather3A_685 = tpu.vector_load_idx %arg11[%add3A_88, %and3A_678] : memref<128x64xf32, #tpu.memory_space<vmem>>[vector<16xi32>, vector<16xi32>], vector<16xf32>,
        %gather3A_686 = tpu.vector_load_idx %arg12[%add3A_90, %and3A_678] : memref<256x64xf32, #tpu.memory_space<vmem>>[vector<16xi32>, vector<16xi32>], vector<16xf32>,
        %gather3A_687 = tpu.vector_load_idx %arg11[%add3A_88, %and3A_684] : memref<128x64xf32, #tpu.memory_space<vmem>>[vector<16xi32>, vector<16xi32>], vector<16xf32>,
        %gather3A_688 = tpu.vector_load_idx %arg12[%add3A_90, %and3A_684] : memref<256x64xf32, #tpu.memory_space<vmem>>[vector<16xi32>, vector<16xi32>], vector<16xf32>,
        %mul3A_689 = arith.mulf %gather3A_685, %gather3A_686 : vector<16xf32>
        %add3A_690 = arith.addf %add3A_666, %mul3A_689 : vector<16xf32>
        %mul3A_691 = arith.mulf %gather3A_686, %gather3A_686 : vector<16xf32>
        %add3A_692 = arith.addf %add3A_668, %mul3A_691 : vector<16xf32>
        %mul3A_693 = arith.mulf %gather3A_687, %gather3A_688 : vector<16xf32>
        %add3A_694 = arith.addf %add3A_670, %mul3A_693 : vector<16xf32>
        %mul3A_695 = arith.mulf %gather3A_688, %gather3A_688 : vector<16xf32>
        %add3A_696 = arith.addf %add3A_672, %mul3A_695 : vector<16xf32>
        %add3A_697 = arith.constant 50 : i32
        %add3A_698 = vector.broadcast %add3A_697 : i32 to vector<16xi32>
        %add3A_699 = arith.addi %mul3A_7, %add3A_698 : vector<16xi32>
        %and3A_700 = arith.constant 63 : i32
        %and3A_701 = vector.broadcast %and3A_700 : i32 to vector<16xi32>
        %and3A_702 = arith.andi %add3A_699, %and3A_701 : vector<16xi32>
        %add3A_703 = arith.constant 51 : i32
        %add3A_704 = vector.broadcast %add3A_703 : i32 to vector<16xi32>
        %add3A_705 = arith.addi %mul3A_7, %add3A_704 : vector<16xi32>
        %and3A_706 = arith.constant 63 : i32
        %and3A_707 = vector.broadcast %and3A_706 : i32 to vector<16xi32>
        %and3A_708 = arith.andi %add3A_705, %and3A_707 : vector<16xi32>
        %gather3A_709 = tpu.vector_load_idx %arg11[%add3A_88, %and3A_702] : memref<128x64xf32, #tpu.memory_space<vmem>>[vector<16xi32>, vector<16xi32>], vector<16xf32>,
        %gather3A_710 = tpu.vector_load_idx %arg12[%add3A_90, %and3A_702] : memref<256x64xf32, #tpu.memory_space<vmem>>[vector<16xi32>, vector<16xi32>], vector<16xf32>,
        %gather3A_711 = tpu.vector_load_idx %arg11[%add3A_88, %and3A_708] : memref<128x64xf32, #tpu.memory_space<vmem>>[vector<16xi32>, vector<16xi32>], vector<16xf32>,
        %gather3A_712 = tpu.vector_load_idx %arg12[%add3A_90, %and3A_708] : memref<256x64xf32, #tpu.memory_space<vmem>>[vector<16xi32>, vector<16xi32>], vector<16xf32>,
        %mul3A_713 = arith.mulf %gather3A_709, %gather3A_710 : vector<16xf32>
        %add3A_714 = arith.addf %add3A_690, %mul3A_713 : vector<16xf32>
        %mul3A_715 = arith.mulf %gather3A_710, %gather3A_710 : vector<16xf32>
        %add3A_716 = arith.addf %add3A_692, %mul3A_715 : vector<16xf32>
        %mul3A_717 = arith.mulf %gather3A_711, %gather3A_712 : vector<16xf32>
        %add3A_718 = arith.addf %add3A_694, %mul3A_717 : vector<16xf32>
        %mul3A_719 = arith.mulf %gather3A_712, %gather3A_712 : vector<16xf32>
        %add3A_720 = arith.addf %add3A_696, %mul3A_719 : vector<16xf32>
        %add3A_721 = arith.constant 52 : i32
        %add3A_722 = vector.broadcast %add3A_721 : i32 to vector<16xi32>
        %add3A_723 = arith.addi %mul3A_7, %add3A_722 : vector<16xi32>
        %and3A_724 = arith.constant 63 : i32
        %and3A_725 = vector.broadcast %and3A_724 : i32 to vector<16xi32>
        %and3A_726 = arith.andi %add3A_723, %and3A_725 : vector<16xi32>
        %add3A_727 = arith.constant 53 : i32
        %add3A_728 = vector.broadcast %add3A_727 : i32 to vector<16xi32>
        %add3A_729 = arith.addi %mul3A_7, %add3A_728 : vector<16xi32>
        %and3A_730 = arith.constant 63 : i32
        %and3A_731 = vector.broadcast %and3A_730 : i32 to vector<16xi32>
        %and3A_732 = arith.andi %add3A_729, %and3A_731 : vector<16xi32>
        %gather3A_733 = tpu.vector_load_idx %arg11[%add3A_88, %and3A_726] : memref<128x64xf32, #tpu.memory_space<vmem>>[vector<16xi32>, vector<16xi32>], vector<16xf32>,
        %gather3A_734 = tpu.vector_load_idx %arg12[%add3A_90, %and3A_726] : memref<256x64xf32, #tpu.memory_space<vmem>>[vector<16xi32>, vector<16xi32>], vector<16xf32>,
        %gather3A_735 = tpu.vector_load_idx %arg11[%add3A_88, %and3A_732] : memref<128x64xf32, #tpu.memory_space<vmem>>[vector<16xi32>, vector<16xi32>], vector<16xf32>,
        %gather3A_736 = tpu.vector_load_idx %arg12[%add3A_90, %and3A_732] : memref<256x64xf32, #tpu.memory_space<vmem>>[vector<16xi32>, vector<16xi32>], vector<16xf32>,
        %mul3A_737 = arith.mulf %gather3A_733, %gather3A_734 : vector<16xf32>
        %add3A_738 = arith.addf %add3A_714, %mul3A_737 : vector<16xf32>
        %mul3A_739 = arith.mulf %gather3A_734, %gather3A_734 : vector<16xf32>
        %add3A_740 = arith.addf %add3A_716, %mul3A_739 : vector<16xf32>
        %mul3A_741 = arith.mulf %gather3A_735, %gather3A_736 : vector<16xf32>
        %add3A_742 = arith.addf %add3A_718, %mul3A_741 : vector<16xf32>
        %mul3A_743 = arith.mulf %gather3A_736, %gather3A_736 : vector<16xf32>
        %add3A_744 = arith.addf %add3A_720, %mul3A_743 : vector<16xf32>
        %add3A_745 = arith.constant 54 : i32
        %add3A_746 = vector.broadcast %add3A_745 : i32 to vector<16xi32>
        %add3A_747 = arith.addi %mul3A_7, %add3A_746 : vector<16xi32>
        %and3A_748 = arith.constant 63 : i32
        %and3A_749 = vector.broadcast %and3A_748 : i32 to vector<16xi32>
        %and3A_750 = arith.andi %add3A_747, %and3A_749 : vector<16xi32>
        %add3A_751 = arith.constant 55 : i32
        %add3A_752 = vector.broadcast %add3A_751 : i32 to vector<16xi32>
        %add3A_753 = arith.addi %mul3A_7, %add3A_752 : vector<16xi32>
        %and3A_754 = arith.constant 63 : i32
        %and3A_755 = vector.broadcast %and3A_754 : i32 to vector<16xi32>
        %and3A_756 = arith.andi %add3A_753, %and3A_755 : vector<16xi32>
        %gather3A_757 = tpu.vector_load_idx %arg11[%add3A_88, %and3A_750] : memref<128x64xf32, #tpu.memory_space<vmem>>[vector<16xi32>, vector<16xi32>], vector<16xf32>,
        %gather3A_758 = tpu.vector_load_idx %arg12[%add3A_90, %and3A_750] : memref<256x64xf32, #tpu.memory_space<vmem>>[vector<16xi32>, vector<16xi32>], vector<16xf32>,
        %gather3A_759 = tpu.vector_load_idx %arg11[%add3A_88, %and3A_756] : memref<128x64xf32, #tpu.memory_space<vmem>>[vector<16xi32>, vector<16xi32>], vector<16xf32>,
        %gather3A_760 = tpu.vector_load_idx %arg12[%add3A_90, %and3A_756] : memref<256x64xf32, #tpu.memory_space<vmem>>[vector<16xi32>, vector<16xi32>], vector<16xf32>,
        %mul3A_761 = arith.mulf %gather3A_757, %gather3A_758 : vector<16xf32>
        %add3A_762 = arith.addf %add3A_738, %mul3A_761 : vector<16xf32>
        %mul3A_763 = arith.mulf %gather3A_758, %gather3A_758 : vector<16xf32>
        %add3A_764 = arith.addf %add3A_740, %mul3A_763 : vector<16xf32>
        %mul3A_765 = arith.mulf %gather3A_759, %gather3A_760 : vector<16xf32>
        %add3A_766 = arith.addf %add3A_742, %mul3A_765 : vector<16xf32>
        %mul3A_767 = arith.mulf %gather3A_760, %gather3A_760 : vector<16xf32>
        %add3A_768 = arith.addf %add3A_744, %mul3A_767 : vector<16xf32>
        %add3A_769 = arith.constant 56 : i32
        %add3A_770 = vector.broadcast %add3A_769 : i32 to vector<16xi32>
        %add3A_771 = arith.addi %mul3A_7, %add3A_770 : vector<16xi32>
        %and3A_772 = arith.constant 63 : i32
        %and3A_773 = vector.broadcast %and3A_772 : i32 to vector<16xi32>
        %and3A_774 = arith.andi %add3A_771, %and3A_773 : vector<16xi32>
        %add3A_775 = arith.constant 57 : i32
        %add3A_776 = vector.broadcast %add3A_775 : i32 to vector<16xi32>
        %add3A_777 = arith.addi %mul3A_7, %add3A_776 : vector<16xi32>
        %and3A_778 = arith.constant 63 : i32
        %and3A_779 = vector.broadcast %and3A_778 : i32 to vector<16xi32>
        %and3A_780 = arith.andi %add3A_777, %and3A_779 : vector<16xi32>
        %gather3A_781 = tpu.vector_load_idx %arg11[%add3A_88, %and3A_774] : memref<128x64xf32, #tpu.memory_space<vmem>>[vector<16xi32>, vector<16xi32>], vector<16xf32>,
        %gather3A_782 = tpu.vector_load_idx %arg12[%add3A_90, %and3A_774] : memref<256x64xf32, #tpu.memory_space<vmem>>[vector<16xi32>, vector<16xi32>], vector<16xf32>,
        %gather3A_783 = tpu.vector_load_idx %arg11[%add3A_88, %and3A_780] : memref<128x64xf32, #tpu.memory_space<vmem>>[vector<16xi32>, vector<16xi32>], vector<16xf32>,
        %gather3A_784 = tpu.vector_load_idx %arg12[%add3A_90, %and3A_780] : memref<256x64xf32, #tpu.memory_space<vmem>>[vector<16xi32>, vector<16xi32>], vector<16xf32>,
        %mul3A_785 = arith.mulf %gather3A_781, %gather3A_782 : vector<16xf32>
        %add3A_786 = arith.addf %add3A_762, %mul3A_785 : vector<16xf32>
        %mul3A_787 = arith.mulf %gather3A_782, %gather3A_782 : vector<16xf32>
        %add3A_788 = arith.addf %add3A_764, %mul3A_787 : vector<16xf32>
        %mul3A_789 = arith.mulf %gather3A_783, %gather3A_784 : vector<16xf32>
        %add3A_790 = arith.addf %add3A_766, %mul3A_789 : vector<16xf32>
        %mul3A_791 = arith.mulf %gather3A_784, %gather3A_784 : vector<16xf32>
        %add3A_792 = arith.addf %add3A_768, %mul3A_791 : vector<16xf32>
        %add3A_793 = arith.constant 58 : i32
        %add3A_794 = vector.broadcast %add3A_793 : i32 to vector<16xi32>
        %add3A_795 = arith.addi %mul3A_7, %add3A_794 : vector<16xi32>
        %and3A_796 = arith.constant 63 : i32
        %and3A_797 = vector.broadcast %and3A_796 : i32 to vector<16xi32>
        %and3A_798 = arith.andi %add3A_795, %and3A_797 : vector<16xi32>
        %add3A_799 = arith.constant 59 : i32
        %add3A_800 = vector.broadcast %add3A_799 : i32 to vector<16xi32>
        %add3A_801 = arith.addi %mul3A_7, %add3A_800 : vector<16xi32>
        %and3A_802 = arith.constant 63 : i32
        %and3A_803 = vector.broadcast %and3A_802 : i32 to vector<16xi32>
        %and3A_804 = arith.andi %add3A_801, %and3A_803 : vector<16xi32>
        %gather3A_805 = tpu.vector_load_idx %arg11[%add3A_88, %and3A_798] : memref<128x64xf32, #tpu.memory_space<vmem>>[vector<16xi32>, vector<16xi32>], vector<16xf32>,
        %gather3A_806 = tpu.vector_load_idx %arg12[%add3A_90, %and3A_798] : memref<256x64xf32, #tpu.memory_space<vmem>>[vector<16xi32>, vector<16xi32>], vector<16xf32>,
        %gather3A_807 = tpu.vector_load_idx %arg11[%add3A_88, %and3A_804] : memref<128x64xf32, #tpu.memory_space<vmem>>[vector<16xi32>, vector<16xi32>], vector<16xf32>,
        %gather3A_808 = tpu.vector_load_idx %arg12[%add3A_90, %and3A_804] : memref<256x64xf32, #tpu.memory_space<vmem>>[vector<16xi32>, vector<16xi32>], vector<16xf32>,
        %mul3A_809 = arith.mulf %gather3A_805, %gather3A_806 : vector<16xf32>
        %add3A_810 = arith.addf %add3A_786, %mul3A_809 : vector<16xf32>
        %mul3A_811 = arith.mulf %gather3A_806, %gather3A_806 : vector<16xf32>
        %add3A_812 = arith.addf %add3A_788, %mul3A_811 : vector<16xf32>
        %mul3A_813 = arith.mulf %gather3A_807, %gather3A_808 : vector<16xf32>
        %add3A_814 = arith.addf %add3A_790, %mul3A_813 : vector<16xf32>
        %mul3A_815 = arith.mulf %gather3A_808, %gather3A_808 : vector<16xf32>
        %add3A_816 = arith.addf %add3A_792, %mul3A_815 : vector<16xf32>
        %add3A_817 = arith.constant 60 : i32
        %add3A_818 = vector.broadcast %add3A_817 : i32 to vector<16xi32>
        %add3A_819 = arith.addi %mul3A_7, %add3A_818 : vector<16xi32>
        %and3A_820 = arith.constant 63 : i32
        %and3A_821 = vector.broadcast %and3A_820 : i32 to vector<16xi32>
        %and3A_822 = arith.andi %add3A_819, %and3A_821 : vector<16xi32>
        %add3A_823 = arith.constant 61 : i32
        %add3A_824 = vector.broadcast %add3A_823 : i32 to vector<16xi32>
        %add3A_825 = arith.addi %mul3A_7, %add3A_824 : vector<16xi32>
        %and3A_826 = arith.constant 63 : i32
        %and3A_827 = vector.broadcast %and3A_826 : i32 to vector<16xi32>
        %and3A_828 = arith.andi %add3A_825, %and3A_827 : vector<16xi32>
        %gather3A_829 = tpu.vector_load_idx %arg11[%add3A_88, %and3A_822] : memref<128x64xf32, #tpu.memory_space<vmem>>[vector<16xi32>, vector<16xi32>], vector<16xf32>,
        %gather3A_830 = tpu.vector_load_idx %arg12[%add3A_90, %and3A_822] : memref<256x64xf32, #tpu.memory_space<vmem>>[vector<16xi32>, vector<16xi32>], vector<16xf32>,
        %gather3A_831 = tpu.vector_load_idx %arg11[%add3A_88, %and3A_828] : memref<128x64xf32, #tpu.memory_space<vmem>>[vector<16xi32>, vector<16xi32>], vector<16xf32>,
        %gather3A_832 = tpu.vector_load_idx %arg12[%add3A_90, %and3A_828] : memref<256x64xf32, #tpu.memory_space<vmem>>[vector<16xi32>, vector<16xi32>], vector<16xf32>,
        %mul3A_833 = arith.mulf %gather3A_829, %gather3A_830 : vector<16xf32>
        %add3A_834 = arith.addf %add3A_810, %mul3A_833 : vector<16xf32>
        %mul3A_835 = arith.mulf %gather3A_830, %gather3A_830 : vector<16xf32>
        %add3A_836 = arith.addf %add3A_812, %mul3A_835 : vector<16xf32>
        %mul3A_837 = arith.mulf %gather3A_831, %gather3A_832 : vector<16xf32>
        %add3A_838 = arith.addf %add3A_814, %mul3A_837 : vector<16xf32>
        %mul3A_839 = arith.mulf %gather3A_832, %gather3A_832 : vector<16xf32>
        %add3A_840 = arith.addf %add3A_816, %mul3A_839 : vector<16xf32>
        %add3A_841 = arith.constant 62 : i32
        %add3A_842 = vector.broadcast %add3A_841 : i32 to vector<16xi32>
        %add3A_843 = arith.addi %mul3A_7, %add3A_842 : vector<16xi32>
        %and3A_844 = arith.constant 63 : i32
        %and3A_845 = vector.broadcast %and3A_844 : i32 to vector<16xi32>
        %and3A_846 = arith.andi %add3A_843, %and3A_845 : vector<16xi32>
        %add3A_847 = arith.constant 63 : i32
        %add3A_848 = vector.broadcast %add3A_847 : i32 to vector<16xi32>
        %add3A_849 = arith.addi %mul3A_7, %add3A_848 : vector<16xi32>
        %and3A_850 = arith.constant 63 : i32
        %and3A_851 = vector.broadcast %and3A_850 : i32 to vector<16xi32>
        %and3A_852 = arith.andi %add3A_849, %and3A_851 : vector<16xi32>
        %gather3A_853 = tpu.vector_load_idx %arg11[%add3A_88, %and3A_846] : memref<128x64xf32, #tpu.memory_space<vmem>>[vector<16xi32>, vector<16xi32>], vector<16xf32>,
        %gather3A_854 = tpu.vector_load_idx %arg12[%add3A_90, %and3A_846] : memref<256x64xf32, #tpu.memory_space<vmem>>[vector<16xi32>, vector<16xi32>], vector<16xf32>,
        %gather3A_855 = tpu.vector_load_idx %arg11[%add3A_88, %and3A_852] : memref<128x64xf32, #tpu.memory_space<vmem>>[vector<16xi32>, vector<16xi32>], vector<16xf32>,
        %gather3A_856 = tpu.vector_load_idx %arg12[%add3A_90, %and3A_852] : memref<256x64xf32, #tpu.memory_space<vmem>>[vector<16xi32>, vector<16xi32>], vector<16xf32>,
        %mul3A_857 = arith.mulf %gather3A_853, %gather3A_854 : vector<16xf32>
        %add3A_858 = arith.addf %add3A_834, %mul3A_857 : vector<16xf32>
        %mul3A_859 = arith.mulf %gather3A_854, %gather3A_854 : vector<16xf32>
        %add3A_860 = arith.addf %add3A_836, %mul3A_859 : vector<16xf32>
        %mul3A_861 = arith.mulf %gather3A_855, %gather3A_856 : vector<16xf32>
        %add3A_862 = arith.addf %add3A_838, %mul3A_861 : vector<16xf32>
        %mul3A_863 = arith.mulf %gather3A_856, %gather3A_856 : vector<16xf32>
        %add3A_864 = arith.addf %add3A_840, %mul3A_863 : vector<16xf32>
        %mul3A_865 = arith.constant 20 : i32
        %mul3A_866 = vector.broadcast %mul3A_865 : i32 to vector<16xi32>
        %mul3A_867 = arith.muli %add3A_88, %mul3A_866 : vector<16xi32>
        %add3A_868 = arith.addi %mul3A_867, %broadcast_in_dim3A_74 : vector<16xi32>
        %add3A_869 = arith.addf %add3A_858, %add3A_862 : vector<16xf32>
        tpu.vector_store_idx %arg13[%add3A_868], %add3A_869 : memref<2560xf32, #tpu.memory_space<vmem>>[vector<16xi32>], vector<16xf32>,
        %add3A_870 = arith.addf %add3A_860, %add3A_864 : vector<16xf32>
        %add3A_871 = arith.addf %scan3A_84, %add3A_870 : vector<16xf32>
        scf.yield %add3A_871 : vector<16xf32>
      }
      %scan3A_82 = arith.constant 8 : i32
      scf.yield %scan3A_81 : vector<16xf32>
    }
    %scan3A_44 = arith.constant 20 : i32
    %mul3A_45 = arith.constant 20 : i32
    %mul3A_46 = arith.muli %mul3A_2, %mul3A_45 : i32
    "tpu.region"() ({
      %run_scoped3A = tpu.sem_alloc : memref<!tpu.dma_semaphore, #tpu.memory_space<semaphore_mem>>
      %dma_start3A_54 = tpu.memref_slice %arg6[%mul3A_46] : memref<81920xf32, #tpu.memory_space<hbm>> -> memref<2560xf32, #tpu.memory_space<hbm>>
      %dma_start3A_55 = tpu.memref_slice %arg6[%mul3A_46] : memref<81920xf32, #tpu.memory_space<hbm>> -> memref<2560xf32, #tpu.memory_space<hbm>>
      tpu.enqueue_dma source(%arg13 : memref<2560xf32, #tpu.memory_space<vmem>>) target(%dma_start3A_55 : memref<2560xf32, #tpu.memory_space<hbm>>) target_semaphore(%run_scoped3A : memref<!tpu.dma_semaphore, #tpu.memory_space<semaphore_mem>>)
      %dma_wait3A_56 = tpu.memref_slice %arg6[%mul3A_46] : memref<81920xf32, #tpu.memory_space<hbm>> -> memref<2560xf32, #tpu.memory_space<hbm>>
      %dma_wait3A_57 = tpu.memref_slice %arg6[%mul3A_46] : memref<81920xf32, #tpu.memory_space<hbm>> -> memref<2560xf32, #tpu.memory_space<hbm>>
      tpu.wait_dma2 semaphore(%run_scoped3A : memref<!tpu.dma_semaphore, #tpu.memory_space<semaphore_mem>>) src(%arg13 : memref<2560xf32, #tpu.memory_space<vmem>>) dst(%dma_wait3A_57 : memref<2560xf32, #tpu.memory_space<hbm>>)
      tpu.yield
    }) : () -> ()
    %mul3A_47 = arith.constant 2.000000e+01 : f32
    %mul3A_48 = vector.broadcast %mul3A_47 : f32 to vector<16xf32>
    %mul3A_49 = arith.mulf %mul3A_48, %scan3A_35 : vector<16xf32>
    %add3A_50 = arith.addf %mul3A_49, %scan3A_43 : vector<16xf32>
    %swap3A = arith.constant 0 : index
    %swap3A_51 = tpu.vector_load %arg14[%swap3A] {strides = array<i32>} : memref<16xf32, #tpu.memory_space<vmem>>, vector<16xf32>,
    tpu.vector_store %arg14[%swap3A], %add3A_50 {strides = array<i32>} : memref<16xf32, #tpu.memory_space<vmem>>, vector<16xf32>,
    %mul3A_52 = arith.constant 16 : i32
    %mul3A_53 = arith.muli %add3A, %mul3A_52 : i32
    "tpu.region"() ({
      %run_scoped3A = tpu.sem_alloc : memref<!tpu.dma_semaphore, #tpu.memory_space<semaphore_mem>>
      %dma_start3A_54 = tpu.memref_slice %arg7[%mul3A_53] : memref<512xf32, #tpu.memory_space<hbm>> -> memref<16xf32, #tpu.memory_space<hbm>>
      %dma_start3A_55 = tpu.memref_slice %arg7[%mul3A_53] : memref<512xf32, #tpu.memory_space<hbm>> -> memref<16xf32, #tpu.memory_space<hbm>>
      tpu.enqueue_dma source(%arg14 : memref<16xf32, #tpu.memory_space<vmem>>) target(%dma_start3A_55 : memref<16xf32, #tpu.memory_space<hbm>>) target_semaphore(%run_scoped3A : memref<!tpu.dma_semaphore, #tpu.memory_space<semaphore_mem>>)
      %dma_wait3A_56 = tpu.memref_slice %arg7[%mul3A_53] : memref<512xf32, #tpu.memory_space<hbm>> -> memref<16xf32, #tpu.memory_space<hbm>>
      %dma_wait3A_57 = tpu.memref_slice %arg7[%mul3A_53] : memref<512xf32, #tpu.memory_space<hbm>> -> memref<16xf32, #tpu.memory_space<hbm>>
      tpu.wait_dma2 semaphore(%run_scoped3A : memref<!tpu.dma_semaphore, #tpu.memory_space<semaphore_mem>>) src(%arg14 : memref<16xf32, #tpu.memory_space<vmem>>) dst(%dma_wait3A_57 : memref<16xf32, #tpu.memory_space<hbm>>)
      tpu.yield
    }) : () -> ()
    return
  }
}

</mosaic_0001>

<sc_bundles>
// kernel: kernel.3.cloned.1.call-start
scs
__scs_entry_jumppad:
0x0: {  	(pc) =	sbr.rel $0x88, $3  }
0x1: {  	(tag) =	ssettag $0x0;
	lr =	simm.s32 $0x1  }
0x2: {  	[smem:$0x3F9D] =	sst lr;
	_ =	strace $0xD0000000  }
0x3: {  	_ = 	snop  }
0x4: {  	_ = 	snop  }
0x5: {  	_ = 	snop  }
0x6: {  	_ = 	snop  }
0x7: {  	_ = 	snop  }
__scs_overlays_trampoline_lowered:
0x8: {  	[smem:$0x3FAC] =	sst s0  }
0x9: {  	[smem:$0x3FAD] =	sst s1  }
0xa: {  	[smem:$0x3FAE] =	sst s2  }
0xb: {  	[smem:$0x3FAF] =	sst s3  }
0xc: {  	[smem:$0x3FB0] =	sst s4  }
0xd: {  	[smem:$0x3FB1] =	sst s5  }
0xe: {  	[smem:$0x3FB2] =	sst s6  }
0xf: {  	[smem:$0x3FB3] =	sst s7  }
0x10: {  	[smem:$0x3FB4] =	sst s8  }
0x11: {  	[smem:$0x3FB5] =	sst s9;
	s0 =	simm.s32 @!p0 $0x0  }
0x12: {  	s1 =	sld [smem:$0x3F9B];
	s0 =	simm.s32 @p0 $0x1  }
0x13: {  	[smem:$0x3FB6] =	sst s0;
	s0 =	simm.s32 @!p1 $0x0  }
0x14: {  	s2 =	sld [smem:$0x3F9A];
	s0 =	simm.s32 @p1 $0x1  }
0x15: {  	[smem:$0x3FB7] =	sst s0;
	s0 =	simm.s32 @!p2 $0x0  }
0x16: {  	s3 =	sld [smem:$0x3FDB];
	s0 =	simm.s32 @p2 $0x1  }
0x17: {  	s4 =	simm.s32 $0x1BF5;
	[smem:$0x3FB9] =	sst s0  }
0x18: {  	s0 =	sld [smem:$0x3F9C];
	_ =	swait.ge [sflag:s4], $0x0  }
0x19: {  	s7 =	sld [smem:$0x3F9D]  }
0x1a: {  	s8 =	sadd.s32 $0xFFFFE003, lr  }
0x1b: {  	s9 =	sadd.s32 $0xFFFFFEF7, lr;
	s5 =	simm.s32 $0xFFFFFFFF;
	p2 =	slt.u32 s8, $0xFFFFF086  }
0x1c: {  	p1 =	slt.u32 s9, $0xF7A;
	s5 =	simm.s32 @!p2 $0x0  }
0x1d: {  	s5 =	simm.s32 @p1 $0x1;
	p0 =	seq.s32 s7, s2  }
0x1e: {  	s7 =	smul.u32 @!p0 $0xF7A, s2;
	p2 =	seq.s32 @!p0 s5, $0x0  }
0x1f: {  	s9 =	smul.u32 $0xF7A, s1;
	s8 =	simm.s32 @!p0 $0x1BF5;
	p2 =	por !p2, p0  }
0x20: {  	[sflag:s8] =	ssyncset.s32 @!p0 $0xFFFFF086;
	s6 =	sadd.s32 @!p0 s3, s7;
	s7 =	simm.s32 @!p0 $0x108  }
0x21: {  	s3 =	sadd.s32 s3, s9;
	s6 =	sadd.s32 @!p0 $0x88, s6;
	s7 =	simm.s32 @p2 $0x1082  }
0x22: {  	[simem:s7], [sflag:s8] =	dma.local @!p0 [hbm:s6], $0xF7A  }
0x23: {  	s9 =	sor.u32 $0xD0000000, s2;
	s6 =	simm.s32 $0x108;
	_ =	swait.ge @!p0 [sflag:s8], $0x0  }
0x24: {  	s3 =	sadd.s32 $0x88, s3;
	s6 =	simm.s32 @!p1 $0x1082;
	[sflag:s4] =	ssyncset.s32 $0xFFFFF086  }
0x25: {  	[simem:s6], [sflag:s4] =	dma.local [hbm:s3], $0xF7A  }
0x26: {  	[smem:$0x3F9D] =	sst s1;
	(tag) =	ssettag s2;
	_ =	strace s9  }
0x27: {  	s1 =	sld [smem:$0x3FAD]  }
0x28: {  	s2 =	sld [smem:$0x3FAE]  }
0x29: {  	s4 =	sld [smem:$0x3FB0]  }
0x2a: {  	p0 =	seq.s32 s5, $0x0;
	s5 =	sld [smem:$0x3FB1]  }
0x2b: {  	s6 =	sld [smem:$0x3FB2]  }
0x2c: {  	s7 =	sld [smem:$0x3FB3]  }
0x2d: {  	s3 =	simm.s32 $0x108;
	s8 =	sld [smem:$0x3FB4]  }
0x2e: {  	s3 =	simm.s32 @!p0 $0x1082;
	s9 =	sld [smem:$0x3FB5]  }
0x2f: {  	lr =	sadd.s32 s0, s3;
	s0 =	sld [smem:$0x3FAC]  }
0x30: {  	s3 =	sld [smem:$0x3FAF]  }
0x31: {  	[smem:$0x3FB8] =	sst s10  }
0x32: {  	s10 =	sld [smem:$0x3FB6];
	_ =	sdelay $0x3  }
0x33: {  	p0 =	seq.s32 s10, $0x1;
	s10 =	sld [smem:$0x3FB8];
	_ =	sdelay $0x3  }
0x34: {  	[smem:$0x3FB8] =	sst s10  }
0x35: {  	s10 =	sld [smem:$0x3FB7];
	_ =	sdelay $0x3  }
0x36: {  	p1 =	seq.s32 s10, $0x1;
	s10 =	sld [smem:$0x3FB8];
	_ =	sdelay $0x3  }
0x37: {  	[smem:$0x3FB8] =	sst s10  }
0x38: {  	s10 =	sld [smem:$0x3FB9]  }
0x39: {  	_ = 	snop;
	(pc) =	sbr.ind lr, $3  }
0x3a: {  	_ = 	snop  }
0x3b: {  	_ = 	snop  }
0x3c: {  	p2 =	seq.s32 s10, $0x1;
	s10 =	sld [smem:$0x3FB8]  }
0x3d: {  	_ =	shalt  }
0x3e: {  	_ =	shalt  }
0x3f: {  	_ =	shalt  }
0x40: {  	_ =	shalt  }
0x41: {  	_ =	shalt  }
0x42: {  	_ =	shalt  }
0x43: {  	_ =	shalt  }
0x44: {  	_ =	shalt  }
0x45: {  	_ =	shalt  }
0x46: {  	_ =	shalt  }
0x47: {  	_ =	shalt  }
0x48: {  	_ =	shalt  }
0x49: {  	_ =	shalt  }
0x4a: {  	_ =	shalt  }
0x4b: {  	_ =	shalt  }
0x4c: {  	_ =	shalt  }
0x4d: {  	_ =	shalt  }
0x4e: {  	_ =	shalt  }
0x4f: {  	_ =	shalt  }
0x50: {  	_ =	shalt  }
0x51: {  	_ =	shalt  }
0x52: {  	_ =	shalt  }
0x53: {  	_ =	shalt  }
0x54: {  	_ =	shalt  }
0x55: {  	_ =	shalt  }
0x56: {  	_ =	shalt  }
0x57: {  	_ =	shalt  }
0x58: {  	_ =	shalt  }
0x59: {  	_ =	shalt  }
0x5a: {  	_ =	shalt  }
0x5b: {  	_ =	shalt  }
0x5c: {  	_ =	shalt  }
0x5d: {  	_ =	shalt  }
0x5e: {  	_ =	shalt  }
0x5f: {  	_ =	shalt  }
0x60: {  	_ =	shalt  }
0x61: {  	_ =	shalt  }
0x62: {  	_ =	shalt  }
0x63: {  	_ =	shalt  }
0x64: {  	_ =	shalt  }
0x65: {  	_ =	shalt  }
0x66: {  	_ =	shalt  }
0x67: {  	_ =	shalt  }
0x68: {  	_ =	shalt  }
0x69: {  	_ =	shalt  }
0x6a: {  	_ =	shalt  }
0x6b: {  	_ =	shalt  }
0x6c: {  	_ =	shalt  }
0x6d: {  	_ =	shalt  }
0x6e: {  	_ =	shalt  }
0x6f: {  	_ =	shalt  }
0x70: {  	_ =	shalt  }
0x71: {  	_ =	shalt  }
0x72: {  	_ =	shalt  }
0x73: {  	_ =	shalt  }
0x74: {  	_ =	shalt  }
0x75: {  	_ =	shalt  }
0x76: {  	_ =	shalt  }
0x77: {  	_ =	shalt  }
0x78: {  	_ =	shalt  }
0x79: {  	_ =	shalt  }
0x7a: {  	_ =	shalt  }
0x7b: {  	_ =	shalt  }
0x7c: {  	_ =	shalt  }
0x7d: {  	_ =	shalt  }
0x7e: {  	_ =	shalt  }
0x7f: {  	_ =	shalt  }
0x80: {  	_ =	shalt  }
0x81: {  	_ =	shalt  }
0x82: {  	_ =	shalt  }
0x83: {  	_ =	shalt  }
0x84: {  	_ =	shalt  }
0x85: {  	_ =	shalt  }
0x86: {  	_ =	shalt  }
0x87: {  	_ =	shalt  }
.Lfunc_end0:
.L_simem_size_0:
called_computation_lowered:
.L_overlay_start_0:
0x88: {  	s2 =	sld [smem:$0x3FD9]  }
0x89: {  	s3 =	sld [smem:$0x3FFE];
	_ =	sdelay $0x1  }
0x8a: {  	s1 =	srdreg.scid  }
0x8b: {  	s0 =	sand.u32 $0x1, s1  }
0x8c: {  	s14 =	sshll.u32 s0, $0xA;
	s2 =	sadd.s32 s3, s2  }
0x8d: {  	s2 =	sadd.s32 s2, s14  }
0x8e: {  	[smem:$0x3FC4] =	sst s2  }
0x8f: {  	_ = 	snop  }
0x90: {  	s2 =	sld [smem:$0x3FD0];
	_ =	sdelay $0x2  }
0x91: {  	s4 =	simm.s32 $0xA;
	s5 =	simm.s32 $0x10;
	s15 =	sld [smem:$0x3FC9]  }
0x92: {  	[smem:s5], [sflag:s4] =	dma.local [hbm:s2], $0x1  }
0x93: {  	_ =	swait.eq [sflag:s4], $0x1  }
0x94: {  	[sflag:s4] =	ssyncset.done $0x0  }
0x95: {  	[sflag:s4] =	ssyncadd.s32 $0xFFFFFFFF  }
0x96: {  	s16 =	sld [smem:$0x10];
	(tm) =	ssettm $0x1  }
0x97: {  	s17 =	sld [smem:$0x3FFB];
	_ =	sdelay $0x3  }
0x98: {  	_ =	strace s17  }
0x99: {  	s4 =	sld [smem:$0x3FFC];
	_ =	sdelay $0x3  }
0x9a: {  	_ =	strace s4  }
0x9b: {  	s4 =	sld [smem:$0x3FFD];
	_ =	sdelay $0x3  }
0x9c: {  	_ =	strace s4  }
0x9d: {  	_ =	strace $0x8FFFFFFF  }
0x9e: {  	s18 =	sld [smem:$0x3FDB];
	_ =	sdelay $0x1  }
0x9f: {  	s19 =	simm.s32 $_scs_section_size  }
0xa0: {  	s6 =	simm.s32 $_size__tile_overlayer_lowered;
	s7 =	simm.s32 $_tile_overlayer_lowered  }
0xa1: {  	s22 =	simm.s32 $0x1BFF;
	s21 =	sshll.u32 s7, $0x1;
	s4 =	sadd.s32 s19, s18  }
0xa2: {  	s8 =	simm.s32 $0x0;
	s20 =	sshll.u32 s6, $0x1;
	s6 =	sadd.s32 s21, s4  }
0xa3: {  	[timem:s8], [sflag:s22] =	dma.local [hbm:s6], s20  }
0xa4: {  	_ =	swait.ge [sflag:s22], s20  }
0xa5: {  	s5 =	ssub.s32 $0x0, s20;
	[sflag:s22] =	ssyncset.done $0x0  }
0xa6: {  	[sflag:s22] =	ssyncadd.s32 s5;
	_ =	sdelay $0x1  }
0xa7: {  	s23 =	simm.s32 $0x1B8B  }
0xa8: {  	_ =	swait.ge [sflag:s23], $0x1  }
0xa9: {  	[sflag:s23] =	ssyncset.done $0x0  }
0xaa: {  	s25 =	simm.s32 $0x1B8E;
	s24 =	sld [smem:$0x3FFE];
	[sflag:s23] =	ssyncadd.s32 $0xFFFFFFFF  }
0xab: {  	s26 =	simm.s32 $execute0_lowered;
	[smem:$0x3FD2] =	sst s25  }
0xac: {  	s6 =	sshll.u32 s26, $0x1;
	_ =	strace $0x80000046;
	[dreg:$0x1] =	wrdreg $0xFFFFFFFF  }
0xad: {  	s28 =	simm.s32 $_size_execute0_lowered;
	s4 =	sadd.s32 s4, s6;
	[dreg:$0x0] =	wrdreg $0x0  }
0xae: {  	s6 =	sshll.u32 s28, $0x1;
	[dreg:$0x2] =	wrdreg s4  }
0xaf: {  	[dreg:$0x3] =	wrdreg s6  }
0xb0: {  	[dreg:$0x4] =	wrdreg $0xC0  }
0xb1: {  	_ =	task [dreg:s8], $0x5FFFF  }
0xb2: {  	[dreg:$0x1] =	wrdreg $0xFFFFFFFF  }
0xb3: {  	[dreg:$0x0] =	wrdreg $0x60  }
0xb4: {  	[dreg:$0x2] =	wrdreg s15  }
0xb5: {  	[dreg:$0x3] =	wrdreg s16  }
0xb6: {  	[dreg:$0x4] =	wrdreg s24  }
0xb7: {  	[dreg:$0x5] =	wrdreg $0x9  }
0xb8: {  	_ =	task.clear_ibuf [dreg:s8], $0x6FFFF;
	_ =	strace $0x90000046  }
0xb9: {  	s29 =	simm.s32 $0x9;
	_ =	strace $0x80000048  }
0xba: {  	_ =	swait.ge [sflag:s29], $0x1  }
0xbb: {  	[sflag:s29] =	ssyncadd.s32 $0xFFFFFFFF  }
0xbc: {  	_ =	strace $0x90000048  }
0xbd: {  	_ =	sfence  }
0xbe: {  	s30 =	sld [smem:$0x0];
	_ =	sdelay $0x2  }
0xbf: {  	s31 =	sshll.u32 s1, $0xD;
	s1 =	sshrl.u32 s1, $0x2  }
0xc0: {  	s3 =	sand.u32 $0x4000, s31;
	s1 =	sadd.s32 s1, s30  }
0xc1: {  	s0 =	sor.u32 s3, s0;
	s1 =	sshll.u32 s1, $0x11  }
0xc2: {  	s0 =	sor.u32 s1, s0  }
0xc3: {  	s0 =	sadd.s32 $0x8F2B, s0  }
0xc4: {  	[sflag:s0] =	ssyncadd.remote.s32 $0x1  }
0xc5: {  	_ =	sfence.sel $0xFFFF  }
0xc6: {  	[dreg:$0x0] =	wrdreg $0xFFFFFFFF;
	(pc) =	sbr.abs _section_cstart, $3  }
0xc7: {  	[dreg:$0x1] =	wrdreg $0xFFFFFFFF  }
0xc8: {  	_ =	task.clear_ibuf [dreg:s8], $0x2FFFF;
	_ =	strace $0x9FFFFFFF  }
0xc9: {  	(tm) =	ssettm $0x7FFFFFFF  }
tec
execute0_lowered:
.L_overlay_start_1:
0x0: {  	(tag) =	ssettag $0x1  }
0x1: {  	v0 =	vimm.s32 $0x10100808  }
0x2: {  	v4 =	vlaneseq.u32;
	vm0 =	vcmask $0xF00;
	vm1 =	vcmask $0x1F10  }
0x3: {  	vm2 =	vcmask $0x2F20;
	v2 =	vunpack.c.0.s8.s32 v0;
	v0 =	vimm.s32 $0x20201818  }
0x4: {  	vm3 =	vcmask $0x3730;
	v1 =	vshrl.u32 v4, $0x1;
	v3 =	vunpack.c.0.s8.s32 v0  }
0x5: {  	v63 =	vmul.u32 $0x8, v1;
	[tilespmem:$0x1FA30] =	vst v2;
	v0 =	vnsel vm0, $0x0, v2;
	v2 =	vimm.s32 $0x30302828  }
0x6: {  	[tilespmem:$0x1FA40] =	vst v3;
	v0 =	vsel vm1, v3, v0;
	v3 =	vunpack.c.0.s8.s32 v2;
	v2 =	vimm.s32 $0x11110909  }
0x7: {  	v1 =	vimm.s32 $0x12120A0A;
	v5 =	vunpack.c.0.s8.s32 v2;
	v2 =	vimm.s32 $0x21211919  }
0x8: {  	v0 =	vsel vm2, v3, v0;
	v6 =	vunpack.c.0.s8.s32 v2;
	v2 =	vimm.s32 $0x31312929  }
0x9: {  	[tilespmem:$0x1FA50] =	vst v3;
	v3 =	vnsel vm0, $0x1, v5;
	v2 =	vunpack.c.0.s8.s32 v2;
	v16 =	vsel vm3, $0x38, v0  }
0xa: {  	[tilespmem:$0x1FA70] =	vst v6;
	v0 =	vsel vm1, v6, v3;
	v3 =	vunpack.c.0.s8.s32 v1;
	v1 =	vimm.s32 $0x13130B0B  }
0xb: {  	[tilespmem:$0x1FA80] =	vst v2;
	v0 =	vsel vm2, v2, v0;
	v2 =	vimm.s32 $0x22221A1A;
	v6 =	vunpack.c.0.s8.s32 v1  }
0xc: {  	v1 =	vimm.s32 $0x23231B1B;
	v56 =	vunpack.c.0.s8.s32 v2;
	v2 =	vimm.s32 $0x32322A2A  }
0xd: {  	[tilespmem:$0x1FA90] =	vst v3;
	v3 =	vnsel vm0, $0x2, v3;
	v7 =	vunpack.c.0.s8.s32 v1;
	v2 =	vunpack.c.0.s8.s32 v2  }
0xe: {  	v50 =	vsel vm3, $0x39, v0;
	v1 =	vnsel vm0, $0x3, v6;
	v0 =	vsel vm1, v56, v3  }
0xf: {  	v3 =	vimm.s32 $0x33332B2B;
	[tilespmem:$0x1FAC0] =	vst v2;
	v0 =	vsel vm2, v2, v0;
	v2 =	vimm.s32 $0x14140C0C  }
0x10: {  	[tilespmem:$0x1FAB0] =	vst v6;
	v6 =	vunpack.c.0.s8.s32 v3;
	v57 =	vunpack.c.0.s8.s32 v2;
	v2 =	vimm.s32 $0x24241C1C  }
0x11: {  	[tilespmem:$0x1FAD0] =	vst v7;
	v1 =	vsel vm1, v7, v1;
	v20 =	vsel vm3, $0x3A, v0;
	v7 =	vunpack.c.0.s8.s32 v2  }
0x12: {  	v2 =	vimm.s32 $0x34342C2C;
	v1 =	vsel vm2, v6, v1;
	v3 =	vnsel vm0, $0x4, v57  }
0x13: {  	[tilespmem:$0x1FAF0] =	vst v6;
	v58 =	vunpack.c.0.s8.s32 v2;
	v2 =	vimm.s32 $0x15150D0D;
	v6 =	vsel vm3, $0x3B, v1  }
0x14: {  	v1 =	vimm.s32 $0x25251D1D;
	v3 =	vsel vm1, v7, v3;
	v2 =	vunpack.c.0.s8.s32 v2  }
0x15: {  	v0 =	vsel vm2, v58, v3;
	v3 =	vunpack.c.0.s8.s32 v1;
	v1 =	vimm.s32 $0x35352D2D  }
0x16: {  	v22 =	vsel vm3, $0x3C, v0;
	[tilespmem:$0x1FB20] =	vst v2;
	v0 =	vnsel vm0, $0x5, v2;
	v2 =	vimm.s32 $0x16160E0E  }
0x17: {  	v59 =	vunpack.c.0.s8.s32 v1;
	v1 =	vimm.s32 $0x26261E1E;
	v2 =	vunpack.c.0.s8.s32 v2  }
0x18: {  	[tilespmem:$0x1FB30] =	vst v3;
	v0 =	vsel vm1, v3, v0;
	v3 =	vunpack.c.0.s8.s32 v1;
	v1 =	vimm.s32 $0x17170F0F  }
0x19: {  	[tilespmem:$0x1FB00] =	vst v7;
	v0 =	vsel vm2, v59, v0;
	v60 =	vunpack.c.0.s8.s32 v1;
	v1 =	vimm.s32 $0x36362E2E  }
0x1a: {  	[tilespmem:$0x1FB50] =	vst v2;
	v2 =	vnsel vm0, $0x6, v2;
	v7 =	vsel vm3, $0x3D, v0;
	v8 =	vunpack.c.0.s8.s32 v1  }
0x1b: {  	v0 =	vsel vm1, v3, v2;
	v1 =	vnsel vm0, $0x7, v60;
	v2 =	vimm.s32 $0x27271F1F  }
0x1c: {  	[tilespmem:$0x1FB60] =	vst v3;
	v3 =	vimm.s32 $0x18181010;
	v61 =	vunpack.c.0.s8.s32 v2;
	v2 =	vimm.s32 $0x37372F2F  }
0x1d: {  	v3 =	vunpack.c.0.s8.s32 v3;
	v9 =	vunpack.c.0.s8.s32 v2;
	v2 =	vimm.s32 $0x28282020  }
0x1e: {  	v0 =	vsel vm2, v8, v0;
	v1 =	vsel vm1, v61, v1;
	v2 =	vunpack.c.0.s8.s32 v2  }
0x1f: {  	[tilespmem:$0x1FB80] =	vst v8;
	v24 =	vsel vm3, $0x3E, v0;
	v0 =	vsel vm2, v9, v1;
	v1 =	vnsel vm0, $0x8, v3  }
0x20: {  	[tilespmem:$0x1FBB0] =	vst v3;
	v62 =	vsel vm3, $0x3F, v0;
	v0 =	vsel vm1, v2, v1;
	v1 =	vimm.s32 $0x19191111  }
0x21: {  	[tilespmem:$0x1FBC0] =	vst v2;
	v2 =	vimm.s32 $0x38383030;
	v3 =	vunpack.c.0.s8.s32 v1;
	v1 =	vimm.s32 $0x29292121  }
0x22: {  	[tilespmem:$0x1FBA0] =	vst v9;
	v8 =	vunpack.c.0.s8.s32 v2;
	v9 =	vunpack.c.0.s8.s32 v1;
	v1 =	vimm.s32 $0x39393131  }
0x23: {  	[tilespmem:$0x1FBD0] =	vst v3;
	v2 =	vnsel vm0, $0x9, v3;
	v3 =	vunpack.c.0.s8.s32 v1;
	v1 =	vimm.s32 $0x1A1A1212  }
0x24: {  	[tilespmem:$0x1FBE0] =	vst v8;
	v0 =	vsel vm2, v8, v0;
	v2 =	vsel vm1, v9, v2;
	v8 =	vunpack.c.0.s8.s32 v1  }
0x25: {  	[tilespmem:$0x1FBF0] =	vst v9;
	v12 =	vsel vm3, $0x0, v0;
	v1 =	vimm.s32 $0x2A2A2222;
	v0 =	vsel vm2, v3, v2  }
0x26: {  	[tilespmem:$0x1FC10] =	vst v8;
	v2 =	vnsel vm0, $0xA, v8;
	v8 =	vunpack.c.0.s8.s32 v1;
	v1 =	vimm.s32 $0x1B1B1313  }
0x27: {  	[tilespmem:$0x1FC00] =	vst v3;
	v3 =	vimm.s32 $0x3A3A3232;
	v9 =	vunpack.c.0.s8.s32 v1;
	v1 =	vimm.s32 $0x2B2B2323  }
0x28: {  	v10 =	vunpack.c.0.s8.s32 v3;
	v11 =	vunpack.c.0.s8.s32 v1;
	v1 =	vimm.s32 $0x3B3B3333  }
0x29: {  	[tilespmem:$0x1FC20] =	vst v8;
	v2 =	vsel vm1, v8, v2;
	v3 =	vnsel vm0, $0xB, v9;
	v8 =	vunpack.c.0.s8.s32 v1  }
0x2a: {  	[tilespmem:$0x1FC30] =	vst v9;
	v9 =	vsel vm3, $0x1, v0;
	v0 =	vsel vm2, v10, v2;
	v1 =	vsel vm1, v11, v3  }
0x2b: {  	v26 =	vsel vm3, $0x2, v0;
	v0 =	vsel vm2, v8, v1;
	v1 =	vimm.s32 $0x1C1C1414  }
0x2c: {  	v3 =	vsel vm3, $0x3, v0;
	v0 =	vunpack.c.0.s8.s32 v1;
	_ =	sdelay $0x1  }
0x2d: {  	[tilespmem:$0x1FC70] =	vst v0;
	v0 =	vimm.s32 $0x2C2C2424  }
0x2e: {  	v0 =	vunpack.c.0.s8.s32 v0;
	_ =	sdelay $0x1  }
0x2f: {  	[tilespmem:$0x1FC80] =	vst v0;
	v0 =	vimm.s32 $0x3C3C3434  }
0x30: {  	v0 =	vunpack.c.0.s8.s32 v0  }
0x31: {  	v1 =	vimm.s32 $0x1D1D1515  }
0x32: {  	[tilespmem:$0x1FC90] =	vst v0;
	v0 =	vunpack.c.0.s8.s32 v1;
	_ =	sdelay $0x1  }
0x33: {  	[tilespmem:$0x1FCA0] =	vst v0;
	v0 =	vimm.s32 $0x2D2D2525  }
0x34: {  	v0 =	vunpack.c.0.s8.s32 v0;
	_ =	sdelay $0x1  }
0x35: {  	[tilespmem:$0x1FCB0] =	vst v0;
	v0 =	vimm.s32 $0x3D3D3535  }
0x36: {  	v0 =	vunpack.c.0.s8.s32 v0  }
0x37: {  	v1 =	vimm.s32 $0x1E1E1616  }
0x38: {  	[tilespmem:$0x1FCC0] =	vst v0;
	v0 =	vunpack.c.0.s8.s32 v1;
	_ =	sdelay $0x1  }
0x39: {  	[tilespmem:$0x1FCD0] =	vst v0;
	v0 =	vimm.s32 $0x2E2E2626  }
0x3a: {  	v0 =	vunpack.c.0.s8.s32 v0;
	_ =	sdelay $0x1  }
0x3b: {  	[tilespmem:$0x1FCE0] =	vst v0;
	v0 =	vimm.s32 $0x3E3E3636  }
0x3c: {  	v0 =	vunpack.c.0.s8.s32 v0  }
0x3d: {  	v1 =	vimm.s32 $0x1F1F1717  }
0x3e: {  	[tilespmem:$0x1FCF0] =	vst v0;
	v0 =	vunpack.c.0.s8.s32 v1;
	_ =	sdelay $0x1  }
0x3f: {  	[tilespmem:$0x1FD00] =	vst v0;
	v0 =	vimm.s32 $0x2F2F2727  }
0x40: {  	v0 =	vunpack.c.0.s8.s32 v0;
	_ =	sdelay $0x1  }
0x41: {  	[tilespmem:$0x1FD10] =	vst v0;
	v0 =	vimm.s32 $0x3F3F3737  }
0x42: {  	v0 =	vunpack.c.0.s8.s32 v0  }
0x43: {  	v1 =	vimm.s32 $0x3838  }
0x44: {  	[tilespmem:$0x1FD20] =	vst v0;
	v0 =	vunpack.c.0.s8.s32 v1;
	_ =	sdelay $0x1  }
0x45: {  	[tilespmem:$0x1FD30] =	vst v0;
	v0 =	vimm.s32 $0x1013939  }
0x46: {  	v0 =	vunpack.c.0.s8.s32 v0;
	_ =	sdelay $0x1  }
0x47: {  	[tilespmem:$0x1FD40] =	vst v0;
	v0 =	vimm.s32 $0x2023A3A  }
0x48: {  	[tilespmem:$0x1FA60] =	vst v5;
	v0 =	vunpack.c.0.s8.s32 v0  }
0x49: {  	[tilespmem:$0x1FAA0] =	vst v56;
	v1 =	vimm.s32 $0x3033B3B  }
0x4a: {  	[tilespmem:$0x1FD50] =	vst v0;
	v0 =	vunpack.c.0.s8.s32 v1  }
0x4b: {  	[tilespmem:$0x1FAE0] =	vst v57  }
0x4c: {  	[tilespmem:$0x1FD60] =	vst v0;
	v0 =	vimm.s32 $0x4043C3C  }
0x4d: {  	[tilespmem:$0x1FB10] =	vst v58;
	v0 =	vunpack.c.0.s8.s32 v0  }
0x4e: {  	[tilespmem:$0x1FB40] =	vst v59  }
0x4f: {  	[tilespmem:$0x1FD70] =	vst v0;
	v0 =	vimm.s32 $0x5053D3D  }
0x50: {  	[tilespmem:$0x1FB70] =	vst v60;
	v0 =	vunpack.c.0.s8.s32 v0  }
0x51: {  	[tilespmem:$0x1FB90] =	vst v61;
	v1 =	vimm.s32 $0x6063E3E  }
0x52: {  	[tilespmem:$0x1FD80] =	vst v0;
	v0 =	vunpack.c.0.s8.s32 v1  }
0x53: {  	[tilespmem:$0x1FC40] =	vst v10  }
0x54: {  	s5 =	rddreg [dreg:$0x0];
	[tilespmem:$0x1FD90] =	vst v0;
	v0 =	vimm.s32 $0x7073F3F  }
0x55: {  	s6 =	rddreg [dreg:$0x1];
	[tilespmem:$0x1FC50] =	vst v11;
	v0 =	vunpack.c.0.s8.s32 v0  }
0x56: {  	s7 =	rddreg [dreg:$0x2];
	s2 =	simm.s32 $0x0;
	[tilespmem:$0x1FC60] =	vst v8  }
0x57: {  	[smem:$0x7FF] =	sst s2;
	[tilespmem:$0x1FDA0] =	vst v0  }
0x58: {  	s0 =	rddreg [dreg:$0x3];
	_ =	strace $0x80000047;
	[tilespmem:$0x1FE30] =	vst v63  }
0x59: {  	[tilespmem:$0x1FE40] =	vst v16  }
0x5a: {  	[tilespmem:$0x1FE50] =	vst v50  }
0x5b: {  	[tilespmem:$0x1FE60] =	vst v20  }
0x5c: {  	[tilespmem:$0x1FE70] =	vst v6  }
0x5d: {  	[tilespmem:$0x1FE80] =	vst v22  }
0x5e: {  	[tilespmem:$0x1FE90] =	vst v7  }
0x5f: {  	[tilespmem:$0x1FEA0] =	vst v24  }
0x60: {  	[tilespmem:$0x1FEB0] =	vst v62  }
0x61: {  	[tilespmem:$0x1FEC0] =	vst v12  }
0x62: {  	[tilespmem:$0x1FED0] =	vst v9  }
0x63: {  	v8 =	vmul.u32 $0x14, v4;
	[tilespmem:$0x1FEE0] =	vst v26  }
0x64: {  	[tilespmem:$0x1FEF0] =	vst v3  }
0x65: {  	v10 =	vadd.s32 $0x280, v8;
	[tilespmem:$0x1FF00] =	vst v8  }
0x66: {  	v11 =	vadd.s32 $0x3C0, v8;
	v0 =	vimm.s32 $0x8080000;
	[tilespmem:$0x1FF20] =	vst v10  }
0x67: {  	v13 =	vadd.s32 $0x500, v8;
	v0 =	vunpack.c.0.s8.s32 v0;
	[tilespmem:$0x1FF30] =	vst v11  }
0x68: {  	v1 =	vimm.s32 $0x9090101;
	[tilespmem:$0x1FF40] =	vst v13  }
0x69: {  	v14 =	vadd.s32 $0x640, v8;
	[tilespmem:$0x1FDB0] =	vst v0;
	v0 =	vunpack.c.0.s8.s32 v1  }
0x6a: {  	[tilespmem:$0x1FF50] =	vst v14  }
0x6b: {  	v15 =	vadd.s32 $0x780, v8;
	[tilespmem:$0x1FDC0] =	vst v0;
	v0 =	vimm.s32 $0xA0A0202  }
0x6c: {  	v17 =	vadd.s32 $0x8C0, v8;
	[tilespmem:$0x1FF60] =	vst v15;
	v0 =	vunpack.c.0.s8.s32 v0  }
0x6d: {  	[tilespmem:$0x1FF70] =	vst v17  }
0x6e: {  	v32 =	vor.u32 $0x1, v63;
	[tilespmem:$0x1FDD0] =	vst v0;
	v0 =	vimm.s32 $0xB0B0303  }
0x6f: {  	v27 =	vor.u32 $0x2, v63;
	[tilespmem:$0x1FF90] =	vst v32;
	v0 =	vunpack.c.0.s8.s32 v0  }
0x70: {  	[tilespmem:$0x1FFA0] =	vst v27;
	v1 =	vimm.s32 $0xC0C0404  }
0x71: {  	v36 =	vor.u32 $0x3, v63;
	[tilespmem:$0x1FDE0] =	vst v0;
	v0 =	vunpack.c.0.s8.s32 v1  }
0x72: {  	[tilespmem:$0x1FFB0] =	vst v36  }
0x73: {  	s3 =	srdreg.scid;
	s1 =	stileid.u32;
	s14 =	simm.s32 $0x3480;
	v29 =	vor.u32 $0x4, v63;
	[tilespmem:$0x1FDF0] =	vst v0;
	v0 =	vimm.s32 $0xD0D0505  }
0x74: {  	s15 =	simm.s32 $0x1;
	s16 =	simm.s32 $0x7480;
	s17 =	simm.s32 $0x7E80;
	v42 =	vor.u32 $0x5, v63;
	[tilespmem:$0x1FFC0] =	vst v29;
	v0 =	vunpack.c.0.s8.s32 v0  }
0x75: {  	s18 =	simm.s32 $0x0;
	s8 =	sand.u32 $0x1, s3;
	s30 =	sshll.u32 s1, $0x1;
	[tilespmem:$0x1FFD0] =	vst v42;
	v1 =	vimm.s32 $0xE0E0606  }
0x76: {  	s3 =	sadd.s32 $0x24C200, s7;
	s4 =	sadd.s32 $0x188C00, s7;
	s9 =	sor.u32 s8, s30;
	v38 =	vor.u32 $0x6, v63;
	[tilespmem:$0x1FE00] =	vst v0;
	v0 =	vunpack.c.0.s8.s32 v1  }
0x77: {  	s26 =	simm.s32 $0x0;
	s8 =	ssub.s32 $0x2, s8;
	s10 =	smul.u32 $0x140, s9;
	v2 =	vimm.s32 $0xF0F0707;
	[tilespmem:$0x1FFE0] =	vst v38  }
0x78: {  	s12 =	sshll.u32 s9, $0x1;
	s31 =	sshrl.u32 s8, $0x1;
	s9 =	sshll.u32 s9, $0x4;
	v45 =	vor.u32 $0x7, v63;
	[tilespmem:$0x1FE10] =	vst v0;
	v0 =	vunpack.c.0.s8.s32 v2  }
0x79: {  	s12 =	sadd.s32 s12, s7;
	s13 =	ssub.s32 s8, s31;
	s5 =	sadd.s32 s5, s9;
	[tilespmem:$0x1FFF0] =	vst v45  }
0x7a: {  	s11 =	sadd.s32 s10, s7;
	s6 =	sadd.s32 s6, s10;
	s8 =	sadd.s32 $0x4A00, s12;
	v2 =	vadd.s32 $0x140, v8;
	[tilespmem:$0x1FE20] =	vst v0;
	v0 =	vmul.u32 $0x40, v4  }
0x7b: {  	s9 =	smax.u32 s13, $0x1;
	s10 =	simm.s32 $0x4;
	s12 =	simm.s32 $0x1480;
	[tilespmem:$0x1FF10] =	vst v2  }
0x7c: {  	s13 =	simm.s32 $0xA80;
	s7 =	sadd.s32 $0x2200, s11;
	s11 =	simm.s32 $0x80;
	[tilespmem:$0x1FF80] =	vst v0  }
.LBB2_1:
0x7d: {  	[tilespmem:s2], [sflag:$0x4] =	stream.linear.gather [hbm4b:s5+s2], $0x80, $0x38;
	[tilespmem:$0x7E90] =	vst v63  }
0x7e: {  	_ =	swait.ge [sflag:s10], $0x80  }
0x7f: {  	[sflag:s10] =	ssyncset.done $0x0  }
0x80: {  	[sflag:s10] =	ssyncadd.s32 $0xFFFFFF80  }
0x81: {  	v0 =	vadd.s32 s2, v8;
	[tilespmem:s11], [sflag:$0x4] =	stream.linear.gather [hbm4b:s6+s2], $0xA00, $0x38;
	[tilespmem:$0x7E90] =	vst v63  }
0x82: {  	_ =	swait.ge [sflag:s10], $0xA00  }
0x83: {  	[sflag:s10] =	ssyncset.done $0x0  }
0x84: {  	[sflag:s10] =	ssyncadd.s32 $0xFFFFF600  }
0x85: {  	[tilespmem:s12], [sflag:$0x1] =	stream.indirect.gather [hbm4b:s3+s11], $0x40, s2, s11, $0xb8;
	[tilespmem:$0x7E90] =	vst v63  }
0x86: {  	v0 =	vld.idx.msk [tilespmem:v0+s11+$0x0], $0xffff  }
0x87: {  	v1 =	vadd.s32 s2, v2;
	_ =	sdelay $0x2  }
0x88: {  	s19 =	simm.s32 $0xAC0  }
0x89: {  	[tilespmem:s19+$0xFFFFFFC0] =	vst v0  }
0x8a: {  	v0 =	vld.idx.msk [tilespmem:v1+s11+$0x0], $0xffff  }
0x8b: {  	v1 =	vadd.s32 s2, v10;
	_ =	sdelay $0x3  }
0x8c: {  	[tilespmem:s19+$0xFFFFFFD0] =	vst v0  }
0x8d: {  	v0 =	vld.idx.msk [tilespmem:v1+s11+$0x0], $0xffff  }
0x8e: {  	v1 =	vadd.s32 s2, v11;
	_ =	sdelay $0x3  }
0x8f: {  	[tilespmem:s19+$0xFFFFFFE0] =	vst v0  }
0x90: {  	v0 =	vld.idx.msk [tilespmem:v1+s11+$0x0], $0xffff  }
0x91: {  	v1 =	vadd.s32 s2, v13;
	_ =	sdelay $0x3  }
0x92: {  	[tilespmem:s19+$0xFFFFFFF0] =	vst v0  }
0x93: {  	v0 =	vld.idx.msk [tilespmem:v1+s11+$0x0], $0xffff  }
0x94: {  	v1 =	vadd.s32 s2, v14;
	_ =	sdelay $0x3  }
0x95: {  	[tilespmem:s19+$0x0] =	vst v0  }
0x96: {  	v0 =	vld.idx.msk [tilespmem:v1+s11+$0x0], $0xffff  }
0x97: {  	v1 =	vadd.s32 s2, v15;
	_ =	sdelay $0x3  }
0x98: {  	[tilespmem:s19+$0x10] =	vst v0  }
0x99: {  	v0 =	vld.idx.msk [tilespmem:v1+s11+$0x0], $0xffff  }
0x9a: {  	v1 =	vadd.s32 s2, v17;
	_ =	sdelay $0x3  }
0x9b: {  	[tilespmem:s19+$0x20] =	vst v0  }
0x9c: {  	s20 =	simm.s32 $0x1;
	v1 =	vld.idx.msk [tilespmem:v1+s11+$0x0], $0xffff  }
0x9d: {  	s21 =	simm.s32 $0x2;
	v0 =	vadd.s32 s20, v8  }
.LBB2_2:
0x9e: {  	p0 =	sne.s32 s21, $0x13;
	_ =	sdelay $0x2  }
0x9f: {  	[tilespmem:s19+$0x30] =	vst v1  }
0xa0: {  	v0 =	vld.idx.msk [tilespmem:v0+s11+$0x0], $0xffff;
	_ =	sdelay $0x1  }
0xa1: {  	v1 =	vadd.s32 s20, v2;
	_ =	sdelay $0x2  }
0xa2: {  	s19 =	sadd.s32 $0x80, s19  }
0xa3: {  	[tilespmem:s19+$0xFFFFFFC0] =	vst v0  }
0xa4: {  	v0 =	vld.idx.msk [tilespmem:v1+s11+$0x0], $0xffff;
	_ =	sdelay $0x1  }
0xa5: {  	v1 =	vadd.s32 s20, v10;
	_ =	sdelay $0x3  }
0xa6: {  	[tilespmem:s19+$0xFFFFFFD0] =	vst v0  }
0xa7: {  	v0 =	vld.idx.msk [tilespmem:v1+s11+$0x0], $0xffff;
	_ =	sdelay $0x1  }
0xa8: {  	v1 =	vadd.s32 s20, v11;
	_ =	sdelay $0x3  }
0xa9: {  	[tilespmem:s19+$0xFFFFFFE0] =	vst v0  }
0xaa: {  	v0 =	vld.idx.msk [tilespmem:v1+s11+$0x0], $0xffff;
	_ =	sdelay $0x1  }
0xab: {  	v1 =	vadd.s32 s20, v13;
	_ =	sdelay $0x3  }
0xac: {  	[tilespmem:s19+$0xFFFFFFF0] =	vst v0  }
0xad: {  	v0 =	vld.idx.msk [tilespmem:v1+s11+$0x0], $0xffff;
	_ =	sdelay $0x1  }
0xae: {  	v1 =	vadd.s32 s20, v14;
	_ =	sdelay $0x3  }
0xaf: {  	[tilespmem:s19+$0x0] =	vst v0  }
0xb0: {  	v0 =	vld.idx.msk [tilespmem:v1+s11+$0x0], $0xffff;
	_ =	sdelay $0x1  }
0xb1: {  	v1 =	vadd.s32 s20, v15;
	_ =	sdelay $0x3  }
0xb2: {  	[tilespmem:s19+$0x10] =	vst v0  }
0xb3: {  	v0 =	vld.idx.msk [tilespmem:v1+s11+$0x0], $0xffff;
	_ =	sdelay $0x1  }
0xb4: {  	v1 =	vadd.s32 s20, v17;
	s20 =	smov.u32 s21;
	_ =	sdelay $0x2  }
.Ltmp0:
0xb5: {  	(pc) =	sbr.rel @p0 .LBB2_2-.Ltmp0, $3  }
0xb6: {  	[tilespmem:s19+$0x20] =	vst v0  }
0xb7: {  	v1 =	vld.idx.msk [tilespmem:v1+s11+$0x0], $0xffff;
	_ =	sdelay $0x1  }
0xb8: {  	s21 =	sadd.s32 $0x1, s21;
	v0 =	vadd.s32 s20, v8  }
0xb9: {  	_ =	sdelay $0x2  }
0xba: {  	[tilespmem:s19+$0x30] =	vst v1  }
0xbb: {  	v6 =	vld.idx.msk [tilespmem:v0+s11+$0x0], $0xffff;
	v0 =	vadd.s32 s20, v15  }
0xbc: {  	[tilespmem:$0x1F730] =	vst v0;
	v0 =	vadd.s32 s20, v17  }
0xbd: {  	[tilespmem:$0x1F8F0] =	vst v0;
	v0 =	vimm.f32 $0.0e+00  }
0xbe: {  	[tilespmem:$0x1F4A0] =	vst v0;
	v0 =	vld [tilespmem:$0x1FD90];
	_ =	sdelay $0x4  }
0xbf: {  	v60 =	vnsel vm0, $0x36, v0;
	v0 =	vld [tilespmem:$0x1FD20];
	_ =	sdelay $0x2  }
0xc0: {  	v1 =	vadd.s32 s20, v13  }
0xc1: {  	[tilespmem:$0x1F530] =	vst v1;
	v1 =	vadd.s32 s20, v14  }
0xc2: {  	[tilespmem:$0x1F620] =	vst v1;
	v1 =	vnsel vm0, $0x2F, v0;
	v0 =	vld [tilespmem:$0x1FCF0];
	_ =	sdelay $0x3  }
0xc3: {  	v34 =	vld [tilespmem:$0x1FC60]  }
0xc4: {  	v37 =	vnsel vm0, $0x2E, v0;
	v0 =	vld [tilespmem:$0x1FD30];
	_ =	sdelay $0x4  }
0xc5: {  	v40 =	vnsel vm0, $0x30, v0;
	v0 =	vnsel vm0, $0x2B, v34  }
0xc6: {  	[tilespmem:$0x1F4B0] =	vst v0;
	v0 =	vld [tilespmem:$0x1FC90]  }
0xc7: {  	v31 =	vld [tilespmem:$0x1FC40]  }
0xc8: {  	v27 =	vld [tilespmem:$0x1FB40]  }
0xc9: {  	v52 =	vld [tilespmem:$0x1FA80]  }
0xca: {  	v53 =	vld [tilespmem:$0x1FAC0]  }
0xcb: {  	v24 =	vld [tilespmem:$0x1FB10];
	v0 =	vnsel vm0, $0x2C, v0  }
0xcc: {  	v42 =	vld [tilespmem:$0x1FCB0];
	[tilespmem:$0x1F4C0] =	vst v0;
	v0 =	vnsel vm0, $0x2A, v31  }
0xcd: {  	v15 =	vld [tilespmem:$0x1FD10];
	[tilespmem:$0x1F4D0] =	vst v0;
	v0 =	vnsel vm0, $0x25, v27  }
0xce: {  	v51 =	vld [tilespmem:$0x1FA50];
	[tilespmem:$0x1F4E0] =	vst v0;
	v0 =	vnsel vm0, $0x21, v52  }
0xcf: {  	[tilespmem:$0x1F4F0] =	vst v0;
	v0 =	vnsel vm0, $0x22, v53  }
0xd0: {  	[tilespmem:$0x1F500] =	vst v0;
	v0 =	vnsel vm0, $0x24, v24  }
0xd1: {  	[tilespmem:$0x1F510] =	vst v0;
	v0 =	vnsel vm0, $0x1D, v42  }
0xd2: {  	[tilespmem:$0x1F520] =	vst v0;
	v0 =	vnsel vm0, $0x1F, v15  }
0xd3: {  	[tilespmem:$0x1F540] =	vst v0;
	v0 =	vnsel vm0, $0x20, v51  }
0xd4: {  	[tilespmem:$0x1F550] =	vst v0;
	v0 =	vld [tilespmem:$0x1FC50]  }
0xd5: {  	v21 =	vld [tilespmem:$0x1FC80]  }
0xd6: {  	v29 =	vld [tilespmem:$0x1FCE0]  }
0xd7: {  	v33 =	vld [tilespmem:$0x1FB90];
	_ =	sdelay $0x1  }
0xd8: {  	v0 =	vnsel vm0, $0x1B, v0  }
0xd9: {  	[tilespmem:$0x1F560] =	vst v0;
	v0 =	vnsel vm0, $0x1C, v21  }
0xda: {  	[tilespmem:$0x1F570] =	vst v0;
	v0 =	vnsel vm0, $0x1E, v29  }
0xdb: {  	[tilespmem:$0x1F580] =	vst v0;
	v0 =	vnsel vm0, $0x17, v33  }
0xdc: {  	[tilespmem:$0x1F590] =	vst v0;
	v0 =	vld [tilespmem:$0x1FBF0];
	_ =	sdelay $0x4  }
0xdd: {  	v0 =	vnsel vm0, $0x19, v0  }
0xde: {  	[tilespmem:$0x1F5A0] =	vst v0;
	v0 =	vld [tilespmem:$0x1FC20]  }
0xdf: {  	v17 =	vld [tilespmem:$0x1FB30];
	_ =	sdelay $0x3  }
0xe0: {  	v0 =	vnsel vm0, $0x1A, v0  }
0xe1: {  	v54 =	vld [tilespmem:$0x1FAD0];
	[tilespmem:$0x1F5B0] =	vst v0;
	v0 =	vnsel vm0, $0x15, v17  }
0xe2: {  	[tilespmem:$0x1F5C0] =	vst v0;
	v0 =	vld [tilespmem:$0x1FBC0]  }
0xe3: {  	s31 =	sadd.s32 $0x80, s19;
	v4 =	vld [tilespmem:$0x1FB00]  }
0xe4: {  	[tilespmem:s31+$0xFFFFFFC0] =	vst v6;
	v6 =	vld [tilespmem:$0x1FD00]  }
0xe5: {  	v59 =	vld [tilespmem:$0x1FA40]  }
0xe6: {  	v2 =	vadd.s32 s20, v2;
	v56 =	vld [tilespmem:$0x1FAA0]  }
0xe7: {  	v49 =	vnsel vm0, $0x18, v0;
	v0 =	vnsel vm0, $0x13, v54  }
0xe8: {  	[tilespmem:$0x1F5D0] =	vst v0;
	v0 =	vnsel vm0, $0x14, v4  }
0xe9: {  	[tilespmem:$0x1F5E0] =	vst v0;
	v0 =	vnsel vm0, $0xF, v6  }
0xea: {  	[tilespmem:$0x1F5F0] =	vst v0;
	v0 =	vnsel vm0, $0x10, v59  }
0xeb: {  	v2 =	vld.idx.msk [tilespmem:v2+s11+$0x0], $0xffff;
	[tilespmem:$0x1F600] =	vst v0;
	v0 =	vnsel vm0, $0x12, v56  }
0xec: {  	[tilespmem:$0x1F610] =	vst v0;
	v0 =	vld [tilespmem:$0x1FCA0];
	_ =	sdelay $0x4  }
0xed: {  	[tilespmem:s31+$0xFFFFFFD0] =	vst v2;
	v2 =	vnsel vm0, $0xD, v0  }
0xee: {  	[tilespmem:$0x1F630] =	vst v2;
	v2 =	vld [tilespmem:$0x1FCD0];
	_ =	sdelay $0x1  }
0xef: {  	v22 =	vld [tilespmem:$0x1FD80]  }
0xf0: {  	v38 =	vld [tilespmem:$0x1FB20];
	_ =	sdelay $0x1  }
0xf1: {  	v3 =	vadd.s32 s20, v10;
	v12 =	vld [tilespmem:$0x1FDA0];
	v7 =	vnsel vm0, $0xE, v2  }
0xf2: {  	[tilespmem:$0x1F640] =	vst v7;
	v7 =	vld [tilespmem:$0x1FB70]  }
0xf3: {  	v19 =	vld [tilespmem:$0x1FD60];
	v57 =	vnsel vm0, $0x35, v22  }
0xf4: {  	v45 =	vld [tilespmem:$0x1FD70];
	v36 =	vsel vm1, v38, v57  }
0xf5: {  	s19 =	simm.s32 $0x0;
	[tilespmem:$0x1F660] =	vst v36;
	v36 =	vld [tilespmem:$0x1FE20]  }
0xf6: {  	v35 =	vmov s19;
	v58 =	vnsel vm0, $0x37, v12;
	v3 =	vld.idx.msk [tilespmem:v3+s11+$0x0], $0xffff  }
0xf7: {  	v18 =	vadd.s32 s20, v11;
	[tilespmem:$0x1F650] =	vst v35;
	v35 =	vld [tilespmem:$0x1FAE0];
	v20 =	vsel vm1, v7, v58  }
0xf8: {  	[tilespmem:$0x1F670] =	vst v20;
	v20 =	vld [tilespmem:$0x1FB50]  }
0xf9: {  	v44 =	vld [tilespmem:$0x1FD50]  }
0xfa: {  	v39 =	vld [tilespmem:$0x1FCC0]  }
0xfb: {  	v62 =	vld [tilespmem:$0x1FAB0];
	v61 =	vnsel vm0, $0x34, v45;
	v1 =	vsel vm1, v36, v1;
	[tilespmem:s31+$0xFFFFFFE0] =	vst v3  }
0xfc: {  	[tilespmem:$0x1F6C0] =	vst v1;
	v3 =	vsel vm1, v35, v61;
	v1 =	vld.idx.msk [tilespmem:v18+s11+$0x0], $0xffff  }
0xfd: {  	[tilespmem:$0x1F6A0] =	vst v3;
	v3 =	vsel vm1, v20, v60;
	v60 =	vld [tilespmem:$0x1FA90]  }
0xfe: {  	v18 =	vld [tilespmem:$0x1FE00];
	_ =	sdelay $0x1  }
0xff: {  	v9 =	vnsel vm0, $0x33, v19  }
0x100: {  	v13 =	vnsel vm0, $0x32, v44;
	v9 =	vsel vm1, v62, v9  }
0x101: {  	v30 =	vnsel vm0, $0x2D, v39;
	[tilespmem:$0x1F690] =	vst v9;
	v9 =	vsel vm1, v60, v13  }
0x102: {  	[tilespmem:$0x1F6D0] =	vst v9;
	v9 =	vsel vm1, v18, v30;
	v30 =	vld [tilespmem:$0x1FE10]  }
0x103: {  	v57 =	vld [tilespmem:$0x1FA30]  }
0x104: {  	v5 =	vld [tilespmem:$0x1FBA0]  }
0x105: {  	v41 =	vld [tilespmem:$0x1FC00]  }
0x106: {  	v26 =	vld [tilespmem:$0x1FBE0]  }
0x107: {  	v46 =	vsel vm1, v30, v37;
	v37 =	vld [tilespmem:$0x1FDC0]  }
0x108: {  	v61 =	vsel vm1, v57, v40;
	v40 =	vld [tilespmem:$0x1FDB0]  }
0x109: {  	v63 =	vld [tilespmem:$0x1FD40];
	v10 =	vnsel vm0, $0x27, v5  }
0x10a: {  	v10 =	vsel vm1, v12, v10;
	v58 =	vld [tilespmem:$0x1FA60]  }
0x10b: {  	v32 =	vld [tilespmem:$0x1FAF0];
	v8 =	vnsel vm0, $0x29, v41;
	[tilespmem:$0x1F720] =	vst v10  }
0x10c: {  	v14 =	vnsel vm0, $0x28, v26;
	[tilespmem:$0x1F6E0] =	vst v9;
	v9 =	vld [tilespmem:$0x1F4B0];
	v8 =	vsel vm1, v37, v8  }
0x10d: {  	v10 =	vsel vm1, v40, v14;
	[tilespmem:$0x1F6F0] =	vst v8;
	v8 =	vld [tilespmem:$0x1FDE0]  }
0x10e: {  	v23 =	vnsel vm0, $0x31, v63;
	[tilespmem:$0x1F740] =	vst v10;
	v10 =	vld [tilespmem:$0x1F4D0]  }
0x10f: {  	[tilespmem:$0x1F6B0] =	vst v3;
	v3 =	vsel vm1, v58, v23;
	v23 =	vld [tilespmem:$0x1FDD0];
	_ =	sdelay $0x2  }
0x110: {  	v13 =	vld [tilespmem:$0x1F4C0];
	v9 =	vsel vm1, v8, v9  }
0x111: {  	[tilespmem:$0x1F700] =	vst v9;
	v9 =	vld [tilespmem:$0x1FDF0]  }
0x112: {  	v43 =	vnsel vm0, $0x23, v32;
	v10 =	vsel vm1, v23, v10  }
0x113: {  	[tilespmem:$0x1F750] =	vst v10;
	v10 =	vsel vm1, v19, v43  }
0x114: {  	[tilespmem:$0x1F760] =	vst v10;
	v10 =	vld [tilespmem:$0x1F4E0];
	_ =	sdelay $0x1  }
0x115: {  	v13 =	vsel vm1, v9, v13;
	_ =	sdelay $0x1  }
0x116: {  	v16 =	vld [tilespmem:$0x1FB80]  }
0x117: {  	v10 =	vsel vm1, v22, v10;
	[tilespmem:$0x1F710] =	vst v13;
	v13 =	vmov v22;
	v22 =	vld [tilespmem:$0x1FD90];
	_ =	sdelay $0x3  }
0x118: {  	v11 =	vnsel vm0, $0x26, v16;
	[tilespmem:s31+$0xFFFFFFF0] =	vst v1;
	v1 =	vld [tilespmem:$0x1F500]  }
0x119: {  	[tilespmem:$0x1F780] =	vst v10;
	v10 =	vsel vm1, v22, v11  }
0x11a: {  	[tilespmem:$0x1F790] =	vst v10;
	v10 =	vld [tilespmem:$0x1F4F0];
	_ =	sdelay $0x2  }
0x11b: {  	v1 =	vsel vm1, v44, v1  }
0x11c: {  	[tilespmem:$0x1F7D0] =	vst v1;
	v1 =	vld [tilespmem:$0x1F510]  }
0x11d: {  	v11 =	vld [tilespmem:$0x1F540];
	v10 =	vsel vm1, v63, v10  }
0x11e: {  	[tilespmem:$0x1F7B0] =	vst v10;
	v10 =	vld [tilespmem:$0x1FD20];
	_ =	sdelay $0x2  }
0x11f: {  	v12 =	vld [tilespmem:$0x1F550];
	v1 =	vsel vm1, v45, v1  }
0x120: {  	[tilespmem:$0x1F7F0] =	vst v1;
	v1 =	vld [tilespmem:$0x1F520]  }
0x121: {  	v63 =	vsel vm1, v10, v11;
	v11 =	vld [tilespmem:$0x1FD30];
	_ =	sdelay $0x4  }
0x122: {  	v1 =	vsel vm1, v39, v1;
	v39 =	vsel vm1, v11, v12;
	v12 =	vld [tilespmem:$0x1F560];
	_ =	sdelay $0x3  }
0x123: {  	v14 =	vld [tilespmem:$0x1F570]  }
0x124: {  	v43 =	vsel vm1, v34, v12;
	v12 =	vld [tilespmem:$0x1FC90];
	_ =	sdelay $0x3  }
0x125: {  	v19 =	vmov v45;
	v45 =	vld [tilespmem:$0x1F580]  }
0x126: {  	v44 =	vsel vm1, v12, v14;
	v14 =	vld [tilespmem:$0x1FCF0];
	_ =	sdelay $0x4  }
0x127: {  	v34 =	vsel vm1, v14, v45;
	v45 =	vld [tilespmem:$0x1F590];
	_ =	sdelay $0x4  }
0x128: {  	v45 =	vsel vm1, v5, v45;
	v5 =	vld [tilespmem:$0x1F5A0];
	_ =	sdelay $0x4  }
0x129: {  	v5 =	vsel vm1, v41, v5  }
0x12a: {  	[tilespmem:$0x1F890] =	vst v5;
	v5 =	vld [tilespmem:$0x1F5B0];
	_ =	sdelay $0x2  }
0x12b: {  	[tilespmem:$0x1F810] =	vst v1;
	v1 =	vld [tilespmem:$0x1F530];
	_ =	sdelay $0x1  }
0x12c: {  	v5 =	vsel vm1, v31, v5  }
0x12d: {  	[tilespmem:$0x1F8B0] =	vst v5;
	v5 =	vld [tilespmem:$0x1F5C0];
	_ =	sdelay $0x4  }
0x12e: {  	v1 =	vld.idx.msk [tilespmem:v1+s11+$0x0], $0xffff;
	v5 =	vsel vm1, v27, v5  }
0x12f: {  	[tilespmem:$0x1F8D0] =	vst v5;
	v5 =	vld [tilespmem:$0x1F5D0];
	_ =	sdelay $0x3  }
0x130: {  	[tilespmem:s31+$0x0] =	vst v1;
	v1 =	vld [tilespmem:$0x1F600]  }
0x131: {  	v32 =	vsel vm1, v32, v5;
	v5 =	vld [tilespmem:$0x1F5E0];
	_ =	sdelay $0x3  }
0x132: {  	v27 =	vsel vm1, v26, v49;
	v26 =	vsel vm1, v51, v1;
	v1 =	vld [tilespmem:$0x1F610]  }
0x133: {  	v41 =	vsel vm1, v24, v5;
	v5 =	vld [tilespmem:$0x1F5F0];
	_ =	sdelay $0x4  }
0x134: {  	v24 =	vsel vm1, v15, v5;
	v15 =	vsel vm1, v53, v1;
	v1 =	vld [tilespmem:$0x1F620];
	_ =	sdelay $0x6  }
0x135: {  	v28 =	vld [tilespmem:$0x1FC70]  }
0x136: {  	v5 =	vld.idx.msk [tilespmem:v1+s11+$0x0], $0xffff  }
0x137: {  	v1 =	vld [tilespmem:$0x1F630];
	_ =	sdelay $0x3  }
0x138: {  	v25 =	vld [tilespmem:$0x1FB60];
	v47 =	vnsel vm0, $0xC, v28  }
0x139: {  	v21 =	vsel vm1, v21, v47;
	v47 =	vsel vm1, v42, v1;
	v1 =	vld [tilespmem:$0x1F640];
	_ =	sdelay $0x3  }
0x13a: {  	v48 =	vnsel vm0, $0x16, v25  }
0x13b: {  	v16 =	vsel vm1, v16, v48;
	v48 =	vsel vm1, v29, v1;
	v1 =	vld [tilespmem:$0x1F650];
	_ =	sdelay $0x3  }
0x13c: {  	v55 =	vld [tilespmem:$0x1FA70]  }
0x13d: {  	v49 =	vshll.u32 v1, $0x6;
	v1 =	vld [tilespmem:$0x1F660];
	_ =	sdelay $0x3  }
0x13e: {  	v50 =	vnsel vm0, $0x11, v55  }
0x13f: {  	v31 =	vsel vm1, v52, v50;
	v50 =	vsel vm2, v17, v1;
	v1 =	vld [tilespmem:$0x1F670];
	_ =	sdelay $0x4  }
0x140: {  	v1 =	vsel vm2, v33, v1  }
0x141: {  	[tilespmem:$0x1F680] =	vst v1;
	v1 =	vld [tilespmem:$0x1F690];
	_ =	sdelay $0x4  }
0x142: {  	v51 =	vsel vm2, v54, v1;
	v1 =	vld [tilespmem:$0x1F6A0];
	_ =	sdelay $0x4  }
0x143: {  	v52 =	vsel vm2, v4, v1;
	v1 =	vld [tilespmem:$0x1F6B0];
	_ =	sdelay $0x4  }
0x144: {  	v53 =	vsel vm2, v25, v1;
	v1 =	vld [tilespmem:$0x1F6C0];
	_ =	sdelay $0x4  }
0x145: {  	v54 =	vsel vm2, v6, v1;
	v1 =	vld [tilespmem:$0x1F6D0];
	_ =	sdelay $0x4  }
0x146: {  	v56 =	vsel vm2, v56, v1;
	v1 =	vld [tilespmem:$0x1F6E0];
	_ =	sdelay $0x3  }
0x147: {  	v55 =	vsel vm2, v55, v3;
	v3 =	vld [tilespmem:$0x1FBD0]  }
0x148: {  	v1 =	vsel vm2, v0, v1;
	v0 =	vsel vm2, v2, v46;
	v2 =	vld [tilespmem:$0x1F6F0];
	_ =	sdelay $0x4  }
0x149: {  	v4 =	vsel vm2, v3, v2;
	v3 =	vld [tilespmem:$0x1FC30]  }
0x14a: {  	v2 =	vld [tilespmem:$0x1F700];
	_ =	sdelay $0x4  }
0x14b: {  	v59 =	vsel vm2, v59, v61;
	v61 =	vsel vm2, v3, v2;
	v2 =	vld [tilespmem:$0x1F710];
	_ =	sdelay $0x4  }
0x14c: {  	[tilespmem:s31+$0x10] =	vst v5;
	v5 =	vsel vm2, v28, v2;
	v2 =	vld [tilespmem:$0x1F720];
	_ =	sdelay $0x4  }
0x14d: {  	v17 =	vsel vm2, v7, v2;
	v2 =	vld [tilespmem:$0x1F730];
	_ =	sdelay $0x7  }
0x14e: {  	v3 =	vld.idx.msk [tilespmem:v2+s11+$0x0], $0xffff;
	_ =	sdelay $0x2  }
0x14f: {  	v33 =	vld [tilespmem:$0x1F740]  }
0x150: {  	v2 =	vld [tilespmem:$0x1FBB0]  }
0x151: {  	[tilespmem:s31+$0x20] =	vst v3;
	v3 =	vld [tilespmem:$0x1F890];
	_ =	sdelay $0x2  }
0x152: {  	v42 =	vld [tilespmem:$0x1F750]  }
0x153: {  	v46 =	vld [tilespmem:$0x1F760]  }
0x154: {  	v7 =	vsel vm2, v2, v33;
	v2 =	vld [tilespmem:$0x1FC10];
	v3 =	vsel vm2, v37, v3  }
0x155: {  	[tilespmem:$0x1F8A0] =	vst v3;
	v3 =	vld [tilespmem:$0x1F8B0];
	_ =	sdelay $0x3  }
0x156: {  	v2 =	vsel vm2, v2, v42;
	v42 =	vld [tilespmem:$0x1F790]  }
0x157: {  	v6 =	vsel vm2, v62, v46;
	v46 =	vld [tilespmem:$0x1F7B0];
	v3 =	vsel vm2, v23, v3  }
0x158: {  	[tilespmem:$0x1F8C0] =	vst v3;
	v3 =	vld [tilespmem:$0x1F8D0];
	_ =	sdelay $0x2  }
0x159: {  	[tilespmem:$0x1F770] =	vst v6;
	v6 =	vsel vm2, v20, v42  }
0x15a: {  	[tilespmem:$0x1F7A0] =	vst v6;
	v6 =	vsel vm2, v58, v46;
	v58 =	vld [tilespmem:$0x1F7D0]  }
0x15b: {  	v3 =	vsel vm2, v13, v3  }
0x15c: {  	[tilespmem:$0x1F8E0] =	vst v3;
	v3 =	vld [tilespmem:$0x1F8F0];
	_ =	sdelay $0x2  }
0x15d: {  	[tilespmem:$0x1F7C0] =	vst v6;
	v6 =	vsel vm2, v60, v58;
	v60 =	vld [tilespmem:$0x1F7F0];
	_ =	sdelay $0x3  }
0x15e: {  	[tilespmem:$0x1F7E0] =	vst v6  }
0x15f: {  	v6 =	vsel vm2, v35, v60;
	v35 =	vsel vm2, v30, v34;
	v30 =	vld.idx.msk [tilespmem:v3+s11+$0x0], $0xffff;
	v3 =	vsel vm2, v22, v16  }
0x160: {  	[tilespmem:$0x1F900] =	vst v3;
	v3 =	vsel vm2, v40, v27  }
0x161: {  	[tilespmem:$0x1F910] =	vst v3;
	v3 =	vld [tilespmem:$0x1FD40];
	_ =	sdelay $0x4  }
0x162: {  	v3 =	vsel vm2, v3, v31  }
0x163: {  	[tilespmem:$0x1F920] =	vst v3;
	v3 =	vld [tilespmem:$0x1FD60];
	_ =	sdelay $0x4  }
0x164: {  	v33 =	vld [tilespmem:$0x1F780];
	v3 =	vsel vm2, v3, v32  }
0x165: {  	[tilespmem:$0x1F930] =	vst v3;
	v3 =	vsel vm2, v19, v41  }
0x166: {  	[tilespmem:$0x1F940] =	vst v3;
	v3 =	vsel vm2, v10, v24  }
0x167: {  	[tilespmem:$0x1F950] =	vst v3;
	v3 =	vsel vm2, v11, v26  }
0x168: {  	v63 =	vsel vm2, v36, v63;
	[tilespmem:$0x1F960] =	vst v3;
	v3 =	vld [tilespmem:$0x1FD50]  }
0x169: {  	[tilespmem:$0x1F830] =	vst v63;
	v29 =	vsel vm2, v38, v33;
	v33 =	vsel vm2, v9, v44  }
0x16a: {  	v62 =	vld [tilespmem:$0x1F810];
	[tilespmem:$0x1F860] =	vst v33;
	v20 =	vsel vm2, v8, v43  }
0x16b: {  	[tilespmem:$0x1F850] =	vst v20  }
0x16c: {  	v36 =	vld [tilespmem:$0x1FDA0];
	[tilespmem:$0x1F800] =	vst v6  }
0x16d: {  	[tilespmem:$0x1F870] =	vst v35;
	v3 =	vsel vm2, v3, v15  }
0x16e: {  	[tilespmem:$0x1F970] =	vst v3;
	v3 =	vsel vm2, v12, v21  }
0x16f: {  	v6 =	vsel vm2, v18, v62;
	[tilespmem:$0x1F980] =	vst v3;
	v3 =	vld [tilespmem:$0x1FCC0]  }
0x170: {  	v18 =	vsel vm2, v57, v39;
	[tilespmem:$0x1F820] =	vst v6  }
0x171: {  	[tilespmem:$0x1F840] =	vst v18;
	v6 =	vsel vm2, v36, v45  }
0x172: {  	[tilespmem:$0x1F880] =	vst v6  }
0x173: {  	[tilespmem:s31+$0x30] =	vst v30  }
0x174: {  	[tilespmem:s14], [sflag:$0x2] =	stream.indirect.gather [hbm4b:s4+s11], $0x40, s13, s11, $0xb8;
	v3 =	vsel vm2, v3, v47;
	[tilespmem:$0x7E90] =	vst v63  }
0x175: {  	[tilespmem:$0x1F990] =	vst v3;
	v3 =	vsel vm2, v14, v48  }
0x176: {  	[tilespmem:$0x1F9A0] =	vst v3  }
0x177: {  	v15 =	vld [tilespmem:$0x1FF80];
	_ =	swait.ge [sflag:s15], $0x2000  }
0x178: {  	v37 =	vsel vm3, $0x2E, v53;
	v25 =	vld [tilespmem:$0x1FE30]  }
0x179: {  	v38 =	vsel vm3, $0x2C, v52;
	v14 =	vld [tilespmem:$0x1FE40];
	[tilespmem:$0x1F9B0] =	vst v37  }
0x17a: {  	v42 =	vsel vm3, $0x28, v59;
	v12 =	vld [tilespmem:$0x1FF90];
	[tilespmem:$0x1F9C0] =	vst v38  }
0x17b: {  	v45 =	vsel vm3, $0x2A, v56;
	v28 =	vld [tilespmem:$0x1FFA0];
	[tilespmem:$0x1F9D0] =	vst v42  }
0x17c: {  	v63 =	vsel vm3, $0x20, v7;
	v53 =	vsel vm3, $0x21, v4;
	v60 =	vsel vm3, $0x26, v0;
	v11 =	vld [tilespmem:$0x1FFB0];
	[tilespmem:$0x1F9E0] =	vst v45  }
0x17d: {  	v3 =	vor.u32 v15, v49;
	v49 =	vsel vm3, $0x23, v61;
	v61 =	vsel vm3, $0x22, v2;
	v27 =	vld [tilespmem:$0x1FFC0];
	[tilespmem:$0x1F9F0] =	vst v60  }
0x17e: {  	v43 =	vsel vm3, $0x2B, v51;
	v51 =	vsel vm3, $0x25, v1;
	v62 =	vsel vm3, $0x24, v5;
	v10 =	vld [tilespmem:$0x1FFD0];
	[tilespmem:$0x1FA00] =	vst v61  }
0x17f: {  	v46 =	vsel vm3, $0x27, v54;
	v39 =	vsel vm3, $0x2D, v50;
	v56 =	vsel vm3, $0x1F, v17;
	[sflag:s15] =	ssyncset.done $0x0;
	v24 =	vld [tilespmem:$0x1FFE0];
	[tilespmem:$0x1FA10] =	vst v62  }
0x180: {  	s20 =	simm.s32 $0x10;
	v41 =	vsel vm3, $0x29, v55;
	v55 =	vsel vm3, $0x1D, v29;
	v2 =	vimm.f32 $0.0e+00;
	v26 =	vld [tilespmem:$0x1FFF0];
	[tilespmem:$0x1FA20] =	vst v63;
	[sflag:s15] =	ssyncadd.s32 $0xFFFFE000  }
.LBB2_4:
0x181: {  	v0 =	vld [tilespmem:$0x1F770];
	_ =	sdelay $0x4  }
0x182: {  	v31 =	vsel vm3, $0x1B, v0;
	v0 =	vld [tilespmem:$0x1F7A0];
	_ =	sdelay $0x4  }
0x183: {  	v29 =	vsel vm3, $0x1E, v0;
	v0 =	vld [tilespmem:$0x1F7C0];
	_ =	sdelay $0x4  }
0x184: {  	v33 =	vsel vm3, $0x19, v0;
	v0 =	vld [tilespmem:$0x1F800];
	_ =	sdelay $0x4  }
0x185: {  	v30 =	vsel vm3, $0x1C, v0;
	v0 =	vld [tilespmem:$0x1F830];
	_ =	sdelay $0x4  }
0x186: {  	v35 =	vsel vm3, $0x17, v0;
	v0 =	vld [tilespmem:$0x1F7E0];
	_ =	sdelay $0x4  }
0x187: {  	v32 =	vsel vm3, $0x1A, v0;
	v0 =	vld [tilespmem:$0x1F820];
	_ =	sdelay $0x4  }
0x188: {  	v37 =	vsel vm3, $0x15, v0;
	v0 =	vld [tilespmem:$0x1F840];
	_ =	sdelay $0x4  }
0x189: {  	v34 =	vsel vm3, $0x18, v0;
	v0 =	vld [tilespmem:$0x1F850];
	_ =	sdelay $0x4  }
0x18a: {  	v16 =	vmov v39;
	v39 =	vsel vm3, $0x13, v0;
	v0 =	vld [tilespmem:$0x1F870];
	_ =	sdelay $0x4  }
0x18b: {  	v36 =	vsel vm3, $0x16, v0;
	v0 =	vld [tilespmem:$0x1F8A0];
	_ =	sdelay $0x3  }
0x18c: {  	v38 =	vor.u32 v12, v3  }
0x18d: {  	v17 =	vmov v41;
	v41 =	vsel vm3, $0x11, v0;
	v0 =	vld [tilespmem:$0x1F860];
	_ =	sdelay $0x3  }
0x18e: {  	v45 =	vld.idx.msk [tilespmem:v38+s12+$0x0], $0xffff  }
0x18f: {  	v38 =	vsel vm3, $0x14, v0;
	v0 =	vld [tilespmem:$0x1F880];
	_ =	sdelay $0x3  }
0x190: {  	v40 =	vor.u32 v25, v3  }
0x191: {  	v19 =	vsel vm3, $0xF, v0;
	v0 =	vld [tilespmem:$0x1F8C0];
	_ =	sdelay $0x3  }
0x192: {  	v47 =	vld.idx.msk [tilespmem:v40+s12+$0x0], $0xffff  }
0x193: {  	v40 =	vsel vm3, $0x12, v0;
	v0 =	vld [tilespmem:$0x1F8E0];
	_ =	sdelay $0x4  }
0x194: {  	v20 =	vmov v51;
	v51 =	vsel vm3, $0xD, v0;
	v0 =	vld [tilespmem:$0x1F910];
	_ =	sdelay $0x4  }
0x195: {  	v52 =	vsel vm3, $0x10, v0;
	v0 =	vld [tilespmem:$0x1F930];
	_ =	sdelay $0x4  }
0x196: {  	v54 =	vsel vm3, $0xB, v0;
	v0 =	vld [tilespmem:$0x1F900];
	_ =	sdelay $0x4  }
0x197: {  	v22 =	vsel vm3, $0xE, v0;
	v0 =	vld [tilespmem:$0x1FE50];
	_ =	sdelay $0x4  }
0x198: {  	v23 =	vmov v56;
	v56 =	vor.u32 v0, v3;
	v0 =	vld [tilespmem:$0x1F920];
	_ =	sdelay $0x4  }
0x199: {  	v57 =	vsel vm3, $0x9, v0;
	v0 =	vld [tilespmem:$0x1F940];
	_ =	sdelay $0x4  }
0x19a: {  	v58 =	vsel vm3, $0xC, v0;
	v0 =	vld [tilespmem:$0x1FE60];
	_ =	sdelay $0x4  }
0x19b: {  	v59 =	vor.u32 v0, v3;
	v0 =	vld [tilespmem:$0x1F950];
	_ =	sdelay $0x1  }
0x19c: {  	v4 =	vld [tilespmem:$0x1FEF0]  }
0x19d: {  	v5 =	vld [tilespmem:$0x1F9A0]  }
0x19e: {  	v61 =	vor.u32 v11, v3;
	v6 =	vld [tilespmem:$0x1FE90]  }
0x19f: {  	v60 =	vsel vm3, $0x7, v0;
	v0 =	vld [tilespmem:$0x1F970]  }
0x1a0: {  	v42 =	vor.u32 v28, v3;
	v7 =	vld [tilespmem:$0x1FEA0]  }
0x1a1: {  	v44 =	vor.u32 v27, v3;
	v8 =	vld [tilespmem:$0x1FEB0]  }
0x1a2: {  	v62 =	vor.u32 v10, v3;
	v9 =	vld [tilespmem:$0x1FEC0]  }
0x1a3: {  	v13 =	vmov v43;
	v48 =	vor.u32 v24, v3;
	v43 =	vld.idx.msk [tilespmem:v61+s12+$0x0], $0xffff  }
0x1a4: {  	v61 =	vsel vm3, $0xA, v0;
	v0 =	vld [tilespmem:$0x1FE70]  }
0x1a5: {  	v50 =	vor.u32 v26, v3;
	v42 =	vld.idx.msk [tilespmem:v42+s12+$0x0], $0xffff  }
0x1a6: {  	v21 =	vmov v53;
	v53 =	vor.u32 v14, v3;
	v44 =	vld.idx.msk [tilespmem:v44+s12+$0x0], $0xffff  }
0x1a7: {  	v18 =	vmov v46;
	v46 =	vld.idx.msk [tilespmem:v62+s12+$0x0], $0xffff;
	v6 =	vor.u32 v6, v3  }
0x1a8: {  	v48 =	vld.idx.msk [tilespmem:v48+s12+$0x0], $0xffff;
	v7 =	vor.u32 v7, v3  }
0x1a9: {  	v62 =	vor.u32 v0, v3;
	v0 =	vld [tilespmem:$0x1F990]  }
0x1aa: {  	v50 =	vld.idx.msk [tilespmem:v50+s12+$0x0], $0xffff;
	v8 =	vor.u32 v8, v3  }
0x1ab: {  	v4 =	vor.u32 v4, v3;
	v5 =	vsel vm3, $0x6, v5;
	v53 =	vld.idx.msk [tilespmem:v53+s12+$0x0], $0xffff  }
0x1ac: {  	v5 =	vor.u32 v5, v3;
	v6 =	vld.idx.msk [tilespmem:v6+s12+$0x0], $0xffff  }
0x1ad: {  	v31 =	vor.u32 v31, v3;
	v7 =	vld.idx.msk [tilespmem:v7+s12+$0x0], $0xffff  }
0x1ae: {  	v63 =	vsel vm3, $0x5, v0;
	v0 =	vld [tilespmem:$0x1F960]  }
0x1af: {  	v8 =	vld.idx.msk [tilespmem:v8+s12+$0x0], $0xffff  }
0x1b0: {  	v4 =	vld.idx.msk [tilespmem:v4+s12+$0x0], $0xffff  }
0x1b1: {  	v47 =	vmul.f32 v47, v47;
	v42 =	vmul.f32 v42, v42;
	v5 =	vld.idx.msk [tilespmem:v5+s12+$0x0], $0xffff  }
0x1b2: {  	v45 =	vmul.f32 v45, v45;
	v43 =	vmul.f32 v43, v43;
	v31 =	vld.idx.msk [tilespmem:v31+s12+$0x0], $0xffff  }
0x1b3: {  	v44 =	vmul.f32 v44, v44;
	v42 =	vadd.f32 v42, v47;
	v1 =	vsel vm3, $0x8, v0;
	v0 =	vld [tilespmem:$0x1FE80]  }
0x1b4: {  	v43 =	vadd.f32 v43, v45;
	v45 =	vmul.f32 v50, v50;
	v50 =	vld [tilespmem:$0x1F980];
	v33 =	vor.u32 v33, v3  }
0x1b5: {  	v42 =	vadd.f32 v44, v42;
	v44 =	vmul.f32 v48, v48;
	v48 =	vld [tilespmem:$0x1FEE0]  }
0x1b6: {  	v35 =	vor.u32 v35, v3;
	v47 =	vld.idx.msk [tilespmem:v59+s12+$0x0], $0xffff  }
0x1b7: {  	v37 =	vor.u32 v37, v3;
	v59 =	vld.idx.msk [tilespmem:v62+s12+$0x0], $0xffff  }
0x1b8: {  	v62 =	vor.u32 v9, v3;
	v9 =	vld [tilespmem:$0x1FED0];
	v0 =	vor.u32 v0, v3  }
0x1b9: {  	v33 =	vld.idx.msk [tilespmem:v33+s12+$0x0], $0xffff;
	v39 =	vor.u32 v39, v3  }
0x1ba: {  	v41 =	vor.u32 v41, v3;
	v56 =	vld.idx.msk [tilespmem:v56+s12+$0x0], $0xffff  }
0x1bb: {  	v46 =	vmul.f32 v46, v46;
	v35 =	vld.idx.msk [tilespmem:v35+s12+$0x0], $0xffff;
	v19 =	vor.u32 v19, v3  }
0x1bc: {  	v37 =	vld.idx.msk [tilespmem:v37+s12+$0x0], $0xffff  }
0x1bd: {  	v43 =	vadd.f32 v46, v43;
	v42 =	vadd.f32 v44, v42;
	v9 =	vor.u32 v9, v3;
	v0 =	vld.idx.msk [tilespmem:v0+s12+$0x0], $0xffff  }
0x1be: {  	v44 =	vmul.f32 v53, v53;
	v50 =	vsel vm3, $0x4, v50;
	v48 =	vor.u32 v48, v3;
	v39 =	vld.idx.msk [tilespmem:v39+s12+$0x0], $0xffff  }
0x1bf: {  	v43 =	vadd.f32 v45, v43;
	v50 =	vor.u32 v50, v3;
	v41 =	vld.idx.msk [tilespmem:v41+s12+$0x0], $0xffff;
	v46 =	vmul.f32 v56, v56  }
0x1c0: {  	v42 =	vadd.f32 v44, v42;
	v19 =	vld.idx.msk [tilespmem:v19+s12+$0x0], $0xffff;
	v53 =	vor.u32 v63, v3;
	v63 =	vmul.f32 v47, v47  }
0x1c1: {  	v43 =	vadd.f32 v46, v43;
	v45 =	vld.idx.msk [tilespmem:v62+s12+$0x0], $0xffff;
	v47 =	vmul.f32 v59, v59  }
0x1c2: {  	v42 =	vadd.f32 v63, v42;
	v9 =	vld.idx.msk [tilespmem:v9+s12+$0x0], $0xffff;
	v0 =	vmul.f32 v0, v0  }
0x1c3: {  	v6 =	vmul.f32 v6, v6;
	v63 =	vld.idx.msk [tilespmem:v48+s12+$0x0], $0xffff;
	v62 =	vor.u32 v60, v3;
	v43 =	vadd.f32 v47, v43  }
0x1c4: {  	v7 =	vmul.f32 v7, v7;
	v56 =	vmovc v23;
	v23 =	vld [tilespmem:$0x1FA20];
	v1 =	vor.u32 v1, v3;
	v0 =	vadd.f32 v0, v42  }
0x1c5: {  	v8 =	vmul.f32 v8, v8;
	v46 =	vor.u32 v57, v3;
	v6 =	vadd.f32 v6, v43;
	v42 =	vld.idx.msk [tilespmem:v50+s12+$0x0], $0xffff  }
0x1c6: {  	v48 =	vor.u32 v61, v3;
	v47 =	vld.idx.msk [tilespmem:v53+s12+$0x0], $0xffff;
	v61 =	vmul.f32 v45, v45;
	v0 =	vadd.f32 v7, v0  }
0x1c7: {  	v60 =	vor.u32 v54, v3;
	v54 =	vld [tilespmem:$0x1FA10];
	v6 =	vadd.f32 v8, v6;
	v9 =	vmul.f32 v9, v9  }
0x1c8: {  	v63 =	vmul.f32 v63, v63;
	v43 =	vld.idx.msk [tilespmem:v62+s12+$0x0], $0xffff;
	v62 =	vor.u32 v58, v3;
	v0 =	vadd.f32 v61, v0  }
0x1c9: {  	v4 =	vmul.f32 v4, v4;
	v51 =	vor.u32 v51, v3;
	v1 =	vld.idx.msk [tilespmem:v1+s12+$0x0], $0xffff;
	v6 =	vadd.f32 v9, v6  }
0x1ca: {  	v44 =	vor.u32 v22, v3;
	v8 =	vld.idx.msk [tilespmem:v46+s12+$0x0], $0xffff;
	v57 =	vmul.f32 v42, v42;
	v0 =	vadd.f32 v63, v0  }
0x1cb: {  	v58 =	vmul.f32 v47, v47;
	v9 =	vld.idx.msk [tilespmem:v48+s12+$0x0], $0xffff;
	v4 =	vadd.f32 v4, v6  }
0x1cc: {  	v5 =	vmul.f32 v5, v5;
	v59 =	vld.idx.msk [tilespmem:v60+s12+$0x0], $0xffff;
	v60 =	vor.u32 v52, v3;
	v0 =	vadd.f32 v57, v0  }
0x1cd: {  	v4 =	vadd.f32 v58, v4;
	v61 =	vld.idx.msk [tilespmem:v62+s12+$0x0], $0xffff;
	v62 =	vmul.f32 v43, v43  }
0x1ce: {  	v40 =	vor.u32 v40, v3;
	v1 =	vmul.f32 v1, v1;
	v63 =	vld.idx.msk [tilespmem:v51+s12+$0x0], $0xffff;
	v0 =	vadd.f32 v5, v0  }
0x1cf: {  	v8 =	vmul.f32 v8, v8;
	v4 =	vadd.f32 v62, v4;
	v5 =	vld.idx.msk [tilespmem:v44+s12+$0x0], $0xffff  }
0x1d0: {  	v38 =	vor.u32 v38, v3;
	v53 =	vmovc v21;
	v21 =	vld [tilespmem:$0x1FA00];
	v0 =	vadd.f32 v1, v0;
	v1 =	vmul.f32 v9, v9  }
0x1d1: {  	v36 =	vor.u32 v36, v3;
	v57 =	vld.idx.msk [tilespmem:v60+s12+$0x0], $0xffff;
	v4 =	vadd.f32 v8, v4  }
0x1d2: {  	v52 =	vld [tilespmem:$0x1F9F0];
	v9 =	vmul.f32 v59, v59;
	v0 =	vadd.f32 v1, v0;
	v1 =	vmul.f32 v61, v61  }
0x1d3: {  	v34 =	vor.u32 v34, v3;
	v58 =	vld.idx.msk [tilespmem:v40+s12+$0x0], $0xffff;
	v8 =	vmul.f32 v63, v63  }
0x1d4: {  	v47 =	vld [tilespmem:$0x1F9D0];
	v4 =	vadd.f32 v9, v4;
	v0 =	vadd.f32 v1, v0;
	v1 =	vmul.f32 v5, v5  }
0x1d5: {  	v30 =	vor.u32 v30, v3;
	v32 =	vor.u32 v32, v3;
	v9 =	vmul.f32 v19, v19;
	v5 =	vld.idx.msk [tilespmem:v38+s12+$0x0], $0xffff  }
0x1d6: {  	v48 =	vld [tilespmem:$0x1F9E0];
	v4 =	vadd.f32 v8, v4;
	v0 =	vadd.f32 v1, v0;
	v1 =	vmul.f32 v57, v57  }
0x1d7: {  	v60 =	vor.u32 v55, v3;
	v59 =	vld.idx.msk [tilespmem:v36+s12+$0x0], $0xffff;
	v8 =	vmul.f32 v41, v41  }
0x1d8: {  	v40 =	vld [tilespmem:$0x1F9B0];
	v4 =	vadd.f32 v9, v4;
	v0 =	vadd.f32 v1, v0;
	v1 =	vmul.f32 v58, v58  }
0x1d9: {  	v29 =	vor.u32 v29, v3;
	v62 =	vor.u32 v56, v3;
	v61 =	vld.idx.msk [tilespmem:v34+s12+$0x0], $0xffff;
	v9 =	vmul.f32 v39, v39  }
0x1da: {  	v42 =	vld.idx.msk [tilespmem:v30+s12+$0x0], $0xffff;
	v4 =	vadd.f32 v8, v4;
	v0 =	vadd.f32 v1, v0;
	v1 =	vmul.f32 v5, v5  }
0x1db: {  	v45 =	vor.u32 v21, v3;
	v63 =	vor.u32 v23, v3;
	v8 =	vmul.f32 v37, v37;
	v5 =	vld.idx.msk [tilespmem:v32+s12+$0x0], $0xffff  }
0x1dc: {  	v46 =	vmovc v18;
	v44 =	vld [tilespmem:$0x1F9C0];
	v4 =	vadd.f32 v9, v4;
	v0 =	vadd.f32 v1, v0;
	v1 =	vmul.f32 v59, v59  }
0x1dd: {  	v50 =	vor.u32 v49, v3;
	v30 =	vld.idx.msk [tilespmem:v60+s12+$0x0], $0xffff;
	v19 =	vor.u32 v53, v3;
	v9 =	vmul.f32 v35, v35  }
0x1de: {  	v57 =	vld.idx.msk [tilespmem:v29+s12+$0x0], $0xffff;
	v4 =	vadd.f32 v8, v4;
	v0 =	vadd.f32 v1, v0;
	v1 =	vmul.f32 v61, v61  }
0x1df: {  	v60 =	vor.u32 v52, v3;
	v29 =	vld.idx.msk [tilespmem:v62+s12+$0x0], $0xffff;
	v58 =	vor.u32 v54, v3;
	v8 =	vmul.f32 v33, v33  }
0x1e0: {  	v62 =	vld.idx.msk [tilespmem:v45+s12+$0x0], $0xffff;
	v4 =	vadd.f32 v9, v4;
	v0 =	vadd.f32 v1, v0;
	v1 =	vmul.f32 v5, v5  }
0x1e1: {  	v45 =	vor.u32 v13, v3;
	v59 =	vor.u32 v20, v3;
	v9 =	vmul.f32 v31, v31;
	v5 =	vld.idx.msk [tilespmem:v63+s12+$0x0], $0xffff  }
0x1e2: {  	v31 =	vld.idx.msk [tilespmem:v19+s12+$0x0], $0xffff;
	v4 =	vadd.f32 v8, v4;
	v0 =	vadd.f32 v1, v0;
	v1 =	vmul.f32 v42, v42  }
0x1e3: {  	v43 =	vmovc v13;
	v13 =	vld [tilespmem:$0x1F680];
	v61 =	vor.u32 v18, v3;
	v8 =	vmul.f32 v30, v30;
	v63 =	vor.u32 v47, v3  }
0x1e4: {  	v30 =	vld.idx.msk [tilespmem:v50+s12+$0x0], $0xffff;
	v4 =	vadd.f32 v9, v4;
	v0 =	vadd.f32 v1, v0;
	v1 =	vmul.f32 v57, v57  }
0x1e5: {  	v18 =	vor.u32 v17, v3;
	v19 =	vld.idx.msk [tilespmem:v58+s12+$0x0], $0xffff;
	v9 =	vmul.f32 v29, v29;
	v42 =	vor.u32 v48, v3  }
0x1e6: {  	v29 =	vld.idx.msk [tilespmem:v59+s12+$0x0], $0xffff;
	v4 =	vadd.f32 v8, v4;
	v0 =	vadd.f32 v1, v0;
	v1 =	vmul.f32 v5, v5  }
0x1e7: {  	v50 =	vor.u32 v44, v3;
	v59 =	vor.u32 v40, v3;
	v8 =	vmul.f32 v31, v31;
	v5 =	vld.idx.msk [tilespmem:v60+s12+$0x0], $0xffff  }
0x1e8: {  	v31 =	vld.idx.msk [tilespmem:v61+s12+$0x0], $0xffff;
	v4 =	vadd.f32 v9, v4;
	v0 =	vadd.f32 v1, v0;
	v1 =	vmul.f32 v62, v62  }
0x1e9: {  	v57 =	vor.u32 v16, v3;
	v58 =	vld.idx.msk [tilespmem:v63+s12+$0x0], $0xffff;
	v9 =	vmul.f32 v30, v30;
	v60 =	vsel vm3, $0x2F, v13  }
0x1ea: {  	v30 =	vld.idx.msk [tilespmem:v18+s12+$0x0], $0xffff;
	v4 =	vadd.f32 v8, v4;
	v0 =	vadd.f32 v1, v0;
	v1 =	vmul.f32 v19, v19  }
0x1eb: {  	v61 =	vld.idx.msk [tilespmem:v42+s12+$0x0], $0xffff;
	v3 =	vor.u32 v60, v3;
	v8 =	vmul.f32 v29, v29  }
0x1ec: {  	v29 =	vld.idx.msk [tilespmem:v45+s12+$0x0], $0xffff;
	v4 =	vadd.f32 v9, v4;
	v0 =	vadd.f32 v1, v0;
	v1 =	vmul.f32 v5, v5  }
0x1ed: {  	v9 =	vmul.f32 v31, v31;
	v5 =	vld.idx.msk [tilespmem:v50+s12+$0x0], $0xffff  }
0x1ee: {  	v31 =	vld.idx.msk [tilespmem:v57+s12+$0x0], $0xffff;
	v4 =	vadd.f32 v8, v4;
	v0 =	vadd.f32 v1, v0;
	v1 =	vmul.f32 v58, v58  }
0x1ef: {  	v62 =	vld.idx.msk [tilespmem:v59+s12+$0x0], $0xffff;
	v8 =	vmul.f32 v30, v30  }
0x1f0: {  	v4 =	vadd.f32 v9, v4;
	v0 =	vadd.f32 v1, v0;
	v1 =	vmul.f32 v61, v61  }
0x1f1: {  	v3 =	vld.idx.msk [tilespmem:v3+s12+$0x0], $0xffff;
	v63 =	vmul.f32 v29, v29  }
0x1f2: {  	v4 =	vadd.f32 v8, v4;
	v0 =	vadd.f32 v1, v0;
	v1 =	vmul.f32 v5, v5  }
0x1f3: {  	v5 =	vmul.f32 v31, v31  }
0x1f4: {  	v4 =	vadd.f32 v63, v4;
	v0 =	vadd.f32 v1, v0;
	v1 =	vmul.f32 v62, v62;
	_ =	sdelay $0x1  }
0x1f5: {  	v4 =	vadd.f32 v5, v4;
	v0 =	vadd.f32 v1, v0;
	v1 =	vmul.f32 v3, v3  }
0x1f6: {  	p0 =	seq.s32 s20, $0x70  }
.Ltmp1:
0x1f7: {  	v1 =	vadd.f32 v1, v4;
	v0 =	vadd.f32 v0, v2;
	(pc) =	sbr.rel @!p0 .LBB2_4-.Ltmp1, $4  }
0x1f8: {  	_ = 	snop  }
0x1f9: {  	v2 =	vadd.f32 v1, v0;
	v0 =	vmov s20  }
0x1fa: {  	v0 =	vshll.u32 v0, $0x6  }
0x1fb: {  	v51 =	vmovc v20;
	v41 =	vmov v17;
	v39 =	vmov v16;
	s20 =	sadd.s32 $0x10, s20;
	v3 =	vor.u32 v15, v0  }
0x1fc: {  	v7 =	vld [tilespmem:$0x1F850];
	_ =	sdelay $0x4  }
0x1fd: {  	v57 =	vsel vm3, $0x13, v7;
	v7 =	vld [tilespmem:$0x1F870];
	_ =	sdelay $0x4  }
0x1fe: {  	v59 =	vsel vm3, $0x16, v7;
	v7 =	vor.u32 v10, v3;
	v10 =	vld [tilespmem:$0x1F8E0];
	_ =	sdelay $0x3  }
0x1ff: {  	v1 =	vld [tilespmem:$0x1F770];
	v63 =	vor.u32 v25, v3  }
0x200: {  	v22 =	vsel vm3, $0xD, v10;
	v10 =	vld [tilespmem:$0x1F910];
	_ =	sdelay $0x2  }
0x201: {  	v8 =	vld [tilespmem:$0x1F8A0]  }
0x202: {  	v31 =	vsel vm3, $0x1B, v1;
	v1 =	vld.idx.msk [tilespmem:v63+s12+$0x0], $0xffff  }
0x203: {  	v63 =	vsel vm3, $0x10, v10;
	v10 =	vld [tilespmem:$0x1F930];
	_ =	sdelay $0x3  }
0x204: {  	v58 =	vsel vm3, $0x11, v8;
	v8 =	vld [tilespmem:$0x1F860]  }
0x205: {  	v29 =	vsel vm3, $0xB, v10;
	v10 =	vld [tilespmem:$0x1F900];
	_ =	sdelay $0x4  }
0x206: {  	v13 =	vsel vm3, $0x14, v8;
	v8 =	vor.u32 v24, v3;
	v24 =	vsel vm3, $0xE, v10;
	v10 =	vld [tilespmem:$0x1FE50];
	_ =	sdelay $0x4  }
0x207: {  	v16 =	vor.u32 v10, v3;
	v10 =	vld [tilespmem:$0x1F920];
	_ =	sdelay $0x4  }
0x208: {  	v34 =	vsel vm3, $0x9, v10;
	v10 =	vld [tilespmem:$0x1F940];
	_ =	sdelay $0x4  }
0x209: {  	v36 =	vsel vm3, $0xC, v10;
	v10 =	vld [tilespmem:$0x1FE60];
	_ =	sdelay $0x3  }
0x20a: {  	v38 =	vld [tilespmem:$0x1F800]  }
0x20b: {  	v17 =	vor.u32 v10, v3;
	v10 =	vld [tilespmem:$0x1F950];
	_ =	sdelay $0x1  }
0x20c: {  	v62 =	vld [tilespmem:$0x1F7A0]  }
0x20d: {  	v4 =	vld [tilespmem:$0x1F7C0]  }
0x20e: {  	v42 =	vor.u32 v28, v3;
	v5 =	vld [tilespmem:$0x1F830]  }
0x20f: {  	v30 =	vsel vm3, $0x1C, v38;
	v38 =	vsel vm3, $0x7, v10;
	v10 =	vld [tilespmem:$0x1F970]  }
0x210: {  	v6 =	vld [tilespmem:$0x1F820]  }
0x211: {  	v0 =	vor.u32 v12, v3;
	v45 =	vld [tilespmem:$0x1F7E0]  }
0x212: {  	v9 =	vld [tilespmem:$0x1F880]  }
0x213: {  	v50 =	vor.u32 v11, v3;
	v25 =	vsel vm3, $0x19, v4;
	v4 =	vld.idx.msk [tilespmem:v42+s12+$0x0], $0xffff  }
0x214: {  	v42 =	vsel vm3, $0xA, v10;
	v10 =	vld [tilespmem:$0x1FE70]  }
0x215: {  	v28 =	vsel vm3, $0x15, v6;
	v6 =	vld [tilespmem:$0x1F840]  }
0x216: {  	v18 =	vor.u32 v14, v3;
	v0 =	vld.idx.msk [tilespmem:v0+s12+$0x0], $0xffff  }
0x217: {  	v32 =	vsel vm3, $0xF, v9;
	v9 =	vld [tilespmem:$0x1F8C0]  }
0x218: {  	v35 =	vsel vm3, $0x17, v5;
	v5 =	vld.idx.msk [tilespmem:v50+s12+$0x0], $0xffff  }
0x219: {  	v19 =	vor.u32 v10, v3;
	v10 =	vld [tilespmem:$0x1F990];
	_ =	sdelay $0x1  }
0x21a: {  	v18 =	vld.idx.msk [tilespmem:v18+s12+$0x0], $0xffff  }
0x21b: {  	v60 =	vsel vm3, $0x1E, v62;
	v62 =	vld [tilespmem:$0x1FEA0];
	v37 =	vsel vm3, $0x18, v6;
	v6 =	vor.u32 v27, v3  }
0x21c: {  	v33 =	vsel vm3, $0x1A, v45;
	v61 =	vsel vm3, $0x12, v9;
	v9 =	vor.u32 v26, v3;
	v27 =	vld [tilespmem:$0x1FEC0]  }
0x21d: {  	v0 =	vmul.f32 v0, v0;
	v5 =	vmul.f32 v5, v5;
	v45 =	vsel vm3, $0x5, v10;
	v10 =	vld [tilespmem:$0x1F960]  }
0x21e: {  	v7 =	vld.idx.msk [tilespmem:v7+s12+$0x0], $0xffff  }
0x21f: {  	v0 =	vadd.f32 v5, v0;
	v5 =	vld [tilespmem:$0x1FEB0]  }
0x220: {  	v6 =	vld.idx.msk [tilespmem:v6+s12+$0x0], $0xffff  }
0x221: {  	v9 =	vld.idx.msk [tilespmem:v9+s12+$0x0], $0xffff  }
0x222: {  	v50 =	vsel vm3, $0x8, v10;
	v10 =	vld [tilespmem:$0x1FE80]  }
0x223: {  	v8 =	vld.idx.msk [tilespmem:v8+s12+$0x0], $0xffff;
	v7 =	vmul.f32 v7, v7  }
0x224: {  	v1 =	vmul.f32 v1, v1;
	v4 =	vmul.f32 v4, v4;
	v26 =	vld [tilespmem:$0x1FEE0];
	v5 =	vor.u32 v5, v3  }
0x225: {  	[tilespmem:$0x1F3D0] =	vst v49;
	v0 =	vadd.f32 v7, v0;
	v7 =	vld [tilespmem:$0x1FEF0]  }
0x226: {  	[tilespmem:$0x1F3F0] =	vst v43;
	v1 =	vadd.f32 v4, v1;
	v4 =	vmul.f32 v6, v6;
	v11 =	vld.idx.msk [tilespmem:v17+s12+$0x0], $0xffff  }
0x227: {  	[tilespmem:$0x1F420] =	vst v41;
	v9 =	vmul.f32 v9, v9;
	v20 =	vor.u32 v10, v3;
	v10 =	vld [tilespmem:$0x1FE90]  }
0x228: {  	[tilespmem:$0x1F430] =	vst v53;
	v1 =	vadd.f32 v4, v1;
	v4 =	vmul.f32 v8, v8;
	v17 =	vmov v13;
	v13 =	vld [tilespmem:$0x1F9A0]  }
0x229: {  	[tilespmem:$0x1F440] =	vst v55;
	v5 =	vld.idx.msk [tilespmem:v5+s12+$0x0], $0xffff;
	v0 =	vadd.f32 v9, v0;
	v9 =	vor.u32 v26, v3  }
0x22a: {  	[tilespmem:$0x1F460] =	vst v56;
	v1 =	vadd.f32 v4, v1;
	v4 =	vld [tilespmem:$0x1FED0];
	v7 =	vor.u32 v7, v3  }
0x22b: {  	[tilespmem:$0x1F470] =	vst v51;
	v6 =	vld.idx.msk [tilespmem:v16+s12+$0x0], $0xffff  }
0x22c: {  	[tilespmem:$0x1F480] =	vst v46;
	v8 =	vld.idx.msk [tilespmem:v19+s12+$0x0], $0xffff;
	v15 =	vor.u32 v10, v3  }
0x22d: {  	[tilespmem:$0x1F490] =	vst v39;
	v19 =	vsel vm3, $0x6, v13;
	v13 =	vld [tilespmem:$0x1F980];
	v10 =	vor.u32 v62, v3  }
0x22e: {  	[tilespmem:$0x1F2E0] =	vst v32;
	v9 =	vld.idx.msk [tilespmem:v9+s12+$0x0], $0xffff  }
0x22f: {  	[tilespmem:$0x1F300] =	vst v60;
	v12 =	vmul.f32 v18, v18;
	v7 =	vld.idx.msk [tilespmem:v7+s12+$0x0], $0xffff;
	v16 =	vor.u32 v27, v3  }
0x230: {  	[tilespmem:$0x1F310] =	vst v30;
	v4 =	vor.u32 v4, v3;
	v6 =	vmul.f32 v6, v6;
	v14 =	vld.idx.msk [tilespmem:v20+s12+$0x0], $0xffff  }
0x231: {  	v1 =	vadd.f32 v12, v1;
	v5 =	vmul.f32 v5, v5;
	v11 =	vmul.f32 v11, v11;
	v15 =	vld.idx.msk [tilespmem:v15+s12+$0x0], $0xffff  }
0x232: {  	[tilespmem:$0x1F320] =	vst v33;
	v0 =	vadd.f32 v6, v0;
	v6 =	vor.u32 v45, v3;
	v13 =	vsel vm3, $0x4, v13;
	v10 =	vld.idx.msk [tilespmem:v10+s12+$0x0], $0xffff  }
0x233: {  	[tilespmem:$0x1F3B0] =	vst v35;
	v9 =	vmul.f32 v9, v9;
	v1 =	vadd.f32 v11, v1;
	v12 =	vor.u32 v13, v3  }
0x234: {  	v11 =	vor.u32 v19, v3;
	v8 =	vmul.f32 v8, v8;
	[tilespmem:$0x1F250] =	vst v13;
	v13 =	vld.idx.msk [tilespmem:v16+s12+$0x0], $0xffff  }
0x235: {  	[tilespmem:$0x1F3C0] =	vst v25;
	v4 =	vld.idx.msk [tilespmem:v4+s12+$0x0], $0xffff;
	v7 =	vmul.f32 v7, v7;
	v14 =	vmul.f32 v14, v14  }
0x236: {  	[tilespmem:$0x1F2A0] =	vst v34;
	v0 =	vadd.f32 v8, v0;
	v8 =	vor.u32 v38, v3;
	v15 =	vmul.f32 v15, v15  }
0x237: {  	v6 =	vld.idx.msk [tilespmem:v6+s12+$0x0], $0xffff;
	v1 =	vadd.f32 v14, v1;
	v14 =	vor.u32 v50, v3;
	v10 =	vmul.f32 v10, v10  }
0x238: {  	[tilespmem:$0x1F280] =	vst v38;
	v12 =	vld.idx.msk [tilespmem:v12+s12+$0x0], $0xffff;
	v0 =	vadd.f32 v15, v0;
	v15 =	vor.u32 v34, v3  }
0x239: {  	v11 =	vld.idx.msk [tilespmem:v11+s12+$0x0], $0xffff;
	v13 =	vmul.f32 v13, v13;
	v1 =	vadd.f32 v10, v1;
	v10 =	vor.u32 v42, v3  }
0x23a: {  	v4 =	vmul.f32 v4, v4;
	[tilespmem:$0x1F2B0] =	vst v42;
	v38 =	vld [tilespmem:$0x1F680];
	v42 =	vor.u32 v29, v3;
	v0 =	vadd.f32 v5, v0  }
0x23b: {  	[tilespmem:$0x1F260] =	vst v45;
	v8 =	vld.idx.msk [tilespmem:v8+s12+$0x0], $0xffff;
	v1 =	vadd.f32 v13, v1;
	v13 =	vor.u32 v36, v3  }
0x23c: {  	v18 =	vmov v61;
	v45 =	vor.u32 v22, v3;
	[tilespmem:$0x1F290] =	vst v50;
	v14 =	vld.idx.msk [tilespmem:v14+s12+$0x0], $0xffff;
	v0 =	vadd.f32 v4, v0  }
0x23d: {  	v12 =	vmul.f32 v12, v12;
	v1 =	vadd.f32 v9, v1;
	v9 =	vor.u32 v24, v3;
	v15 =	vld.idx.msk [tilespmem:v15+s12+$0x0], $0xffff  }
0x23e: {  	v6 =	vmul.f32 v6, v6;
	v10 =	vld.idx.msk [tilespmem:v10+s12+$0x0], $0xffff;
	v0 =	vadd.f32 v7, v0;
	v7 =	vor.u32 v32, v3  }
0x23f: {  	v11 =	vmul.f32 v11, v11;
	v5 =	vld.idx.msk [tilespmem:v42+s12+$0x0], $0xffff;
	v1 =	vadd.f32 v12, v1;
	v12 =	vor.u32 v63, v3  }
0x240: {  	v8 =	vmul.f32 v8, v8;
	v13 =	vld.idx.msk [tilespmem:v13+s12+$0x0], $0xffff;
	v0 =	vadd.f32 v6, v0;
	v6 =	vor.u32 v58, v3  }
0x241: {  	v4 =	vld.idx.msk [tilespmem:v45+s12+$0x0], $0xffff;
	v14 =	vmul.f32 v14, v14;
	v1 =	vadd.f32 v11, v1;
	v11 =	vor.u32 v61, v3  }
0x242: {  	v9 =	vld.idx.msk [tilespmem:v9+s12+$0x0], $0xffff;
	v0 =	vadd.f32 v8, v0;
	v8 =	vor.u32 v57, v3;
	v15 =	vmul.f32 v15, v15  }
0x243: {  	v1 =	vadd.f32 v14, v1;
	v14 =	vor.u32 v17, v3;
	v10 =	vmul.f32 v10, v10;
	v7 =	vld.idx.msk [tilespmem:v7+s12+$0x0], $0xffff  }
0x244: {  	v5 =	vmul.f32 v5, v5;
	v12 =	vld.idx.msk [tilespmem:v12+s12+$0x0], $0xffff;
	v0 =	vadd.f32 v15, v0;
	v15 =	vor.u32 v28, v3  }
0x245: {  	v1 =	vadd.f32 v10, v1;
	v10 =	vor.u32 v59, v3;
	v13 =	vmul.f32 v13, v13;
	v6 =	vld.idx.msk [tilespmem:v6+s12+$0x0], $0xffff  }
0x246: {  	v50 =	vor.u32 v35, v3;
	v4 =	vmul.f32 v4, v4;
	v11 =	vld.idx.msk [tilespmem:v11+s12+$0x0], $0xffff;
	v0 =	vadd.f32 v5, v0  }
0x247: {  	v1 =	vadd.f32 v13, v1;
	v13 =	vor.u32 v37, v3;
	v9 =	vmul.f32 v9, v9;
	v8 =	vld.idx.msk [tilespmem:v8+s12+$0x0], $0xffff  }
0x248: {  	v61 =	vor.u32 v25, v3;
	v14 =	vld.idx.msk [tilespmem:v14+s12+$0x0], $0xffff;
	v0 =	vadd.f32 v4, v0;
	v7 =	vmul.f32 v7, v7  }
0x249: {  	v1 =	vadd.f32 v9, v1;
	v9 =	vor.u32 v33, v3;
	v12 =	vmul.f32 v12, v12;
	v15 =	vld.idx.msk [tilespmem:v15+s12+$0x0], $0xffff  }
0x24a: {  	v10 =	vld.idx.msk [tilespmem:v10+s12+$0x0], $0xffff;
	v0 =	vadd.f32 v7, v0;
	v7 =	vor.u32 v31, v3;
	v6 =	vmul.f32 v6, v6  }
0x24b: {  	v5 =	vld.idx.msk [tilespmem:v50+s12+$0x0], $0xffff;
	v1 =	vadd.f32 v12, v1;
	v12 =	vor.u32 v30, v3;
	v11 =	vmul.f32 v11, v11  }
0x24c: {  	v13 =	vld.idx.msk [tilespmem:v13+s12+$0x0], $0xffff;
	v0 =	vadd.f32 v6, v0;
	v6 =	vor.u32 v55, v3;
	v8 =	vmul.f32 v8, v8  }
0x24d: {  	v4 =	vld.idx.msk [tilespmem:v61+s12+$0x0], $0xffff;
	v1 =	vadd.f32 v11, v1;
	v11 =	vor.u32 v60, v3;
	v14 =	vmul.f32 v14, v14  }
0x24e: {  	v9 =	vld.idx.msk [tilespmem:v9+s12+$0x0], $0xffff;
	v0 =	vadd.f32 v8, v0;
	v8 =	vor.u32 v56, v3;
	v15 =	vmul.f32 v15, v15  }
0x24f: {  	v1 =	vadd.f32 v14, v1;
	v14 =	vor.u32 v23, v3;
	v10 =	vmul.f32 v10, v10;
	v7 =	vld.idx.msk [tilespmem:v7+s12+$0x0], $0xffff  }
0x250: {  	v5 =	vmul.f32 v5, v5;
	v12 =	vld.idx.msk [tilespmem:v12+s12+$0x0], $0xffff;
	v0 =	vadd.f32 v15, v0;
	v15 =	vor.u32 v53, v3  }
0x251: {  	v1 =	vadd.f32 v10, v1;
	v10 =	vor.u32 v21, v3;
	v13 =	vmul.f32 v13, v13;
	v6 =	vld.idx.msk [tilespmem:v6+s12+$0x0], $0xffff  }
0x252: {  	v32 =	vor.u32 v49, v3;
	v4 =	vmul.f32 v4, v4;
	v11 =	vld.idx.msk [tilespmem:v11+s12+$0x0], $0xffff;
	v0 =	vadd.f32 v5, v0  }
0x253: {  	v1 =	vadd.f32 v13, v1;
	v13 =	vor.u32 v54, v3;
	v9 =	vmul.f32 v9, v9;
	v8 =	vld.idx.msk [tilespmem:v8+s12+$0x0], $0xffff  }
0x254: {  	v34 =	vor.u32 v51, v3;
	v14 =	vld.idx.msk [tilespmem:v14+s12+$0x0], $0xffff;
	v0 =	vadd.f32 v4, v0;
	v7 =	vmul.f32 v7, v7  }
0x255: {  	v1 =	vadd.f32 v9, v1;
	v9 =	vor.u32 v52, v3;
	v12 =	vmul.f32 v12, v12;
	v15 =	vld.idx.msk [tilespmem:v15+s12+$0x0], $0xffff  }
0x256: {  	v10 =	vld.idx.msk [tilespmem:v10+s12+$0x0], $0xffff;
	v0 =	vadd.f32 v7, v0;
	v7 =	vor.u32 v46, v3;
	v6 =	vmul.f32 v6, v6  }
0x257: {  	v5 =	vld.idx.msk [tilespmem:v32+s12+$0x0], $0xffff;
	v1 =	vadd.f32 v12, v1;
	v12 =	vor.u32 v47, v3;
	v11 =	vmul.f32 v11, v11  }
0x258: {  	v13 =	vld.idx.msk [tilespmem:v13+s12+$0x0], $0xffff;
	v0 =	vadd.f32 v6, v0;
	v6 =	vor.u32 v41, v3;
	v8 =	vmul.f32 v8, v8  }
0x259: {  	v4 =	vld.idx.msk [tilespmem:v34+s12+$0x0], $0xffff;
	v1 =	vadd.f32 v11, v1;
	v11 =	vor.u32 v48, v3;
	v14 =	vmul.f32 v14, v14  }
0x25a: {  	v9 =	vld.idx.msk [tilespmem:v9+s12+$0x0], $0xffff;
	v0 =	vadd.f32 v8, v0;
	v8 =	vor.u32 v43, v3;
	v15 =	vmul.f32 v15, v15  }
0x25b: {  	v1 =	vadd.f32 v14, v1;
	v14 =	vor.u32 v44, v3;
	v10 =	vmul.f32 v10, v10;
	v7 =	vld.idx.msk [tilespmem:v7+s12+$0x0], $0xffff  }
0x25c: {  	v5 =	vmul.f32 v5, v5;
	v12 =	vld.idx.msk [tilespmem:v12+s12+$0x0], $0xffff;
	v0 =	vadd.f32 v15, v0;
	v15 =	vor.u32 v39, v3  }
0x25d: {  	v1 =	vadd.f32 v10, v1;
	v10 =	vor.u32 v40, v3;
	v13 =	vmul.f32 v13, v13;
	v6 =	vld.idx.msk [tilespmem:v6+s12+$0x0], $0xffff  }
0x25e: {  	[tilespmem:$0x1F3E0] =	vst v31;
	v34 =	vsel vm3, $0x2F, v38;
	v4 =	vmul.f32 v4, v4;
	v42 =	vld.idx.msk [tilespmem:v11+s12+$0x0], $0xffff;
	v0 =	vadd.f32 v5, v0  }
0x25f: {  	v45 =	vor.u32 v34, v3;
	v1 =	vadd.f32 v13, v1;
	v9 =	vmul.f32 v9, v9;
	v8 =	vld.idx.msk [tilespmem:v8+s12+$0x0], $0xffff  }
0x260: {  	[tilespmem:$0x1F400] =	vst v57;
	v50 =	vld.idx.msk [tilespmem:v14+s12+$0x0], $0xffff;
	v0 =	vadd.f32 v4, v0;
	v7 =	vmul.f32 v7, v7  }
0x261: {  	[tilespmem:$0x1F410] =	vst v58;
	v1 =	vadd.f32 v9, v1;
	v11 =	vmul.f32 v12, v12;
	v9 =	vld.idx.msk [tilespmem:v15+s12+$0x0], $0xffff  }
0x262: {  	[tilespmem:$0x1F450] =	vst v28;
	v0 =	vadd.f32 v7, v0;
	v7 =	vld.idx.msk [tilespmem:v10+s12+$0x0], $0xffff;
	v6 =	vmul.f32 v6, v6  }
0x263: {  	[tilespmem:$0x1F2D0] =	vst v22;
	v22 =	vld [tilespmem:$0x1FE80];
	v1 =	vadd.f32 v11, v1;
	v5 =	vmul.f32 v42, v42  }
0x264: {  	[tilespmem:$0x1F330] =	vst v37;
	v3 =	vld.idx.msk [tilespmem:v45+s12+$0x0], $0xffff;
	v0 =	vadd.f32 v6, v0;
	v6 =	vmul.f32 v8, v8  }
0x265: {  	[tilespmem:$0x1F340] =	vst v59;
	v16 =	vld [tilespmem:$0x1FE40];
	v1 =	vadd.f32 v5, v1;
	v4 =	vmul.f32 v50, v50  }
0x266: {  	[tilespmem:$0x1F2C0] =	vst v29;
	v20 =	vld [tilespmem:$0x1FE60];
	v0 =	vadd.f32 v6, v0  }
0x267: {  	v29 =	vld [tilespmem:$0x1FFC0];
	v8 =	vmovc v63;
	v1 =	vadd.f32 v4, v1;
	v61 =	vmul.f32 v9, v9;
	v63 =	vmul.f32 v7, v7  }
0x268: {  	[tilespmem:$0x1F360] =	vst v18;
	v32 =	vld [tilespmem:$0x1FF90]  }
0x269: {  	[tilespmem:$0x1F350] =	vst v17;
	v38 =	vld [tilespmem:$0x1FFE0];
	v3 =	vmul.f32 v3, v3;
	v0 =	vadd.f32 v61, v0;
	v1 =	vadd.f32 v63, v1  }
0x26a: {  	[tilespmem:$0x1F270] =	vst v19;
	v45 =	vld [tilespmem:$0x1FFF0]  }
0x26b: {  	[tilespmem:$0x1F3A0] =	vst v34;
	v14 =	vmov v36;
	v36 =	vld [tilespmem:$0x1FFB0];
	v0 =	vadd.f32 v3, v0;
	v1 =	vadd.f32 v1, v2  }
0x26c: {  	v12 =	vmov v27;
	v27 =	vld [tilespmem:$0x1FFA0];
	[tilespmem:$0x1F390] =	vst v14  }
0x26d: {  	v42 =	vld [tilespmem:$0x1FFD0];
	[tilespmem:$0x1F370] =	vst v8;
	v9 =	vmov v24;
	v0 =	vadd.f32 v0, v1  }
0x26e: {  	[tilespmem:$0x1F380] =	vst v9;
	v63 =	vld [tilespmem:$0x1FE30]  }
0x26f: {  	v50 =	vld [tilespmem:$0x1FE50];
	v24 =	vmov v62;
	v61 =	vlaneseq.u32;
	[tilespmem:$0x1F2F0] =	vst v0  }
.LBB2_7:
0x270: {  	s21 =	sand.u32 $0x1, s19;
	p0 =	seq.s32 s19, $0x13  }
0x271: {  	s20 =	smov.u32 s19;
	s19 =	sadd.s32 $0x1, s19;
	s22 =	sxor.u32 @!p0 $0x1, s21  }
0x272: {  	v0 =	vor.u32 s26, v61;
	s24 =	sshll.u32 @!p0 s19, $0x7;
	s25 =	sshll.u32 s21, $0x7;
	s21 =	sor.u32 $0x2, s21  }
0x273: {  	v28 =	vshll.u32 v0, $0x6;
	[tilespmem:$0x1EF40] =	vst v0;
	s23 =	sshll.u32 @!p0 s22, $0xD;
	v1 =	vmov s25;
	s24 =	sand.u32 @!p0 $0x3FFFFF80, s24;
	s22 =	sor.u32 @!p0 $0x2, s22  }
0x274: {  	s25 =	simm.s32 @!p0 $0x80;
	s23 =	sadd.s32 @!p0 $0x3480, s23;
	s24 =	sadd.s32 @!p0 $0xA80, s24;
	[tilespmem:$0x1EF50] =	vst v1;
	v0 =	vor.u32 v1, v0;
	v1 =	vor.u32 v40, v28  }
0x275: {  	[tilespmem:s23], [sflag:s22] =	stream.indirect.gather @!p0 [hbm4b:s4+s25], $0x40, s24, s25, $0xb8;
	[tilespmem:$0x7E90] =	vst v63  }
0x276: {  	_ =	swait.ge [sflag:s21], $0x2000  }
0x277: {  	[sflag:s21] =	ssyncset.done $0x0  }
0x278: {  	[sflag:s21] =	ssyncadd.s32 $0xFFFFE000  }
0x279: {  	v1 =	vld.idx.msk [tilespmem:v1+s12+$0x0], $0xffff  }
0x27a: {  	v2 =	vor.u32 v44, v28;
	_ =	sdelay $0x1  }
0x27b: {  	v4 =	vor.u32 v48, v28;
	_ =	sdelay $0x1  }
0x27c: {  	[tilespmem:$0x1EF60] =	vst v1;
	v1 =	vor.u32 v47, v28  }
0x27d: {  	v2 =	vld.idx.msk [tilespmem:v2+s12+$0x0], $0xffff;
	_ =	sdelay $0x1  }
0x27e: {  	v34 =	vshll.u32 v0, $0x6;
	v4 =	vld.idx.msk [tilespmem:v4+s12+$0x0], $0xffff  }
0x27f: {  	v0 =	vor.u32 v40, v34  }
0x280: {  	v3 =	vor.u32 v44, v34;
	v1 =	vld.idx.msk [tilespmem:v1+s12+$0x0], $0xffff  }
0x281: {  	[tilespmem:$0x1EF70] =	vst v2;
	v2 =	vor.u32 v52, v28  }
0x282: {  	v5 =	vor.u32 v48, v34  }
0x283: {  	[tilespmem:$0x1EF80] =	vst v4;
	v4 =	vor.u32 v54, v28  }
0x284: {  	v61 =	vld.idx.msk [tilespmem:v0+s14+$0x0], $0xffff;
	v0 =	vor.u32 v47, v34  }
0x285: {  	v58 =	vld.idx.msk [tilespmem:v3+s14+$0x0], $0xffff;
	[tilespmem:$0x1EF90] =	vst v1;
	v1 =	vor.u32 v21, v28  }
0x286: {  	v2 =	vld.idx.msk [tilespmem:v2+s12+$0x0], $0xffff  }
0x287: {  	v3 =	vor.u32 v52, v34;
	v53 =	vld.idx.msk [tilespmem:v5+s14+$0x0], $0xffff  }
0x288: {  	v6 =	vor.u32 v30, v28;
	v4 =	vld.idx.msk [tilespmem:v4+s12+$0x0], $0xffff  }
0x289: {  	v5 =	vor.u32 v54, v34;
	v39 =	vld.idx.msk [tilespmem:v0+s14+$0x0], $0xffff  }
0x28a: {  	v0 =	vor.u32 v21, v34;
	v1 =	vld.idx.msk [tilespmem:v1+s12+$0x0], $0xffff  }
0x28b: {  	[tilespmem:$0x1EFA0] =	vst v2;
	v2 =	vor.u32 v23, v28  }
0x28c: {  	v41 =	vld.idx.msk [tilespmem:v3+s14+$0x0], $0xffff;
	v3 =	vor.u32 v23, v34  }
0x28d: {  	v6 =	vld.idx.msk [tilespmem:v6+s12+$0x0], $0xffff;
	[tilespmem:$0x1EFB0] =	vst v4;
	v4 =	vor.u32 v60, v28  }
0x28e: {  	v31 =	vld.idx.msk [tilespmem:v5+s14+$0x0], $0xffff  }
0x28f: {  	[tilespmem:$0x1EFC0] =	vst v1;
	v1 =	vld.idx.msk [tilespmem:v0+s14+$0x0], $0xffff  }
0x290: {  	v5 =	vor.u32 v60, v34;
	v2 =	vld.idx.msk [tilespmem:v2+s12+$0x0], $0xffff  }
0x291: {  	v43 =	vld.idx.msk [tilespmem:v3+s14+$0x0], $0xffff  }
0x292: {  	v4 =	vld.idx.msk [tilespmem:v4+s12+$0x0], $0xffff;
	v0 =	vor.u32 v30, v34  }
0x293: {  	[tilespmem:$0x1EFF0] =	vst v6;
	v6 =	vor.u32 v59, v28  }
0x294: {  	[tilespmem:$0x1F030] =	vst v1;
	v1 =	vmul.f32 v1, v1  }
0x295: {  	v5 =	vld.idx.msk [tilespmem:v5+s14+$0x0], $0xffff;
	[tilespmem:$0x1EFD0] =	vst v2;
	v2 =	vor.u32 v33, v28  }
0x296: {  	v3 =	vor.u32 v33, v34;
	[tilespmem:$0x1F040] =	vst v1;
	v1 =	vmul.f32 v43, v43  }
0x297: {  	[tilespmem:$0x1EFE0] =	vst v4;
	v4 =	vor.u32 v37, v28;
	v52 =	vld.idx.msk [tilespmem:v0+s14+$0x0], $0xffff  }
0x298: {  	v7 =	vor.u32 v37, v34;
	v6 =	vld.idx.msk [tilespmem:v6+s12+$0x0], $0xffff;
	[tilespmem:$0x1F060] =	vst v1;
	v1 =	vmul.f32 v31, v31;
	_ =	sdelay $0x1  }
0x299: {  	v2 =	vld.idx.msk [tilespmem:v2+s12+$0x0], $0xffff;
	[tilespmem:$0x1F080] =	vst v1;
	v1 =	vmul.f32 v5, v5  }
0x29a: {  	v62 =	vld.idx.msk [tilespmem:v3+s14+$0x0], $0xffff  }
0x29b: {  	v0 =	vor.u32 v59, v34;
	v4 =	vld.idx.msk [tilespmem:v4+s12+$0x0], $0xffff;
	[tilespmem:$0x1F0A0] =	vst v1;
	v1 =	vmul.f32 v52, v52  }
0x29c: {  	[tilespmem:$0x1F020] =	vst v6;
	v3 =	vor.u32 v17, v34;
	v33 =	vld.idx.msk [tilespmem:v7+s14+$0x0], $0xffff  }
0x29d: {  	v7 =	vor.u32 v18, v34;
	[tilespmem:$0x1F0B0] =	vst v1;
	v1 =	vmul.f32 v41, v41  }
0x29e: {  	[tilespmem:$0x1F000] =	vst v2  }
0x29f: {  	v25 =	vld [tilespmem:$0x1F290];
	v2 =	vor.u32 v17, v28;
	[tilespmem:$0x1F0D0] =	vst v1;
	v1 =	vmul.f32 v62, v62  }
0x2a0: {  	v6 =	vor.u32 v8, v28;
	[tilespmem:$0x1F010] =	vst v4;
	v40 =	vld.idx.msk [tilespmem:v0+s14+$0x0], $0xffff  }
0x2a1: {  	v11 =	vld.idx.msk [tilespmem:v3+s14+$0x0], $0xffff;
	v4 =	vor.u32 v18, v28;
	[tilespmem:$0x1F0E0] =	vst v1;
	v1 =	vmul.f32 v33, v33  }
0x2a2: {  	v15 =	vld.idx.msk [tilespmem:v7+s14+$0x0], $0xffff;
	v0 =	vor.u32 v8, v34  }
0x2a3: {  	v3 =	vor.u32 v9, v34;
	v7 =	vld [tilespmem:$0x1F2B0];
	[tilespmem:$0x1F0F0] =	vst v1;
	v1 =	vmul.f32 v39, v39  }
0x2a4: {  	v10 =	vld.idx.msk [tilespmem:v2+s12+$0x0], $0xffff;
	v2 =	vor.u32 v9, v28  }
0x2a5: {  	v18 =	vld.idx.msk [tilespmem:v6+s12+$0x0], $0xffff;
	[tilespmem:$0x1F110] =	vst v1;
	v1 =	vmul.f32 v40, v40  }
0x2a6: {  	v13 =	vld.idx.msk [tilespmem:v4+s12+$0x0], $0xffff  }
0x2a7: {  	v17 =	vld.idx.msk [tilespmem:v0+s14+$0x0], $0xffff;
	[tilespmem:$0x1F120] =	vst v1;
	v1 =	vmul.f32 v11, v11  }
0x2a8: {  	v8 =	vor.u32 v14, v34;
	v6 =	vor.u32 v7, v28;
	v9 =	vor.u32 v7, v34;
	v7 =	vld.idx.msk [tilespmem:v3+s14+$0x0], $0xffff  }
0x2a9: {  	v4 =	vor.u32 v14, v28;
	v0 =	vld.idx.msk [tilespmem:v2+s12+$0x0], $0xffff;
	[tilespmem:$0x1F130] =	vst v1;
	v1 =	vmul.f32 v53, v53  }
0x2aa: {  	v3 =	vor.u32 v25, v34;
	v2 =	vor.u32 v25, v28;
	v25 =	vld [tilespmem:$0x1F270]  }
0x2ab: {  	[tilespmem:$0x1F150] =	vst v1;
	v1 =	vmul.f32 v15, v15;
	_ =	sdelay $0x1  }
0x2ac: {  	v14 =	vld.idx.msk [tilespmem:v8+s14+$0x0], $0xffff;
	[tilespmem:$0x1F160] =	vst v1;
	v1 =	vmul.f32 v17, v17  }
0x2ad: {  	v30 =	vld.idx.msk [tilespmem:v4+s12+$0x0], $0xffff  }
0x2ae: {  	v4 =	vor.u32 v25, v28;
	v8 =	vor.u32 v25, v34;
	v25 =	vld [tilespmem:$0x1F250];
	[tilespmem:$0x1F170] =	vst v1;
	v1 =	vmul.f32 v58, v58;
	_ =	sdelay $0x1  }
0x2af: {  	[tilespmem:$0x1F190] =	vst v1;
	v1 =	vmul.f32 v7, v7  }
0x2b0: {  	v35 =	vld.idx.msk [tilespmem:v9+s14+$0x0], $0xffff  }
0x2b1: {  	[tilespmem:$0x1F1A0] =	vst v1;
	v1 =	vmul.f32 v14, v14  }
0x2b2: {  	v49 =	vld.idx.msk [tilespmem:v3+s14+$0x0], $0xffff;
	v9 =	vor.u32 v25, v34  }
0x2b3: {  	v48 =	vld.idx.msk [tilespmem:v2+s12+$0x0], $0xffff;
	v2 =	vor.u32 v26, v28;
	[tilespmem:$0x1F1B0] =	vst v1;
	v1 =	vmul.f32 v61, v61  }
0x2b4: {  	v21 =	vld.idx.msk [tilespmem:v6+s12+$0x0], $0xffff;
	v3 =	vor.u32 v26, v34  }
0x2b5: {  	v6 =	vor.u32 v25, v28;
	v23 =	vld.idx.msk [tilespmem:v8+s14+$0x0], $0xffff;
	[tilespmem:$0x1F1D0] =	vst v1;
	v1 =	vmul.f32 v35, v35  }
0x2b6: {  	v19 =	vld.idx.msk [tilespmem:v4+s12+$0x0], $0xffff;
	v8 =	vor.u32 v12, v34  }
0x2b7: {  	v4 =	vor.u32 v12, v28;
	v26 =	vld.idx.msk [tilespmem:v9+s14+$0x0], $0xffff;
	[tilespmem:$0x1F1E0] =	vst v1;
	v1 =	vmul.f32 v49, v49  }
0x2b8: {  	[tilespmem:$0x1F070] =	vst v31;
	v47 =	vld.idx.msk [tilespmem:v2+s12+$0x0], $0xffff;
	v2 =	vor.u32 v22, v28  }
0x2b9: {  	v31 =	vld.idx.msk [tilespmem:v3+s14+$0x0], $0xffff;
	v12 =	vor.u32 v20, v34;
	[tilespmem:$0x1F1F0] =	vst v1;
	v1 =	vmov s20  }
0x2ba: {  	v25 =	vld.idx.msk [tilespmem:v6+s12+$0x0], $0xffff;
	v6 =	vor.u32 v24, v28;
	[tilespmem:$0x1F200] =	vst v1;
	v1 =	vmul.f32 v23, v23  }
0x2bb: {  	[tilespmem:$0x1F140] =	vst v53;
	v9 =	vor.u32 v24, v34;
	v8 =	vld.idx.msk [tilespmem:v8+s14+$0x0], $0xffff  }
0x2bc: {  	v3 =	vor.u32 v22, v34;
	v37 =	vld.idx.msk [tilespmem:v4+s12+$0x0], $0xffff;
	[tilespmem:$0x1F210] =	vst v1;
	v1 =	vmul.f32 v26, v26  }
0x2bd: {  	[tilespmem:$0x1F0C0] =	vst v41;
	v60 =	vld.idx.msk [tilespmem:v2+s12+$0x0], $0xffff  }
0x2be: {  	v4 =	vor.u32 v20, v28;
	v53 =	vld.idx.msk [tilespmem:v12+s14+$0x0], $0xffff;
	[tilespmem:$0x1F220] =	vst v1;
	v1 =	vmul.f32 v31, v31  }
0x2bf: {  	[tilespmem:$0x1F050] =	vst v43;
	v2 =	vor.u32 v16, v34;
	v43 =	vld.idx.msk [tilespmem:v6+s12+$0x0], $0xffff  }
0x2c0: {  	v41 =	vld.idx.msk [tilespmem:v9+s14+$0x0], $0xffff;
	v9 =	vor.u32 v16, v28;
	[tilespmem:$0x1F230] =	vst v1;
	v1 =	vmul.f32 v8, v8  }
0x2c1: {  	[tilespmem:$0x1F180] =	vst v58;
	v6 =	vld.idx.msk [tilespmem:v3+s14+$0x0], $0xffff;
	v3 =	vor.u32 v38, v28  }
0x2c2: {  	v16 =	vor.u32 v38, v34;
	[tilespmem:$0x1F240] =	vst v1;
	v1 =	vld [tilespmem:$0x1F4A0]  }
0x2c3: {  	[tilespmem:$0x1F1C0] =	vst v61;
	v24 =	vld.idx.msk [tilespmem:v4+s12+$0x0], $0xffff  }
0x2c4: {  	[tilespmem:$0x1F100] =	vst v39;
	v59 =	vld.idx.msk [tilespmem:v2+s14+$0x0], $0xffff  }
0x2c5: {  	[tilespmem:$0x1F090] =	vst v5;
	v22 =	vor.u32 v63, v34;
	v2 =	vor.u32 v29, v28;
	v9 =	vld.idx.msk [tilespmem:v9+s12+$0x0], $0xffff  }
0x2c6: {  	v20 =	vor.u32 v27, v28;
	v55 =	vld.idx.msk [tilespmem:v3+s12+$0x0], $0xffff;
	v3 =	vor.u32 v29, v34;
	v12 =	vmul.f32 v41, v41  }
0x2c7: {  	v57 =	vld.idx.msk [tilespmem:v16+s14+$0x0], $0xffff;
	s20 =	simm.s32 $0x10;
	v29 =	vor.u32 v27, v34;
	v16 =	vmul.f32 v6, v6;
	[tilespmem:$0x1F4A0] =	vst v1  }
.LBB2_8:
0x2c8: {  	_ =	sdelay $0x1  }
0x2c9: {  	v51 =	vld.idx.msk [tilespmem:v2+s12+$0x0], $0xffff  }
0x2ca: {  	v39 =	vor.u32 v63, v28;
	v58 =	vld.idx.msk [tilespmem:v3+s14+$0x0], $0xffff  }
0x2cb: {  	v54 =	vld.idx.msk [tilespmem:v20+s12+$0x0], $0xffff;
	v2 =	vor.u32 v32, v28  }
0x2cc: {  	v27 =	vld.idx.msk [tilespmem:v29+s14+$0x0], $0xffff;
	v3 =	vor.u32 v32, v34  }
0x2cd: {  	v61 =	vld.idx.msk [tilespmem:v22+s14+$0x0], $0xffff;
	v20 =	vor.u32 v36, v28  }
0x2ce: {  	v4 =	vld [tilespmem:$0x1FE70];
	v22 =	vor.u32 v36, v34  }
0x2cf: {  	v32 =	vor.u32 v42, v34;
	v39 =	vld.idx.msk [tilespmem:v39+s12+$0x0], $0xffff  }
0x2d0: {  	v44 =	vor.u32 v45, v28;
	v63 =	vld.idx.msk [tilespmem:v2+s12+$0x0], $0xffff  }
0x2d1: {  	v2 =	vld.idx.msk [tilespmem:v3+s14+$0x0], $0xffff  }
0x2d2: {  	v56 =	vor.u32 v42, v28;
	v36 =	vld.idx.msk [tilespmem:v20+s12+$0x0], $0xffff  }
0x2d3: {  	v38 =	vmul.f32 v61, v61;
	v20 =	vor.u32 v45, v34;
	v45 =	vld.idx.msk [tilespmem:v22+s14+$0x0], $0xffff;
	v3 =	vmul.f32 v27, v27  }
0x2d4: {  	v1 =	vmul.f32 v53, v53;
	v22 =	vld.idx.msk [tilespmem:v32+s14+$0x0], $0xffff  }
0x2d5: {  	v3 =	vadd.f32 v3, v38;
	v38 =	vld.idx.msk [tilespmem:v44+s12+$0x0], $0xffff  }
0x2d6: {  	[tilespmem:$0x1EF30] =	vst v1;
	v1 =	vmul.f32 v59, v59;
	v32 =	vor.u32 v4, v28;
	v44 =	vor.u32 v4, v34;
	v4 =	vld [tilespmem:$0x1FE90]  }
0x2d7: {  	v42 =	vor.u32 v50, v34  }
0x2d8: {  	[tilespmem:$0x1EF20] =	vst v1;
	v1 =	vor.u32 v50, v28;
	v56 =	vld.idx.msk [tilespmem:v56+s12+$0x0], $0xffff  }
0x2d9: {  	v39 =	vmul.f32 v61, v39;
	v61 =	vmul.f32 v2, v63  }
0x2da: {  	v36 =	vmul.f32 v45, v36  }
0x2db: {  	v63 =	vor.u32 v4, v28;
	v5 =	vor.u32 v4, v34;
	v4 =	vld [tilespmem:$0x1FEB0];
	v61 =	vadd.f32 $0.0e+00, v61  }
0x2dc: {  	v27 =	vmul.f32 v27, v54;
	v54 =	vld.idx.msk [tilespmem:v42+s14+$0x0], $0xffff  }
0x2dd: {  	v1 =	vld.idx.msk [tilespmem:v1+s12+$0x0], $0xffff;
	v56 =	vmul.f32 v22, v56;
	v36 =	vadd.f32 v36, v61  }
0x2de: {  	v39 =	vadd.f32 $0.0e+00, v39;
	v20 =	vld.idx.msk [tilespmem:v20+s14+$0x0], $0xffff  }
0x2df: {  	v42 =	vmul.f32 v58, v51;
	v36 =	vadd.f32 v56, v36;
	v56 =	vld [tilespmem:$0x1F260]  }
0x2e0: {  	v27 =	vadd.f32 v27, v39;
	v50 =	vor.u32 v4, v28;
	v51 =	vor.u32 v4, v34;
	v4 =	vld [tilespmem:$0x1FED0]  }
0x2e1: {  	v32 =	vld.idx.msk [tilespmem:v32+s12+$0x0], $0xffff  }
0x2e2: {  	v39 =	vld.idx.msk [tilespmem:v44+s14+$0x0], $0xffff;
	v44 =	vmul.f32 v57, v55;
	v27 =	vadd.f32 v42, v27  }
0x2e3: {  	v29 =	vmul.f32 v57, v57;
	v46 =	vmul.f32 v58, v58;
	v55 =	vld.idx.msk [tilespmem:v63+s12+$0x0], $0xffff  }
0x2e4: {  	v27 =	vadd.f32 v44, v27;
	v38 =	vmul.f32 v20, v38;
	v57 =	vld.idx.msk [tilespmem:v5+s14+$0x0], $0xffff;
	v5 =	vmul.f32 v59, v9  }
0x2e5: {  	v44 =	vor.u32 v56, v34;
	v58 =	vor.u32 v4, v28;
	v61 =	vor.u32 v4, v34;
	v4 =	vld [tilespmem:$0x1FEF0]  }
0x2e6: {  	v1 =	vmul.f32 v54, v1;
	v36 =	vadd.f32 v38, v36;
	v9 =	vld.idx.msk [tilespmem:v50+s12+$0x0], $0xffff  }
0x2e7: {  	v24 =	vmul.f32 v53, v24;
	v5 =	vadd.f32 v5, v27;
	v59 =	vld.idx.msk [tilespmem:v51+s14+$0x0], $0xffff  }
0x2e8: {  	v27 =	vmul.f32 v39, v32;
	v1 =	vadd.f32 v1, v36;
	v50 =	vor.u32 v56, v28;
	v56 =	vld [tilespmem:$0x1F280]  }
0x2e9: {  	v5 =	vadd.f32 v24, v5;
	v24 =	vmul.f32 v57, v55;
	v55 =	vld [tilespmem:$0x1F2D0]  }
0x2ea: {  	v1 =	vadd.f32 v27, v1;
	v27 =	vmul.f32 v41, v43;
	v43 =	vld.idx.msk [tilespmem:v44+s14+$0x0], $0xffff  }
0x2eb: {  	v63 =	vor.u32 v4, v28;
	v38 =	vld.idx.msk [tilespmem:v58+s12+$0x0], $0xffff  }
0x2ec: {  	v6 =	vmul.f32 v6, v60;
	v42 =	vor.u32 v4, v34;
	v53 =	vld.idx.msk [tilespmem:v61+s14+$0x0], $0xffff  }
0x2ed: {  	v58 =	vld [tilespmem:$0x1F2A0]  }
0x2ee: {  	v5 =	vadd.f32 v6, v5;
	v51 =	vor.u32 v56, v28;
	v41 =	vld.idx.msk [tilespmem:v50+s12+$0x0], $0xffff  }
0x2ef: {  	v36 =	vor.u32 v56, v34;
	v4 =	vld [tilespmem:$0x1F020]  }
0x2f0: {  	v5 =	vadd.f32 v27, v5;
	v32 =	vld.idx.msk [tilespmem:v63+s12+$0x0], $0xffff  }
0x2f1: {  	v6 =	vmul.f32 v59, v9;
	v9 =	vmul.f32 v8, v37;
	v44 =	vor.u32 v55, v28;
	v60 =	vld.idx.msk [tilespmem:v42+s14+$0x0], $0xffff  }
0x2f2: {  	v1 =	vadd.f32 v24, v1;
	v56 =	vor.u32 v58, v28;
	v42 =	vor.u32 v58, v34;
	v58 =	vld [tilespmem:$0x1F2C0]  }
0x2f3: {  	v27 =	vmul.f32 v31, v47;
	v5 =	vadd.f32 v9, v5;
	v24 =	vld.idx.msk [tilespmem:v51+s12+$0x0], $0xffff  }
0x2f4: {  	v1 =	vadd.f32 v6, v1;
	v9 =	vmul.f32 v26, v25;
	v8 =	vld.idx.msk [tilespmem:v36+s14+$0x0], $0xffff  }
0x2f5: {  	v5 =	vadd.f32 v27, v5;
	v6 =	vmul.f32 v53, v38;
	v38 =	vor.u32 v55, v34;
	v55 =	vld [tilespmem:$0x1F410]  }
0x2f6: {  	v27 =	vld.idx.msk [tilespmem:v44+s12+$0x0], $0xffff  }
0x2f7: {  	v5 =	vadd.f32 v9, v5;
	v9 =	vmul.f32 v49, v48;
	v49 =	vld [tilespmem:$0x1F450]  }
0x2f8: {  	v48 =	vld [tilespmem:$0x1F3C0];
	v50 =	vor.u32 v58, v28  }
0x2f9: {  	v37 =	vor.u32 v58, v34;
	v58 =	vld [tilespmem:$0x1F2E0]  }
0x2fa: {  	v36 =	vld.idx.msk [tilespmem:v56+s12+$0x0], $0xffff  }
0x2fb: {  	v1 =	vadd.f32 v6, v1;
	v6 =	vmul.f32 v60, v32;
	v31 =	vld.idx.msk [tilespmem:v42+s14+$0x0], $0xffff;
	v56 =	vor.u32 v55, v28  }
0x2fc: {  	v23 =	vmul.f32 v23, v19;
	v19 =	vld.idx.msk [tilespmem:v38+s14+$0x0], $0xffff  }
0x2fd: {  	v1 =	vadd.f32 v6, v1;
	v6 =	vmul.f32 v43, v41;
	v26 =	vld.idx.msk [tilespmem:v50+s12+$0x0], $0xffff  }
0x2fe: {  	v5 =	vadd.f32 v23, v5;
	v47 =	vor.u32 v58, v28;
	v25 =	vld.idx.msk [tilespmem:v37+s14+$0x0], $0xffff  }
0x2ff: {  	v1 =	vadd.f32 v6, v1;
	v6 =	vmul.f32 v8, v24;
	v32 =	vor.u32 v58, v34;
	v58 =	vld [tilespmem:$0x1F400]  }
0x300: {  	v5 =	vadd.f32 v9, v5;
	v37 =	vor.u32 v55, v34;
	v55 =	vmul.f32 v35, v21;
	v35 =	vld.idx.msk [tilespmem:v56+s12+$0x0], $0xffff  }
0x301: {  	v56 =	vld [tilespmem:$0x1F3B0];
	v1 =	vadd.f32 v6, v1  }
0x302: {  	v6 =	vmul.f32 v31, v36;
	v36 =	vor.u32 v49, v34;
	v5 =	vadd.f32 v55, v5;
	v55 =	vld [tilespmem:$0x1F3E0]  }
0x303: {  	v51 =	vor.u32 v49, v28;
	v49 =	vor.u32 v48, v28;
	v24 =	vld.idx.msk [tilespmem:v47+s12+$0x0], $0xffff  }
0x304: {  	v9 =	vmul.f32 v14, v30;
	v23 =	vld.idx.msk [tilespmem:v32+s14+$0x0], $0xffff  }
0x305: {  	v21 =	vld.idx.msk [tilespmem:v37+s14+$0x0], $0xffff  }
0x306: {  	v7 =	vmul.f32 v7, v0;
	v5 =	vadd.f32 v9, v5;
	v41 =	vor.u32 v58, v28;
	v47 =	vld [tilespmem:$0x1F460]  }
0x307: {  	v1 =	vadd.f32 v6, v1;
	v38 =	vor.u32 v58, v34;
	v58 =	vor.u32 v56, v28;
	v0 =	vld.idx.msk [tilespmem:v36+s14+$0x0], $0xffff  }
0x308: {  	v6 =	vmul.f32 v25, v26;
	v5 =	vadd.f32 v7, v5;
	v7 =	vmul.f32 v15, v13;
	v13 =	vld.idx.msk [tilespmem:v49+s12+$0x0], $0xffff  }
0x309: {  	v49 =	vld [tilespmem:$0x1F430]  }
0x30a: {  	v30 =	vor.u32 v56, v34;
	v1 =	vadd.f32 v6, v1;
	v6 =	vmul.f32 v19, v27;
	v27 =	vld.idx.msk [tilespmem:v51+s12+$0x0], $0xffff  }
0x30b: {  	v26 =	vld.idx.msk [tilespmem:v41+s12+$0x0], $0xffff  }
0x30c: {  	v14 =	vld.idx.msk [tilespmem:v38+s14+$0x0], $0xffff  }
0x30d: {  	v9 =	vmul.f32 v17, v18;
	v51 =	vor.u32 v48, v34;
	v18 =	vld.idx.msk [tilespmem:v58+s12+$0x0], $0xffff  }
0x30e: {  	v1 =	vadd.f32 v6, v1;
	v6 =	vmul.f32 v23, v24;
	v58 =	vld [tilespmem:$0x1F440]  }
0x30f: {  	v56 =	vor.u32 v55, v28;
	v5 =	vadd.f32 v9, v5;
	v17 =	vld.idx.msk [tilespmem:v30+s14+$0x0], $0xffff  }
0x310: {  	v24 =	vor.u32 v55, v34;
	v55 =	vld [tilespmem:$0x1F3D0];
	v1 =	vadd.f32 v6, v1;
	v6 =	vmul.f32 v21, v35  }
0x311: {  	v30 =	vor.u32 v47, v28;
	v48 =	vor.u32 v47, v34;
	v47 =	vld [tilespmem:$0x1F480]  }
0x312: {  	v5 =	vadd.f32 v7, v5;
	v1 =	vadd.f32 v6, v1;
	v6 =	vld.idx.msk [tilespmem:v51+s14+$0x0], $0xffff  }
0x313: {  	v7 =	vmul.f32 v0, v27;
	v27 =	vor.u32 v49, v34;
	v51 =	vor.u32 v49, v28;
	v49 =	vld [tilespmem:$0x1F420]  }
0x314: {  	v9 =	vmul.f32 v14, v26;
	v26 =	vld.idx.msk [tilespmem:v56+s12+$0x0], $0xffff  }
0x315: {  	v11 =	vmul.f32 v11, v10;
	v10 =	vld.idx.msk [tilespmem:v24+s14+$0x0], $0xffff  }
0x316: {  	v44 =	vor.u32 v58, v28;
	v15 =	vor.u32 v58, v34;
	v58 =	vld.idx.msk [tilespmem:v30+s12+$0x0], $0xffff  }
0x317: {  	v30 =	vld [tilespmem:$0x1F470]  }
0x318: {  	v56 =	vor.u32 v55, v28;
	v37 =	vor.u32 v55, v34;
	v55 =	vld [tilespmem:$0x1F3F0];
	v1 =	vadd.f32 v9, v1  }
0x319: {  	v5 =	vadd.f32 v11, v5;
	v9 =	vmul.f32 v40, v4;
	v4 =	vld [tilespmem:$0x1F010]  }
0x31a: {  	v1 =	vadd.f32 v7, v1;
	v7 =	vmul.f32 v17, v18;
	v18 =	vld.idx.msk [tilespmem:v48+s14+$0x0], $0xffff  }
0x31b: {  	v5 =	vadd.f32 v9, v5;
	v9 =	vld [tilespmem:$0x1F000]  }
0x31c: {  	v35 =	vld.idx.msk [tilespmem:v51+s12+$0x0], $0xffff  }
0x31d: {  	v24 =	vld.idx.msk [tilespmem:v44+s12+$0x0], $0xffff  }
0x31e: {  	v11 =	vld.idx.msk [tilespmem:v15+s14+$0x0], $0xffff  }
0x31f: {  	v48 =	vor.u32 v47, v28;
	v32 =	vld.idx.msk [tilespmem:v37+s14+$0x0], $0xffff;
	v1 =	vadd.f32 v7, v1;
	v7 =	vmul.f32 v6, v13  }
0x320: {  	v44 =	vor.u32 v30, v28;
	v13 =	vor.u32 v30, v34;
	v30 =	vld.idx.msk [tilespmem:v27+s14+$0x0], $0xffff;
	v15 =	vmul.f32 v33, v4  }
0x321: {  	v1 =	vadd.f32 v7, v1;
	v7 =	vmul.f32 v10, v26;
	v26 =	vld.idx.msk [tilespmem:v56+s12+$0x0], $0xffff  }
0x322: {  	v5 =	vadd.f32 v15, v5;
	v15 =	vld [tilespmem:$0x1EFF0]  }
0x323: {  	v41 =	vor.u32 v55, v34;
	v56 =	vor.u32 v55, v28;
	v55 =	vld [tilespmem:$0x1F070]  }
0x324: {  	v9 =	vmul.f32 v62, v9;
	v40 =	vld.idx.msk [tilespmem:v48+s12+$0x0], $0xffff  }
0x325: {  	v1 =	vadd.f32 v7, v1;
	v7 =	vmul.f32 v11, v24;
	v24 =	vld [tilespmem:$0x1F090]  }
0x326: {  	v5 =	vadd.f32 v9, v5;
	v9 =	vld [tilespmem:$0x1EFE0]  }
0x327: {  	v62 =	vld [tilespmem:$0x1F490];
	v15 =	vmul.f32 v52, v15  }
0x328: {  	v1 =	vadd.f32 v7, v1;
	v7 =	vmul.f32 v18, v58;
	v58 =	vld [tilespmem:$0x1F050]  }
0x329: {  	v27 =	vor.u32 v47, v34;
	v5 =	vadd.f32 v15, v5;
	v15 =	vld [tilespmem:$0x1EFD0]  }
0x32a: {  	v13 =	vld.idx.msk [tilespmem:v13+s14+$0x0], $0xffff  }
0x32b: {  	v51 =	vor.u32 v49, v28;
	v56 =	vld.idx.msk [tilespmem:v56+s12+$0x0], $0xffff;
	v52 =	vor.u32 v49, v34;
	v9 =	vmul.f32 v24, v9  }
0x32c: {  	v48 =	vor.u32 v62, v28;
	v49 =	vor.u32 v62, v34;
	v62 =	vadd.f32 v46, v3;
	v3 =	vld [tilespmem:$0x1EFA0]  }
0x32d: {  	v5 =	vadd.f32 v9, v5;
	v9 =	vld [tilespmem:$0x1EFC0]  }
0x32e: {  	v33 =	vmul.f32 v58, v15;
	v15 =	vld.idx.msk [tilespmem:v27+s14+$0x0], $0xffff  }
0x32f: {  	v1 =	vadd.f32 v7, v1;
	v7 =	vmul.f32 v30, v35;
	v27 =	vld [tilespmem:$0x1F030]  }
0x330: {  	v46 =	vld [tilespmem:$0x1F100]  }
0x331: {  	v26 =	vmul.f32 v32, v26;
	v24 =	vld.idx.msk [tilespmem:v44+s12+$0x0], $0xffff;
	v1 =	vadd.f32 v7, v1  }
0x332: {  	v44 =	vld [tilespmem:$0x1F0C0]  }
0x333: {  	v1 =	vadd.f32 v26, v1;
	v26 =	vld.idx.msk [tilespmem:v41+s14+$0x0], $0xffff  }
0x334: {  	v9 =	vmul.f32 v27, v9;
	v27 =	vld.idx.msk [tilespmem:v51+s12+$0x0], $0xffff  }
0x335: {  	v51 =	vld [tilespmem:$0x1F3A0]  }
0x336: {  	v7 =	vld.idx.msk [tilespmem:v52+s14+$0x0], $0xffff;
	v5 =	vadd.f32 v33, v5  }
0x337: {  	v2 =	vmul.f32 v2, v2;
	v52 =	vld [tilespmem:$0x1EFB0];
	v38 =	vmul.f32 v44, v3  }
0x338: {  	v3 =	vld.idx.msk [tilespmem:v49+s14+$0x0], $0xffff;
	v5 =	vadd.f32 v9, v5;
	v9 =	vmul.f32 v13, v24;
	v24 =	vmul.f32 v45, v45  }
0x339: {  	v49 =	vld [tilespmem:$0x1F1C0]  }
0x33a: {  	v22 =	vmul.f32 v22, v22;
	v45 =	vld.idx.msk [tilespmem:v48+s12+$0x0], $0xffff;
	v24 =	vadd.f32 v24, v2;
	v28 =	vor.u32 v51, v28  }
0x33b: {  	v1 =	vadd.f32 v9, v1;
	v9 =	vmul.f32 v15, v40;
	v2 =	vld [tilespmem:$0x1EF90]  }
0x33c: {  	v33 =	vmul.f32 v55, v52;
	v22 =	vadd.f32 v22, v24;
	v24 =	vld [tilespmem:$0x1EF80]  }
0x33d: {  	v58 =	vor.u32 v51, v34;
	v1 =	vadd.f32 v9, v1;
	v9 =	vmul.f32 v7, v27;
	v27 =	vld [tilespmem:$0x1F140]  }
0x33e: {  	v48 =	vld [tilespmem:$0x1F180];
	v5 =	vadd.f32 v33, v5  }
0x33f: {  	v47 =	vld.idx.msk [tilespmem:v28+s12+$0x0], $0xffff  }
0x340: {  	v5 =	vadd.f32 v38, v5;
	v33 =	vmul.f32 v46, v2;
	v28 =	vld [tilespmem:$0x1EF70]  }
0x341: {  	v51 =	vld [tilespmem:$0x1EF40]  }
0x342: {  	v2 =	vld.idx.msk [tilespmem:v58+s14+$0x0], $0xffff;
	v24 =	vmul.f32 v27, v24;
	v5 =	vadd.f32 v33, v5  }
0x343: {  	v61 =	vlaneseq.u32;
	v1 =	vadd.f32 v9, v1;
	v58 =	vld [tilespmem:$0x1F200]  }
0x344: {  	v9 =	vmul.f32 v26, v56;
	v27 =	vor.u32 s20, v61;
	v5 =	vadd.f32 v24, v5;
	v24 =	vld [tilespmem:$0x1EF60]  }
0x345: {  	v52 =	vmov v27;
	v33 =	vmul.f32 v48, v28;
	v28 =	vshll.u32 v27, $0x6;
	v27 =	vld [tilespmem:$0x1EF50]  }
0x346: {  	v4 =	vld [tilespmem:$0x1F9C0];
	v1 =	vadd.f32 v9, v1;
	v9 =	vmul.f32 v3, v45;
	_ =	sdelay $0x1  }
0x347: {  	v34 =	vmul.u32 $0x14, v51;
	v1 =	vadd.f32 v9, v1;
	v9 =	vmul.f32 v2, v47  }
0x348: {  	v5 =	vadd.f32 v33, v5;
	v24 =	vmul.f32 v49, v24  }
0x349: {  	v55 =	vld [tilespmem:$0x1F9B0];
	v35 =	vadd.s32 v58, v34;
	v1 =	vadd.f32 v9, v1;
	v27 =	vor.u32 v27, v52  }
0x34a: {  	v5 =	vadd.f32 v24, v5;
	v24 =	vor.u32 v4, v28;
	v34 =	vshll.u32 v27, $0x6;
	v27 =	vld [tilespmem:$0x1EF20]  }
0x34b: {  	v29 =	vadd.f32 v29, v62;
	v62 =	vld [tilespmem:$0x1F9E0]  }
0x34c: {  	v1 =	vadd.f32 v1, v5;
	v5 =	vor.u32 v4, v34;
	v4 =	vld [tilespmem:$0x1EF30]  }
0x34d: {  	v20 =	vmul.f32 v20, v20  }
0x34e: {  	v41 =	vld [tilespmem:$0x1F9F0];
	v9 =	vor.u32 v55, v34;
	[tilespmem:v35+s16+$0x0] =	vst.idx.msk $0xffff, v1  }
0x34f: {  	v20 =	vadd.f32 v20, v22;
	v22 =	vmul.f32 v54, v54;
	v24 =	vld.idx.msk [tilespmem:v24+s12+$0x0], $0xffff;
	v27 =	vadd.f32 v27, v29  }
0x350: {  	v1 =	vor.u32 v62, v34  }
0x351: {  	v20 =	vadd.f32 v22, v20;
	v22 =	vmul.f32 v39, v39;
	v27 =	vadd.f32 v4, v27;
	v4 =	vld [tilespmem:$0x1F9D0]  }
0x352: {  	v29 =	vor.u32 v62, v28  }
0x353: {  	v20 =	vadd.f32 v22, v20;
	v45 =	vld.idx.msk [tilespmem:v9+s14+$0x0], $0xffff;
	v9 =	vadd.f32 v16, v27  }
0x354: {  	v22 =	vmul.f32 v57, v57;
	v44 =	vld.idx.msk [tilespmem:v5+s14+$0x0], $0xffff;
	[tilespmem:$0x1EF70] =	vst v24;
	v24 =	vor.u32 v41, v28  }
0x355: {  	v46 =	vld.idx.msk [tilespmem:v1+s14+$0x0], $0xffff;
	v5 =	vadd.f32 v12, v9;
	v12 =	vor.u32 v41, v34  }
0x356: {  	v20 =	vadd.f32 v22, v20;
	v1 =	vld [tilespmem:$0x1F240];
	v16 =	vmul.f32 v59, v59;
	v40 =	vor.u32 v4, v28  }
0x357: {  	v29 =	vld.idx.msk [tilespmem:v29+s12+$0x0], $0xffff;
	v27 =	vor.u32 v4, v34  }
0x358: {  	v16 =	vadd.f32 v16, v20;
	v20 =	vmul.f32 v43, v43;
	v43 =	vld [tilespmem:$0x1FA10]  }
0x359: {  	v24 =	vld.idx.msk [tilespmem:v24+s12+$0x0], $0xffff  }
0x35a: {  	v48 =	vld.idx.msk [tilespmem:v12+s14+$0x0], $0xffff  }
0x35b: {  	v4 =	vmul.f32 v8, v8;
	v8 =	vld.idx.msk [tilespmem:v40+s12+$0x0], $0xffff  }
0x35c: {  	v47 =	vld.idx.msk [tilespmem:v27+s14+$0x0], $0xffff  }
0x35d: {  	v27 =	vld [tilespmem:$0x1F230]  }
0x35e: {  	v22 =	vmul.f32 v53, v53;
	[tilespmem:$0x1EFA0] =	vst v24;
	v24 =	vld [tilespmem:$0x1FA20]  }
0x35f: {  	[tilespmem:$0x1EF80] =	vst v29;
	v29 =	vor.u32 v43, v28;
	v12 =	vld [tilespmem:$0x1F220]  }
0x360: {  	v1 =	vadd.f32 v1, v5;
	[tilespmem:$0x1EF90] =	vst v8;
	v8 =	vadd.f32 v22, v16;
	v16 =	vmul.f32 v31, v31;
	v31 =	vld [tilespmem:$0x1FA00]  }
0x361: {  	v9 =	vmul.f32 v60, v60  }
0x362: {  	v5 =	vor.u32 v43, v34;
	v1 =	vadd.f32 v27, v1  }
0x363: {  	v8 =	vadd.f32 v9, v8;
	v9 =	vmul.f32 v19, v19;
	v19 =	vor.u32 v24, v28  }
0x364: {  	v1 =	vadd.f32 v12, v1;
	v12 =	vmul.f32 v23, v23;
	v23 =	vor.u32 v24, v34;
	v24 =	vld.idx.msk [tilespmem:v29+s12+$0x0], $0xffff  }
0x365: {  	v22 =	vor.u32 v31, v28;
	_ =	sdelay $0x1  }
0x366: {  	v29 =	vld.idx.msk [tilespmem:v5+s14+$0x0], $0xffff  }
0x367: {  	v5 =	vld [tilespmem:$0x1F210]  }
0x368: {  	[tilespmem:$0x1EFB0] =	vst v24;
	v24 =	vld [tilespmem:$0x1F300]  }
0x369: {  	v22 =	vld.idx.msk [tilespmem:v22+s12+$0x0], $0xffff;
	_ =	sdelay $0x2  }
0x36a: {  	v8 =	vadd.f32 v20, v8;
	v20 =	vmul.f32 v21, v21;
	v1 =	vadd.f32 v5, v1  }
0x36b: {  	v5 =	vmul.f32 v14, v14;
	v21 =	vor.u32 v24, v28;
	v14 =	vor.u32 v24, v34;
	v24 =	vld [tilespmem:$0x1F310]  }
0x36c: {  	[tilespmem:$0x1EFC0] =	vst v22;
	v22 =	vld [tilespmem:$0x1F1F0];
	_ =	sdelay $0x3  }
0x36d: {  	v4 =	vadd.f32 v4, v8;
	v19 =	vld.idx.msk [tilespmem:v19+s12+$0x0], $0xffff  }
0x36e: {  	v8 =	vor.u32 v24, v28;
	v1 =	vadd.f32 v22, v1;
	v22 =	vor.u32 v24, v34;
	v24 =	vld [tilespmem:$0x1F320];
	_ =	sdelay $0x2  }
0x36f: {  	v25 =	vmul.f32 v25, v25;
	v4 =	vadd.f32 v16, v4  }
0x370: {  	[tilespmem:$0x1EFD0] =	vst v19;
	v19 =	vld [tilespmem:$0x1F1E0]  }
0x371: {  	v16 =	vmul.f32 v6, v6;
	v4 =	vadd.f32 v25, v4;
	v25 =	vld [tilespmem:$0x1F340];
	v6 =	vor.u32 v24, v28  }
0x372: {  	v21 =	vld.idx.msk [tilespmem:v21+s12+$0x0], $0xffff  }
0x373: {  	v49 =	vld.idx.msk [tilespmem:v14+s14+$0x0], $0xffff  }
0x374: {  	v8 =	vld.idx.msk [tilespmem:v8+s12+$0x0], $0xffff  }
0x375: {  	v1 =	vadd.f32 v19, v1;
	v19 =	vmul.f32 v10, v10;
	v10 =	vor.u32 v24, v34;
	v24 =	vld [tilespmem:$0x1F330]  }
0x376: {  	v6 =	vld.idx.msk [tilespmem:v6+s12+$0x0], $0xffff  }
0x377: {  	v56 =	vor.u32 v55, v28;
	v14 =	vld [tilespmem:$0x1F1B0]  }
0x378: {  	v27 =	vor.u32 v31, v34;
	v31 =	vld.idx.msk [tilespmem:v23+s14+$0x0], $0xffff  }
0x379: {  	v23 =	vmul.f32 v18, v18;
	v18 =	vld [tilespmem:$0x1F1A0];
	[tilespmem:$0x1EFE0] =	vst v21  }
0x37a: {  	v63 =	vld [tilespmem:$0x1FE30];
	[tilespmem:$0x1EFF0] =	vst v8;
	v8 =	vadd.f32 v9, v4;
	v9 =	vor.u32 v25, v28  }
0x37b: {  	v21 =	vmul.f32 v11, v11;
	v11 =	vor.u32 v24, v28;
	[tilespmem:$0x1F000] =	vst v6;
	v6 =	vld [tilespmem:$0x1F170]  }
0x37c: {  	v33 =	vld.idx.msk [tilespmem:v56+s12+$0x0], $0xffff;
	v1 =	vadd.f32 v14, v1  }
0x37d: {  	v27 =	vld.idx.msk [tilespmem:v27+s14+$0x0], $0xffff  }
0x37e: {  	v1 =	vadd.f32 v18, v1;
	v62 =	vld.idx.msk [tilespmem:v10+s14+$0x0], $0xffff  }
0x37f: {  	v9 =	vld.idx.msk [tilespmem:v9+s12+$0x0], $0xffff  }
0x380: {  	v1 =	vadd.f32 v6, v1;
	v6 =	vld.idx.msk [tilespmem:v11+s12+$0x0], $0xffff  }
0x381: {  	v8 =	vadd.f32 v12, v8;
	v14 =	vor.u32 v24, v34;
	v11 =	vld [tilespmem:$0x1F360]  }
0x382: {  	v10 =	vld [tilespmem:$0x1F160]  }
0x383: {  	v18 =	vor.u32 v25, v34;
	v25 =	vld [tilespmem:$0x1F350];
	v8 =	vadd.f32 v20, v8  }
0x384: {  	[tilespmem:$0x1F020] =	vst v9;
	v9 =	vld [tilespmem:$0x1F130]  }
0x385: {  	v5 =	vadd.f32 v5, v8;
	v8 =	vmul.f32 v13, v13;
	v13 =	vld [tilespmem:$0x1F120]  }
0x386: {  	[tilespmem:$0x1EF60] =	vst v33;
	v33 =	vld.idx.msk [tilespmem:v14+s14+$0x0], $0xffff;
	v20 =	vor.u32 v11, v28  }
0x387: {  	v0 =	vmul.f32 v0, v0;
	v1 =	vadd.f32 v10, v1;
	v10 =	vld [tilespmem:$0x1F370];
	v14 =	vor.u32 v11, v34  }
0x388: {  	v17 =	vmul.f32 v17, v17;
	v40 =	vld.idx.msk [tilespmem:v18+s14+$0x0], $0xffff  }
0x389: {  	[tilespmem:$0x1EF40] =	vst v52;
	v52 =	vld.idx.msk [tilespmem:v22+s14+$0x0], $0xffff;
	v0 =	vadd.f32 v0, v5;
	v1 =	vadd.f32 v9, v1  }
0x38a: {  	v18 =	vld [tilespmem:$0x1F380];
	v22 =	vor.u32 v25, v28  }
0x38b: {  	v25 =	vor.u32 v25, v34;
	v0 =	vadd.f32 v17, v0;
	v1 =	vadd.f32 v13, v1;
	v13 =	vld.idx.msk [tilespmem:v20+s12+$0x0], $0xffff  }
0x38c: {  	v24 =	vmul.f32 v30, v30;
	v30 =	vor.u32 v10, v28;
	v20 =	vmul.f32 v15, v15;
	v15 =	vld.idx.msk [tilespmem:v14+s14+$0x0], $0xffff  }
0x38d: {  	[tilespmem:$0x1F050] =	vst v31;
	v16 =	vadd.f32 v16, v0;
	v0 =	vmul.f32 v40, v40;
	v14 =	vld [tilespmem:$0x1F0F0]  }
0x38e: {  	[tilespmem:$0x1F030] =	vst v27;
	v17 =	vld [tilespmem:$0x1F390]  }
0x38f: {  	v4 =	vmul.f32 v27, v27;
	v27 =	vmul.f32 v31, v31;
	[tilespmem:$0x1F120] =	vst v0;
	v0 =	vld [tilespmem:$0x1F0E0];
	v31 =	vor.u32 v10, v34  }
0x390: {  	v5 =	vor.u32 v18, v28;
	v11 =	vld.idx.msk [tilespmem:v25+s14+$0x0], $0xffff  }
0x391: {  	v25 =	vor.u32 v18, v34;
	v18 =	vld.idx.msk [tilespmem:v30+s12+$0x0], $0xffff  }
0x392: {  	v30 =	vld [tilespmem:$0x1F2B0];
	v1 =	vadd.f32 v14, v1;
	v14 =	vmul.f32 v33, v33  }
0x393: {  	v57 =	vld [tilespmem:$0x1F270]  }
0x394: {  	v55 =	vor.u32 v17, v28;
	[tilespmem:$0x1F0F0] =	vst v14;
	v14 =	vor.u32 v17, v34;
	v17 =	vld.idx.msk [tilespmem:v31+s14+$0x0], $0xffff  }
0x395: {  	v1 =	vadd.f32 v0, v1;
	v0 =	vld.idx.msk [tilespmem:v5+s12+$0x0], $0xffff  }
0x396: {  	v5 =	vadd.f32 v19, v16;
	v16 =	vmul.f32 v7, v7;
	v7 =	vld.idx.msk [tilespmem:v25+s14+$0x0], $0xffff;
	v25 =	vmul.f32 v11, v11  }
0x397: {  	v56 =	vor.u32 v30, v28;
	v31 =	vor.u32 v30, v34;
	v30 =	vld [tilespmem:$0x1F290]  }
0x398: {  	[tilespmem:$0x1F130] =	vst v25;
	v25 =	vld [tilespmem:$0x1F0B0]  }
0x399: {  	v53 =	vld [tilespmem:$0x1F250];
	v5 =	vadd.f32 v21, v5;
	v21 =	vmul.f32 v15, v15  }
0x39a: {  	[tilespmem:$0x1F0C0] =	vst v48;
	v10 =	vld.idx.msk [tilespmem:v22+s12+$0x0], $0xffff  }
0x39b: {  	[tilespmem:$0x1F160] =	vst v21;
	v21 =	vld [tilespmem:$0x1F0A0]  }
0x39c: {  	[tilespmem:$0x1F070] =	vst v29;
	v5 =	vadd.f32 v23, v5;
	v19 =	vor.u32 v30, v28;
	v14 =	vld.idx.msk [tilespmem:v14+s14+$0x0], $0xffff  }
0x39d: {  	v35 =	vld.idx.msk [tilespmem:v31+s14+$0x0], $0xffff;
	v23 =	vmul.f32 v17, v17;
	v1 =	vadd.f32 v25, v1;
	v25 =	vor.u32 v30, v34  }
0x39e: {  	[tilespmem:$0x1F090] =	vst v49;
	v30 =	vld.idx.msk [tilespmem:v55+s12+$0x0], $0xffff  }
0x39f: {  	[tilespmem:$0x1F170] =	vst v23;
	v23 =	vld [tilespmem:$0x1F060]  }
0x3a0: {  	v12 =	vmul.f32 v32, v32;
	[tilespmem:$0x1F010] =	vst v6;
	v55 =	vld [tilespmem:$0x1FEC0]  }
0x3a1: {  	v22 =	vmul.f32 v48, v48;
	v5 =	vadd.f32 v24, v5;
	v48 =	vld.idx.msk [tilespmem:v19+s12+$0x0], $0xffff;
	v19 =	vmul.f32 v7, v7  }
0x3a2: {  	v6 =	vmul.f32 v29, v29;
	v29 =	vmul.f32 v49, v49;
	v1 =	vadd.f32 v21, v1;
	v49 =	vld.idx.msk [tilespmem:v25+s14+$0x0], $0xffff  }
0x3a3: {  	v5 =	vadd.f32 v12, v5;
	[tilespmem:$0x1F1A0] =	vst v19;
	v19 =	vld [tilespmem:$0x1F040];
	v25 =	vmul.f32 v14, v14  }
0x3a4: {  	v59 =	vor.u32 v57, v34;
	v1 =	vadd.f32 v23, v1;
	v23 =	vld [tilespmem:$0x1FEE0]  }
0x3a5: {  	v5 =	vadd.f32 v8, v5;
	v8 =	vmul.f32 v35, v35;
	[tilespmem:$0x1F1B0] =	vst v25;
	v25 =	vld [tilespmem:$0x1F080]  }
0x3a6: {  	v21 =	vld.idx.msk [tilespmem:v56+s12+$0x0], $0xffff;
	v12 =	vor.u32 v55, v28  }
0x3a7: {  	v60 =	vmul.f32 v26, v26;
	v26 =	vor.u32 v53, v28;
	[tilespmem:$0x1F1E0] =	vst v8;
	v8 =	vld [tilespmem:$0x1F0D0]  }
0x3a8: {  	v31 =	vor.u32 v53, v34;
	v56 =	vld [tilespmem:$0x1FEA0];
	v5 =	vadd.f32 v20, v5;
	v1 =	vadd.f32 v19, v1  }
0x3a9: {  	v24 =	vor.u32 v23, v28;
	v54 =	vor.u32 v23, v34;
	v23 =	vld.idx.msk [tilespmem:v59+s14+$0x0], $0xffff  }
0x3aa: {  	v5 =	vadd.f32 v16, v5;
	v16 =	vld [tilespmem:$0x1FE60];
	v1 =	vadd.f32 v25, v1  }
0x3ab: {  	v37 =	vld.idx.msk [tilespmem:v12+s12+$0x0], $0xffff  }
0x3ac: {  	v25 =	vld.idx.msk [tilespmem:v26+s12+$0x0], $0xffff;
	v1 =	vadd.f32 v8, v1;
	v8 =	vmul.f32 v49, v49  }
0x3ad: {  	v26 =	vld.idx.msk [tilespmem:v31+s14+$0x0], $0xffff  }
0x3ae: {  	v12 =	vmul.f32 v23, v23;
	[tilespmem:$0x1F1F0] =	vst v8;
	v8 =	vld [tilespmem:$0x1F110]  }
0x3af: {  	v58 =	vor.u32 v57, v28;
	[tilespmem:$0x1F100] =	vst v47;
	v36 =	vmul.f32 v47, v47;
	v47 =	vld.idx.msk [tilespmem:v24+s12+$0x0], $0xffff  }
0x3b0: {  	[tilespmem:$0x1F210] =	vst v12;
	v12 =	vld [tilespmem:$0x1F150]  }
0x3b1: {  	v24 =	vld [tilespmem:$0x1FE80]  }
0x3b2: {  	v57 =	vor.u32 v56, v28;
	v59 =	vadd.f32 v60, v5;
	v5 =	vmov v22;
	v22 =	vld [tilespmem:$0x1FFE0]  }
0x3b3: {  	v42 =	vld [tilespmem:$0x1FFD0];
	v1 =	vadd.f32 v8, v1;
	v8 =	vmov v4;
	v4 =	vmov v27  }
0x3b4: {  	v19 =	vld.idx.msk [tilespmem:v58+s12+$0x0], $0xffff;
	v58 =	vor.u32 v56, v34;
	[tilespmem:$0x1F060] =	vst v4;
	v4 =	vor.u32 v16, v28  }
0x3b5: {  	v50 =	vld [tilespmem:$0x1FE50];
	v1 =	vadd.f32 v12, v1;
	v12 =	vor.u32 v16, v34;
	v16 =	vmovc v6;
	v6 =	vmov v29  }
0x3b6: {  	v31 =	vld.idx.msk [tilespmem:v54+s14+$0x0], $0xffff;
	v20 =	vor.u32 v24, v28;
	[tilespmem:$0x1F0A0] =	vst v6;
	v6 =	vmul.f32 v26, v26  }
0x3b7: {  	v43 =	vld.idx.msk [tilespmem:v57+s12+$0x0], $0xffff;
	[tilespmem:$0x1F0D0] =	vst v5;
	v5 =	vor.u32 v22, v28  }
0x3b8: {  	[tilespmem:$0x1F220] =	vst v6;
	v6 =	vld [tilespmem:$0x1F190]  }
0x3b9: {  	v41 =	vld.idx.msk [tilespmem:v58+s14+$0x0], $0xffff;
	v24 =	vor.u32 v24, v34  }
0x3ba: {  	v27 =	vld [tilespmem:$0x1FE40]  }
0x3bb: {  	v32 =	vmul.f32 v52, v52;
	v60 =	vld.idx.msk [tilespmem:v20+s12+$0x0], $0xffff;
	v20 =	vmul.f32 v31, v31  }
0x3bc: {  	[tilespmem:$0x1F180] =	vst v44;
	v39 =	vor.u32 v55, v34;
	v55 =	vld.idx.msk [tilespmem:v5+s12+$0x0], $0xffff  }
0x3bd: {  	[tilespmem:$0x1F230] =	vst v20;
	v20 =	vld [tilespmem:$0x1F1D0];
	v1 =	vadd.f32 v6, v1;
	v6 =	vmov v32  }
0x3be: {  	v3 =	vmul.f32 v3, v3;
	[tilespmem:$0x1F0B0] =	vst v6;
	v6 =	vld.idx.msk [tilespmem:v24+s14+$0x0], $0xffff  }
0x3bf: {  	[tilespmem:$0x1F1C0] =	vst v45;
	v24 =	vld.idx.msk [tilespmem:v4+s12+$0x0], $0xffff  }
0x3c0: {  	v2 =	vmul.f32 v2, v2;
	v44 =	vmul.f32 v44, v44;
	[tilespmem:$0x1F140] =	vst v46;
	v4 =	vld [tilespmem:$0x1FFC0]  }
0x3c1: {  	v45 =	vmul.f32 v45, v45;
	v5 =	vld [tilespmem:$0x1F4A0];
	[tilespmem:$0x1F080] =	vst v16;
	v16 =	vor.u32 v27, v28;
	v27 =	vor.u32 v27, v34  }
0x3c2: {  	v9 =	vmul.f32 v62, v62;
	[tilespmem:$0x1F040] =	vst v8;
	v8 =	vld.idx.msk [tilespmem:v39+s14+$0x0], $0xffff;
	v29 =	vadd.f32 v3, v59;
	v3 =	vmov v44  }
0x3c3: {  	v38 =	vmul.f32 v46, v46;
	[tilespmem:$0x1F190] =	vst v3;
	v53 =	vld.idx.msk [tilespmem:v12+s14+$0x0], $0xffff;
	v12 =	vmov v45  }
0x3c4: {  	v45 =	vld [tilespmem:$0x1FFF0];
	v32 =	vor.u32 v22, v34;
	v1 =	vadd.f32 v20, v1;
	v20 =	vadd.f32 v2, v29;
	v2 =	vmovc v36  }
0x3c5: {  	p0 =	seq.s32 s20, $0x70;
	v22 =	vmov v9;
	[tilespmem:$0x1F110] =	vst v2;
	v2 =	vor.u32 v4, v28;
	v3 =	vor.u32 v4, v34;
	v4 =	vld [tilespmem:$0x1FFA0]  }
.Ltmp2:
0x3c6: {  	v9 =	vmov v38;
	v59 =	vld.idx.msk [tilespmem:v27+s14+$0x0], $0xffff;
	[tilespmem:$0x1F0E0] =	vst v22;
	v1 =	vadd.f32 v20, v1;
	(pc) =	sbr.rel @!p0 .LBB2_8-.Ltmp2, $4  }
0x3c7: {  	v22 =	vmul.f32 v8, v8;
	[tilespmem:$0x1F150] =	vst v9;
	v9 =	vld.idx.msk [tilespmem:v16+s12+$0x0], $0xffff  }
0x3c8: {  	[tilespmem:$0x1F1D0] =	vst v12;
	v36 =	vld [tilespmem:$0x1FFB0];
	v5 =	vadd.f32 v1, v5  }
0x3c9: {  	v12 =	vmul.f32 v41, v41;
	[tilespmem:$0x1F240] =	vst v22;
	v22 =	vor.u32 v63, v34;
	v57 =	vld.idx.msk [tilespmem:v32+s14+$0x0], $0xffff  }
0x3ca: {  	s20 =	sadd.s32 $0x10, s20;
	v32 =	vld [tilespmem:$0x1FF90];
	v16 =	vmul.f32 v6, v6;
	[tilespmem:$0x1F4A0] =	vst v5;
	v20 =	vor.u32 v4, v28;
	v29 =	vor.u32 v4, v34  }
0x3cb: {  	_ =	sdelay $0x3  }
0x3cc: {  	v5 =	vld.idx.msk [tilespmem:v2+s12+$0x0], $0xffff  }
0x3cd: {  	v1 =	vor.u32 v63, v28;
	v2 =	vld.idx.msk [tilespmem:v3+s14+$0x0], $0xffff  }
0x3ce: {  	v27 =	vld.idx.msk [tilespmem:v20+s12+$0x0], $0xffff;
	v38 =	vor.u32 v42, v28  }
0x3cf: {  	v46 =	vld.idx.msk [tilespmem:v29+s14+$0x0], $0xffff;
	v44 =	vor.u32 v36, v28  }
0x3d0: {  	v4 =	vld [tilespmem:$0x1FE70];
	v3 =	vor.u32 v32, v28  }
0x3d1: {  	v58 =	vor.u32 v32, v34;
	v32 =	vld.idx.msk [tilespmem:v22+s14+$0x0], $0xffff  }
0x3d2: {  	v54 =	vld.idx.msk [tilespmem:v1+s12+$0x0], $0xffff  }
0x3d3: {  	v51 =	vor.u32 v36, v34;
	v38 =	vld.idx.msk [tilespmem:v38+s12+$0x0], $0xffff  }
0x3d4: {  	v56 =	vor.u32 v45, v28;
	v29 =	vld.idx.msk [tilespmem:v44+s12+$0x0], $0xffff  }
0x3d5: {  	v39 =	vld.idx.msk [tilespmem:v3+s12+$0x0], $0xffff;
	v3 =	vor.u32 v42, v34;
	v42 =	vor.u32 v45, v34  }
0x3d6: {  	v44 =	vor.u32 v50, v34;
	v1 =	vld.idx.msk [tilespmem:v58+s14+$0x0], $0xffff;
	v58 =	vor.u32 v50, v28  }
0x3d7: {  	v50 =	vor.u32 v4, v28;
	v36 =	vmul.f32 v32, v54;
	v54 =	vor.u32 v4, v34;
	v4 =	vld [tilespmem:$0x1FE90]  }
0x3d8: {  	v45 =	vld.idx.msk [tilespmem:v51+s14+$0x0], $0xffff  }
0x3d9: {  	v51 =	vld.idx.msk [tilespmem:v56+s12+$0x0], $0xffff  }
0x3da: {  	v20 =	vld.idx.msk [tilespmem:v42+s14+$0x0], $0xffff  }
0x3db: {  	v56 =	vld.idx.msk [tilespmem:v58+s12+$0x0], $0xffff  }
0x3dc: {  	v42 =	vor.u32 v4, v28;
	v58 =	vor.u32 v4, v34;
	v4 =	vld [tilespmem:$0x1FEB0]  }
0x3dd: {  	v3 =	vld.idx.msk [tilespmem:v3+s14+$0x0], $0xffff  }
0x3de: {  	v39 =	vmul.f32 v1, v39  }
0x3df: {  	v27 =	vmul.f32 v46, v27;
	v36 =	vadd.f32 $0.0e+00, v36;
	v22 =	vld.idx.msk [tilespmem:v44+s14+$0x0], $0xffff  }
0x3e0: {  	v5 =	vmul.f32 v2, v5;
	v29 =	vmul.f32 v45, v29;
	v44 =	vld.idx.msk [tilespmem:v50+s12+$0x0], $0xffff;
	v39 =	vadd.f32 $0.0e+00, v39  }
0x3e1: {  	v27 =	vadd.f32 v27, v36;
	v36 =	vor.u32 v4, v28;
	v50 =	vor.u32 v4, v34;
	v4 =	vld [tilespmem:$0x1FED0]  }
0x3e2: {  	v29 =	vadd.f32 v29, v39;
	v38 =	vmul.f32 v3, v38  }
0x3e3: {  	v5 =	vadd.f32 v5, v27;
	v27 =	vmul.f32 v57, v55  }
0x3e4: {  	v38 =	vadd.f32 v38, v29;
	v29 =	vld.idx.msk [tilespmem:v58+s14+$0x0], $0xffff  }
0x3e5: {  	v9 =	vmul.f32 v59, v9;
	v5 =	vadd.f32 v27, v5;
	v58 =	vld [tilespmem:$0x1FEF0]  }
0x3e6: {  	v24 =	vmul.f32 v53, v24;
	v39 =	vld.idx.msk [tilespmem:v54+s14+$0x0], $0xffff;
	v54 =	vor.u32 v4, v28  }
0x3e7: {  	v51 =	vmul.f32 v20, v51;
	v5 =	vadd.f32 v9, v5;
	v55 =	vor.u32 v4, v34;
	v4 =	vld [tilespmem:$0x1F260]  }
0x3e8: {  	v60 =	vmul.f32 v6, v60;
	v42 =	vld.idx.msk [tilespmem:v42+s12+$0x0], $0xffff  }
0x3e9: {  	v5 =	vadd.f32 v24, v5;
	v38 =	vadd.f32 v51, v38;
	v51 =	vmul.f32 v22, v56;
	v36 =	vld.idx.msk [tilespmem:v36+s12+$0x0], $0xffff  }
0x3ea: {  	v9 =	vld.idx.msk [tilespmem:v50+s14+$0x0], $0xffff;
	v56 =	vor.u32 v58, v34  }
0x3eb: {  	v41 =	vmul.f32 v41, v43;
	v5 =	vadd.f32 v60, v5;
	v38 =	vadd.f32 v51, v38;
	v51 =	vld.idx.msk [tilespmem:v54+s12+$0x0], $0xffff  }
0x3ec: {  	v44 =	vmul.f32 v39, v44;
	v50 =	vor.u32 v4, v28;
	v54 =	vor.u32 v4, v34;
	v4 =	vld [tilespmem:$0x1F280]  }
0x3ed: {  	v8 =	vmul.f32 v8, v37;
	v60 =	vld [tilespmem:$0x1F2A0];
	v27 =	vor.u32 v58, v28;
	v5 =	vadd.f32 v41, v5  }
0x3ee: {  	v42 =	vmul.f32 v29, v42;
	v38 =	vadd.f32 v44, v38;
	v6 =	vld.idx.msk [tilespmem:v55+s14+$0x0], $0xffff  }
0x3ef: {  	v31 =	vmul.f32 v31, v47;
	v5 =	vadd.f32 v8, v5;
	v43 =	vld.idx.msk [tilespmem:v56+s14+$0x0], $0xffff  }
0x3f0: {  	v25 =	vmul.f32 v26, v25;
	v38 =	vadd.f32 v42, v38;
	v36 =	vmul.f32 v9, v36;
	v56 =	vld [tilespmem:$0x1F2D0]  }
0x3f1: {  	v5 =	vadd.f32 v31, v5;
	v24 =	vor.u32 v4, v28;
	v44 =	vor.u32 v4, v34;
	v4 =	vld [tilespmem:$0x1F2C0]  }
0x3f2: {  	v19 =	vmul.f32 v23, v19;
	v55 =	vor.u32 v60, v28;
	v27 =	vld.idx.msk [tilespmem:v27+s12+$0x0], $0xffff;
	v36 =	vadd.f32 v36, v38  }
0x3f3: {  	v5 =	vadd.f32 v25, v5;
	v42 =	vld.idx.msk [tilespmem:v50+s12+$0x0], $0xffff;
	v50 =	vor.u32 v60, v34;
	v60 =	vmul.f32 v6, v51  }
0x3f4: {  	v37 =	vld.idx.msk [tilespmem:v54+s14+$0x0], $0xffff  }
0x3f5: {  	v5 =	vadd.f32 v19, v5;
	v31 =	vor.u32 v56, v34;
	v36 =	vadd.f32 v60, v36;
	v60 =	vld [tilespmem:$0x1F2E0]  }
0x3f6: {  	v58 =	vor.u32 v4, v28;
	v8 =	vld.idx.msk [tilespmem:v44+s14+$0x0], $0xffff;
	v44 =	vor.u32 v56, v28;
	v56 =	vmul.f32 v49, v48  }
0x3f7: {  	v38 =	vld.idx.msk [tilespmem:v55+s12+$0x0], $0xffff;
	v54 =	vor.u32 v4, v34  }
0x3f8: {  	v21 =	vmul.f32 v35, v21;
	v24 =	vld.idx.msk [tilespmem:v24+s12+$0x0], $0xffff;
	v5 =	vadd.f32 v56, v5  }
0x3f9: {  	v27 =	vmul.f32 v43, v27;
	v26 =	vld.idx.msk [tilespmem:v50+s14+$0x0], $0xffff  }
0x3fa: {  	v50 =	vor.u32 v60, v28;
	v5 =	vadd.f32 v21, v5;
	v21 =	vld [tilespmem:$0x1F3E0]  }
0x3fb: {  	v27 =	vadd.f32 v27, v36;
	v51 =	vor.u32 v60, v34;
	v36 =	vld.idx.msk [tilespmem:v58+s12+$0x0], $0xffff  }
0x3fc: {  	v58 =	vmul.f32 v37, v42;
	v23 =	vld.idx.msk [tilespmem:v54+s14+$0x0], $0xffff  }
0x3fd: {  	v54 =	vld [tilespmem:$0x1F410]  }
0x3fe: {  	v27 =	vadd.f32 v58, v27;
	v58 =	vld.idx.msk [tilespmem:v44+s12+$0x0], $0xffff  }
0x3ff: {  	v14 =	vmul.f32 v14, v30;
	v2 =	vmul.f32 v2, v2;
	v42 =	vld.idx.msk [tilespmem:v50+s12+$0x0], $0xffff  }
0x400: {  	v1 =	vmul.f32 v1, v1;
	v24 =	vmul.f32 v8, v24;
	v25 =	vld.idx.msk [tilespmem:v51+s14+$0x0], $0xffff  }
0x401: {  	v50 =	vmul.f32 v46, v46;
	v51 =	vmul.f32 v32, v32;
	v46 =	vld [tilespmem:$0x1F3B0]  }
0x402: {  	v4 =	vmul.f32 v29, v29;
	v38 =	vmul.f32 v26, v38;
	v24 =	vadd.f32 v24, v27;
	v27 =	vld.idx.msk [tilespmem:v31+s14+$0x0], $0xffff  }
0x403: {  	v5 =	vadd.f32 v14, v5;
	v14 =	vadd.f32 v50, v51;
	v51 =	vmul.f32 v22, v22;
	v31 =	vld [tilespmem:$0x1F010]  }
0x404: {  	v22 =	vor.u32 v21, v28;
	v29 =	vor.u32 v21, v34;
	v21 =	vld [tilespmem:$0x1F1E0];
	v55 =	vor.u32 v54, v28  }
0x405: {  	v60 =	vor.u32 v54, v34;
	v47 =	vmul.f32 v23, v36;
	v54 =	vld [tilespmem:$0x1F400];
	v36 =	vmul.f32 v45, v45  }
0x406: {  	v45 =	vmul.f32 v57, v57;
	v24 =	vadd.f32 v38, v24;
	v38 =	vld [tilespmem:$0x1F450];
	v2 =	vadd.f32 v2, v14  }
0x407: {  	v1 =	vadd.f32 v36, v1;
	v36 =	vmul.f32 v43, v43;
	v43 =	vld [tilespmem:$0x1F000]  }
0x408: {  	v3 =	vmul.f32 v3, v3;
	v2 =	vadd.f32 v45, v2;
	v45 =	vld [tilespmem:$0x1F220]  }
0x409: {  	v50 =	vor.u32 v46, v34;
	v24 =	vadd.f32 v47, v24;
	v47 =	vor.u32 v46, v28;
	v46 =	vld [tilespmem:$0x1F460]  }
0x40a: {  	v49 =	vmul.f32 v27, v58;
	v32 =	vmul.f32 v33, v31;
	v33 =	vld [tilespmem:$0x1F240]  }
0x40b: {  	v0 =	vmul.f32 v7, v0;
	v56 =	vmul.f32 v25, v42;
	v48 =	vld.idx.msk [tilespmem:v55+s12+$0x0], $0xffff  }
0x40c: {  	v1 =	vadd.f32 v3, v1;
	v3 =	vmul.f32 v20, v20;
	v30 =	vld.idx.msk [tilespmem:v60+s14+$0x0], $0xffff;
	v7 =	vadd.f32 v49, v24  }
0x40d: {  	v24 =	vmul.f32 v15, v13;
	v41 =	vor.u32 v38, v28;
	v44 =	vor.u32 v38, v34;
	v38 =	vld [tilespmem:$0x1F440]  }
0x40e: {  	v55 =	vor.u32 v54, v28;
	v15 =	vmul.f32 v62, v43;
	v62 =	vmul.f32 v23, v23;
	v23 =	vld [tilespmem:$0x1EFE0]  }
0x40f: {  	v58 =	vor.u32 v54, v34;
	v57 =	vld.idx.msk [tilespmem:v47+s12+$0x0], $0xffff  }
0x410: {  	v1 =	vadd.f32 v3, v1;
	v60 =	vadd.f32 v56, v7;
	v7 =	vld.idx.msk [tilespmem:v50+s14+$0x0], $0xffff  }
0x411: {  	v47 =	vor.u32 v46, v28;
	v50 =	vor.u32 v46, v34;
	v46 =	vld [tilespmem:$0x1F030]  }
0x412: {  	v1 =	vadd.f32 v51, v1;
	v51 =	vld [tilespmem:$0x1F480]  }
0x413: {  	v42 =	vld.idx.msk [tilespmem:v55+s12+$0x0], $0xffff  }
0x414: {  	v13 =	vld.idx.msk [tilespmem:v58+s14+$0x0], $0xffff  }
0x415: {  	v55 =	vld [tilespmem:$0x1F3C0]  }
0x416: {  	v35 =	vmul.f32 v30, v48;
	v48 =	vmul.f32 v59, v59;
	v59 =	vld [tilespmem:$0x1F020]  }
0x417: {  	v49 =	vld.idx.msk [tilespmem:v41+s12+$0x0], $0xffff  }
0x418: {  	v3 =	vld.idx.msk [tilespmem:v44+s14+$0x0], $0xffff  }
0x419: {  	v41 =	vld.idx.msk [tilespmem:v22+s12+$0x0], $0xffff  }
0x41a: {  	v44 =	vmul.f32 v37, v37;
	v37 =	vld [tilespmem:$0x1F050]  }
0x41b: {  	v54 =	vmul.f32 v39, v39;
	v2 =	vadd.f32 v48, v2;
	v48 =	vld [tilespmem:$0x1F210]  }
0x41c: {  	v0 =	vadd.f32 v0, v5;
	v5 =	vadd.f32 v35, v60;
	v35 =	vmul.f32 v7, v57;
	v57 =	vld [tilespmem:$0x1F1F0]  }
0x41d: {  	v1 =	vadd.f32 v54, v1;
	v22 =	vld.idx.msk [tilespmem:v47+s12+$0x0], $0xffff  }
0x41e: {  	v17 =	vmul.f32 v17, v18;
	v10 =	vmul.f32 v11, v10;
	v11 =	vld.idx.msk [tilespmem:v50+s14+$0x0], $0xffff  }
0x41f: {  	v9 =	vmul.f32 v9, v9;
	v39 =	vor.u32 v38, v28;
	v1 =	vadd.f32 v4, v1;
	v47 =	vld [tilespmem:$0x1F130]  }
0x420: {  	v6 =	vmul.f32 v6, v6;
	v50 =	vld [tilespmem:$0x1F120]  }
0x421: {  	v0 =	vadd.f32 v17, v0;
	v1 =	vadd.f32 v9, v1;
	v60 =	vmul.f32 v40, v59;
	v40 =	vld [tilespmem:$0x1F230]  }
0x422: {  	v56 =	vor.u32 v55, v28;
	v58 =	vor.u32 v55, v34;
	v55 =	vld [tilespmem:$0x1F420]  }
0x423: {  	v0 =	vadd.f32 v24, v0;
	v1 =	vadd.f32 v6, v1;
	v6 =	vld.idx.msk [tilespmem:v29+s14+$0x0], $0xffff  }
0x424: {  	v17 =	vmul.f32 v13, v42;
	v20 =	vmul.f32 v3, v49;
	v49 =	vld.idx.msk [tilespmem:v39+s12+$0x0], $0xffff  }
0x425: {  	v0 =	vadd.f32 v10, v0;
	v29 =	vld [tilespmem:$0x1F3D0]  }
0x426: {  	v53 =	vmul.f32 v53, v53;
	v39 =	vld [tilespmem:$0x1F170];
	v5 =	vadd.f32 v17, v5  }
0x427: {  	v0 =	vadd.f32 v60, v0;
	v1 =	vadd.f32 v36, v1;
	v36 =	vld [tilespmem:$0x1EFD0]  }
0x428: {  	v2 =	vadd.f32 v53, v2;
	v5 =	vadd.f32 v20, v5;
	v20 =	vld [tilespmem:$0x1EFF0]  }
0x429: {  	v0 =	vadd.f32 v32, v0;
	v32 =	vmul.f32 v25, v25;
	v25 =	vld [tilespmem:$0x1F0A0]  }
0x42a: {  	v42 =	vor.u32 v38, v34;
	v2 =	vadd.f32 v16, v2;
	v24 =	vld.idx.msk [tilespmem:v56+s12+$0x0], $0xffff  }
0x42b: {  	v9 =	vld.idx.msk [tilespmem:v58+s14+$0x0], $0xffff  }
0x42c: {  	v8 =	vmul.f32 v8, v8;
	v2 =	vadd.f32 v12, v2;
	v58 =	vld [tilespmem:$0x1F430]  }
0x42d: {  	v1 =	vadd.f32 v44, v1;
	v56 =	vmul.f32 v26, v26;
	v26 =	vmul.f32 v27, v27;
	v27 =	vld [tilespmem:$0x1F1B0]  }
0x42e: {  	v2 =	vadd.f32 v33, v2;
	v33 =	vld [tilespmem:$0x1F1A0]  }
0x42f: {  	v1 =	vadd.f32 v8, v1;
	v8 =	vld.idx.msk [tilespmem:v42+s14+$0x0], $0xffff  }
0x430: {  	v2 =	vadd.f32 v40, v2;
	v40 =	vld [tilespmem:$0x1F470]  }
0x431: {  	v31 =	vor.u32 v29, v28;
	v42 =	vld [tilespmem:$0x1F160]  }
0x432: {  	v18 =	vmul.f32 v37, v36;
	v36 =	vld [tilespmem:$0x1F3A0]  }
0x433: {  	v2 =	vadd.f32 v45, v2;
	v45 =	vld [tilespmem:$0x1EFC0]  }
0x434: {  	v17 =	vmul.f32 v52, v20;
	v52 =	vld [tilespmem:$0x1F0F0]  }
0x435: {  	v10 =	vmul.f32 v9, v24;
	v24 =	vld [tilespmem:$0x1F090]  }
0x436: {  	v1 =	vadd.f32 v56, v1;
	v16 =	vld.idx.msk [tilespmem:v31+s12+$0x0], $0xffff  }
0x437: {  	v2 =	vadd.f32 v48, v2;
	v48 =	vld [tilespmem:$0x1EFB0]  }
0x438: {  	v4 =	vadd.f32 v35, v5;
	v1 =	vadd.f32 v62, v1;
	v62 =	vld [tilespmem:$0x1F0B0]  }
0x439: {  	v59 =	vor.u32 v58, v28;
	v31 =	vld [tilespmem:$0x1EF90]  }
0x43a: {  	v60 =	vor.u32 v58, v34;
	v4 =	vadd.f32 v10, v4;
	v10 =	vmul.f32 v8, v49;
	v49 =	vld [tilespmem:$0x1F070]  }
0x43b: {  	v5 =	vmul.f32 v6, v41;
	v41 =	vor.u32 v40, v28;
	v43 =	vor.u32 v40, v34;
	v40 =	vld [tilespmem:$0x1EF80]  }
0x43c: {  	v53 =	vor.u32 v51, v34;
	v2 =	vadd.f32 v57, v2;
	v57 =	vld [tilespmem:$0x1F0E0]  }
0x43d: {  	v1 =	vadd.f32 v26, v1;
	v26 =	vld [tilespmem:$0x1F490]  }
0x43e: {  	v0 =	vadd.f32 v15, v0;
	v15 =	vld.idx.msk [tilespmem:v59+s12+$0x0], $0xffff  }
0x43f: {  	v58 =	vor.u32 v55, v34;
	v14 =	vld.idx.msk [tilespmem:v60+s14+$0x0], $0xffff  }
0x440: {  	v59 =	vld [tilespmem:$0x1F3F0]  }
0x441: {  	v2 =	vadd.f32 v21, v2;
	v21 =	vld.idx.msk [tilespmem:v53+s14+$0x0], $0xffff  }
0x442: {  	v35 =	vor.u32 v29, v34;
	v12 =	vmul.f32 v24, v23;
	v23 =	vld [tilespmem:$0x1EFA0]  }
0x443: {  	v24 =	vld [tilespmem:$0x1F0C0]  }
0x444: {  	v4 =	vadd.f32 v5, v4;
	v29 =	vld.idx.msk [tilespmem:v58+s14+$0x0], $0xffff  }
0x445: {  	v38 =	vmul.f32 v30, v30;
	v1 =	vadd.f32 v32, v1;
	v32 =	vld [tilespmem:$0x1F100];
	v2 =	vadd.f32 v27, v2  }
0x446: {  	v13 =	vmul.f32 v13, v13;
	v3 =	vmul.f32 v3, v3;
	v0 =	vadd.f32 v17, v0;
	v53 =	vld [tilespmem:$0x1F1C0]  }
0x447: {  	v6 =	vmul.f32 v6, v6;
	v4 =	vadd.f32 v10, v4;
	v10 =	vld.idx.msk [tilespmem:v35+s14+$0x0], $0xffff;
	v2 =	vadd.f32 v33, v2  }
0x448: {  	v5 =	vmul.f32 v11, v22;
	v0 =	vadd.f32 v12, v0;
	v1 =	vadd.f32 v38, v1;
	v12 =	vld.idx.msk [tilespmem:v41+s12+$0x0], $0xffff  }
0x449: {  	v56 =	vor.u32 v55, v28;
	v9 =	vmul.f32 v9, v9;
	v41 =	vld [tilespmem:$0x1F140];
	v2 =	vadd.f32 v39, v2  }
0x44a: {  	v37 =	vor.u32 v36, v28;
	v4 =	vadd.f32 v5, v4;
	v5 =	vld.idx.msk [tilespmem:v43+s14+$0x0], $0xffff;
	v1 =	vadd.f32 v13, v1  }
0x44b: {  	v38 =	vor.u32 v36, v34;
	v33 =	vld [tilespmem:$0x1F060];
	v44 =	vmul.f32 v14, v15;
	v2 =	vadd.f32 v42, v2  }
0x44c: {  	v15 =	vmul.f32 v46, v45;
	v45 =	vld [tilespmem:$0x1F0D0];
	v1 =	vadd.f32 v3, v1;
	v3 =	vmul.f32 v7, v7  }
0x44d: {  	v8 =	vmul.f32 v8, v8;
	v22 =	vmul.f32 v11, v11;
	v39 =	vld [tilespmem:$0x1F040];
	v2 =	vadd.f32 v47, v2  }
0x44e: {  	v7 =	vmul.f32 v49, v48;
	v48 =	vld [tilespmem:$0x1EF70];
	v1 =	vadd.f32 v3, v1;
	v3 =	vor.u32 v51, v28  }
0x44f: {  	v27 =	vor.u32 v26, v28;
	v35 =	vor.u32 v26, v34;
	v49 =	vld [tilespmem:$0x1F180];
	v2 =	vadd.f32 v50, v2  }
0x450: {  	v0 =	vadd.f32 v18, v0;
	v20 =	vor.u32 v59, v34;
	v4 =	vadd.f32 v44, v4;
	v44 =	vld.idx.msk [tilespmem:v37+s12+$0x0], $0xffff  }
0x451: {  	v11 =	vmul.f32 v24, v23;
	v46 =	vld.idx.msk [tilespmem:v38+s14+$0x0], $0xffff;
	v1 =	vadd.f32 v9, v1;
	v2 =	vadd.f32 v52, v2  }
0x452: {  	v60 =	vor.u32 v59, v28;
	v30 =	vmul.f32 v14, v14;
	v14 =	vmul.f32 v32, v31;
	v42 =	vld [tilespmem:$0x1F080]  }
0x453: {  	v54 =	vmul.f32 v10, v16;
	v1 =	vadd.f32 v6, v1;
	v3 =	vld.idx.msk [tilespmem:v3+s12+$0x0], $0xffff;
	v2 =	vadd.f32 v57, v2  }
0x454: {  	v10 =	vmul.f32 v10, v10;
	v0 =	vadd.f32 v15, v0;
	v12 =	vmul.f32 v5, v12;
	v43 =	vld.idx.msk [tilespmem:v35+s14+$0x0], $0xffff  }
0x455: {  	v5 =	vmul.f32 v5, v5;
	v9 =	vld.idx.msk [tilespmem:v56+s12+$0x0], $0xffff;
	v1 =	vadd.f32 v8, v1;
	v2 =	vadd.f32 v62, v2  }
0x456: {  	v4 =	vadd.f32 v54, v4;
	v0 =	vadd.f32 v7, v0;
	v7 =	vmul.f32 v21, v21;
	v16 =	vld.idx.msk [tilespmem:v20+s14+$0x0], $0xffff  }
0x457: {  	v47 =	vmul.f32 v29, v29;
	v6 =	vld.idx.msk [tilespmem:v60+s12+$0x0], $0xffff;
	v1 =	vadd.f32 v22, v1;
	v2 =	vadd.f32 v25, v2  }
0x458: {  	v56 =	vld [tilespmem:$0x1EF40];
	v4 =	vadd.f32 v12, v4;
	v0 =	vadd.f32 v11, v0;
	v3 =	vmul.f32 v21, v3  }
0x459: {  	v11 =	vmul.f32 v49, v48;
	v8 =	vld.idx.msk [tilespmem:v27+s12+$0x0], $0xffff;
	v1 =	vadd.f32 v30, v1;
	v2 =	vadd.f32 v33, v2  }
0x45a: {  	v50 =	vld [tilespmem:$0x1F110];
	v0 =	vadd.f32 v14, v0;
	v9 =	vmul.f32 v29, v9;
	v3 =	vadd.f32 v3, v4  }
0x45b: {  	v52 =	vld [tilespmem:$0x1EF60];
	v51 =	vmul.f32 v16, v16;
	v1 =	vadd.f32 v10, v1;
	v2 =	vadd.f32 v39, v2  }
0x45c: {  	v60 =	vld [tilespmem:$0x1F200];
	v6 =	vmul.f32 v16, v6;
	v4 =	vmul.f32 v41, v40;
	v3 =	vadd.f32 v9, v3  }
0x45d: {  	v57 =	vmul.f32 v46, v44;
	v1 =	vadd.f32 v5, v1;
	v2 =	vadd.f32 v42, v2  }
0x45e: {  	v54 =	vld [tilespmem:$0x1F150];
	v8 =	vmul.f32 v43, v8;
	v0 =	vadd.f32 v4, v0;
	v3 =	vadd.f32 v6, v3  }
0x45f: {  	v5 =	vmul.u32 $0x14, v56;
	v1 =	vadd.f32 v7, v1;
	v2 =	vadd.f32 v45, v2  }
0x460: {  	v58 =	vld [tilespmem:$0x1F190];
	v6 =	vmul.f32 v53, v52;
	v0 =	vadd.f32 v11, v0;
	v3 =	vadd.f32 v8, v3  }
0x461: {  	v5 =	vadd.s32 v60, v5;
	v1 =	vadd.f32 v47, v1;
	v2 =	vadd.f32 v50, v2  }
0x462: {  	v62 =	vld [tilespmem:$0x1F1D0];
	v0 =	vadd.f32 v6, v0;
	v3 =	vadd.f32 v57, v3  }
0x463: {  	v55 =	vmul.f32 v43, v43;
	v1 =	vadd.f32 v51, v1;
	v2 =	vadd.f32 v54, v2  }
0x464: {  	v0 =	vadd.f32 v3, v0  }
0x465: {  	v59 =	vmul.f32 v46, v46;
	v1 =	vadd.f32 v55, v1;
	v2 =	vadd.f32 v58, v2  }
0x466: {  	[tilespmem:v5+s16+$0x0] =	vst.idx.msk $0xffff, v0;
	v0 =	vld [tilespmem:$0x1F4A0]  }
0x467: {  	v1 =	vadd.f32 v59, v1;
	v2 =	vadd.f32 v62, v2;
	_ =	sdelay $0x1  }
0x468: {  	v1 =	vadd.f32 v1, v2;
	_ =	sdelay $0x1  }
0x469: {  	v0 =	vadd.f32 v1, v0  }
0x46a: {  	v16 =	vld [tilespmem:$0x1FE40]  }
0x46b: {  	v50 =	vld [tilespmem:$0x1FE50]  }
0x46c: {  	v20 =	vld [tilespmem:$0x1FE60]  }
0x46d: {  	v22 =	vld [tilespmem:$0x1FE80]  }
0x46e: {  	v24 =	vld [tilespmem:$0x1FEA0]  }
0x46f: {  	v12 =	vld [tilespmem:$0x1FEC0]  }
0x470: {  	v26 =	vld [tilespmem:$0x1FEE0]  }
0x471: {  	v32 =	vld [tilespmem:$0x1FF90]  }
0x472: {  	v27 =	vld [tilespmem:$0x1FFA0]  }
0x473: {  	v36 =	vld [tilespmem:$0x1FFB0]  }
0x474: {  	v29 =	vld [tilespmem:$0x1FFC0]  }
0x475: {  	v42 =	vld [tilespmem:$0x1FFD0]  }
0x476: {  	v38 =	vld [tilespmem:$0x1FFE0]  }
0x477: {  	v45 =	vld [tilespmem:$0x1FFF0]  }
0x478: {  	v40 =	vld [tilespmem:$0x1F9B0]  }
0x479: {  	v44 =	vld [tilespmem:$0x1F9C0]  }
0x47a: {  	v47 =	vld [tilespmem:$0x1F9D0]  }
0x47b: {  	v48 =	vld [tilespmem:$0x1F9E0]  }
0x47c: {  	v52 =	vld [tilespmem:$0x1F9F0]  }
0x47d: {  	v21 =	vld [tilespmem:$0x1FA00]  }
0x47e: {  	v54 =	vld [tilespmem:$0x1FA10]  }
0x47f: {  	v23 =	vld [tilespmem:$0x1FA20]  }
0x480: {  	v60 =	vld [tilespmem:$0x1F300]  }
0x481: {  	v30 =	vld [tilespmem:$0x1F310]  }
0x482: {  	v33 =	vld [tilespmem:$0x1F320]  }
0x483: {  	v37 =	vld [tilespmem:$0x1F330]  }
0x484: {  	p0 =	seq.s32 s19, $0x14;
	v59 =	vld [tilespmem:$0x1F340]  }
.Ltmp3:
0x485: {  	v17 =	vld [tilespmem:$0x1F350];
	(pc) =	sbr.rel @!p0 .LBB2_7-.Ltmp3, $4  }
0x486: {  	v18 =	vld [tilespmem:$0x1F360]  }
0x487: {  	v8 =	vld [tilespmem:$0x1F370]  }
0x488: {  	v9 =	vld [tilespmem:$0x1F380]  }
0x489: {  	v14 =	vld [tilespmem:$0x1F390];
	[tilespmem:$0x1F4A0] =	vst v0  }
0x48a: {  	[hbm4b:s7+s2] =	stream.linear.scatter [tilespmem:s16], [sflag:$0x4], $0xA00, $0x38;
	v0 =	vld [tilespmem:$0x1F2F0]  }
0x48b: {  	_ =	swait.ge [sflag:s10], $0xA00  }
0x48c: {  	v1 =	vld [tilespmem:$0x1F4A0];
	_ =	sdelay $0x2  }
0x48d: {  	v0 =	vmul.f32 $2.000000000e+01, v0;
	_ =	sdelay $0x1  }
0x48e: {  	[sflag:s10] =	ssyncset.done $0x0;
	v0 =	vadd.f32 v1, v0  }
0x48f: {  	[sflag:s10] =	ssyncadd.s32 $0xFFFFF600  }
0x490: {  	[tilespmem:$0x7E80] =	vst v0  }
0x491: {  	[hbm4b:s8+s2] =	stream.linear.scatter [tilespmem:s17], [sflag:$0x4], $0x10, $0x38;
	[tilespmem:$0x7E90] =	vst v63  }
0x492: {  	_ =	swait.ge [sflag:s10], $0x10  }
0x493: {  	v8 =	vld [tilespmem:$0x1FF00]  }
0x494: {  	s18 =	sadd.s32 $0x1, s18;
	v2 =	vld [tilespmem:$0x1FF10]  }
0x495: {  	p0 =	sne.s32 s18, s9;
	v10 =	vld [tilespmem:$0x1FF20]  }
.Ltmp4:
0x496: {  	v11 =	vld [tilespmem:$0x1FF30];
	(pc) =	sbr.rel @p0 .LBB2_1-.Ltmp4, $4  }
0x497: {  	v13 =	vld [tilespmem:$0x1FF40]  }
0x498: {  	v14 =	vld [tilespmem:$0x1FF50]  }
0x499: {  	[sflag:s10] =	ssyncset.done $0x0;
	v15 =	vld [tilespmem:$0x1FF60]  }
0x49a: {  	v17 =	vld [tilespmem:$0x1FF70];
	[sflag:s10] =	ssyncadd.s32 $0xFFFFFFF0  }
0x49b: {  	_ =	sfence.sel $0x180000  }
0x49c: {  	[bflag:$0x0] =	sbarrier.arrive $0xFFFF  }
0x49d: {  	p0 =	sne.s32 s1, $0x0;
	_ =	strace $0x90000047  }
0x49e: {  	s0 =	sadd.s32 @!p0 $0x100000, s0;
	[bflag:$0x2] =	sbarrier.arrive $0xFFFF  }
0x49f: {  	[sflag:s0] =	ssyncadd.tile.s32 @!p0 $0x1;
	_ =	shalt  }
.Lfunc_end2:
_tile_overlayer_lowered:
.L_overlay_start_2:
0x4a0: {  	(tag) =	ssettag $0x2  }
0x4a1: {  	s0 =	rddreg [dreg:$0x0];
	s2 =	stileid.u32  }
0x4a2: {  	s1 =	rddreg [dreg:$0x1];
	p0 =	sne.s32 s2, $0x0  }
0x4a3: {  	s3 =	rddreg [dreg:$0x2];
	[bflag:$0x3] =	sbarrier.arrive $0xFFFF;
	s2 =	simm.s32 @!p0 $0x1C04  }
0x4a4: {  	[timem:s3], [sflag:s2] =	dma.local @!p0 [hbm:s0], s1  }
0x4a5: {  	s0 =	simm.s32 @!p0 $0x4  }
0x4a6: {  	_ =	swait.ge @!p0 [sflag:s0], s1  }
0x4a7: {  	s1 =	ssub.s32 @!p0 $0x0, s1;
	[sflag:s0] =	ssyncset.done @!p0 $0x0  }
0x4a8: {  	[sflag:s0] =	ssyncadd.s32 @!p0 s1  }
0x4a9: {  	[bflag:$0x3] =	sbarrier.arrive $0xFFFF  }
0x4aa: {  	_ =	shalt  }

</sc_bundles>
